<compile_context>
chip_gen: v7x
topology: tpu7x:2x2x1
jax: 0.10.2.dev20260603
libtpu: 0.0.44.dev20260713+nightly
codegen_flags: <defaults>
</compile_context>

<pallas_src>
import functools

import jax
import jax.numpy as jnp
from jax import lax
from jax.experimental import pallas as pl
from jax.experimental.pallas import tpu as pltpu
from jax.experimental.pallas import tpu_sc as plsc

DIM = 64
NC = 2
NS = 16
L = 16
NW = NC * NS
CHUNK = 128



PBLK = 16384


def _pair_body(x_ref, o_ref):
    x = x_ref[...]
    o_ref[:, 0:DIM] = x[:, 0:PBLK // 2].T
    o_ref[:, DIM:2 * DIM] = x[:, PBLK // 2:PBLK].T


def _pairify_ent(xT):
    v = xT.shape[1]
    nblocks = (v + PBLK - 1) // PBLK
    return pl.pallas_call(
        _pair_body,
        grid=(nblocks,),
        in_specs=[pl.BlockSpec((DIM, PBLK), lambda i: (0, i))],
        out_specs=pl.BlockSpec((PBLK // 2, 2 * DIM), lambda i: (i, 0)),
        out_shape=jax.ShapeDtypeStruct(
            (nblocks * (PBLK // 2), 2 * DIM), jnp.float32),
    )(xT)


def _rel_pair_body(x_ref, o_ref):
    x = x_ref[...]
    half = x.shape[1] // 2
    o_ref[:, 0:DIM] = x[:, 0:half].T
    o_ref[:, DIM:2 * DIM] = x[:, half:2 * half].T


def _pairify_rel(xT):
    v = xT.shape[1]
    return pl.pallas_call(
        _rel_pair_body,
        grid=(1,),
        in_specs=[pl.BlockSpec((DIM, v), lambda i: (0, 0))],
        out_specs=pl.BlockSpec((v // 2, 2 * DIM), lambda i: (0, 0)),
        out_shape=jax.ShapeDtypeStruct((v // 2, 2 * DIM), jnp.float32),
    )(xT)



def _rsqrt(x):
    i = plsc.bitcast(x, jnp.int32)
    i = jnp.int32(0x5F3759DF) - lax.shift_right_logical(i, 1)
    y = plsc.bitcast(i, jnp.float32)
    for _ in range(3):
        y = y * (1.5 - 0.5 * x * y * y)
    return y


def _inv_norm(ss):
    n = ss * _rsqrt(ss)
    return 1.0 / jnp.maximum(n, 1e-12)


_PSH = PBLK.bit_length() - 1
_HMASK = PBLK // 2 - 1


def _ent_row(v):
    return lax.shift_left(lax.shift_right_logical(v, _PSH), _PSH - 1) + (v & _HMASK)


def _ent_off(v):
    return lax.shift_left(lax.shift_right_logical(v, _PSH - 1) & 1, 6)


def _make_score_kernel(B, rel_half):
    bpw = B // NW
    nchunks = bpw // CHUNK
    groups = CHUNK // L
    mesh = plsc.VectorSubcoreMesh(
        core_axis_name="c", subcore_axis_name="s", num_cores=NC,
        num_subcores=NS)

    @functools.partial(
        pl.kernel,
        out_type=jax.ShapeDtypeStruct((B,), jnp.float32),
        mesh=mesh,
        compiler_params=pltpu.CompilerParams(
            needs_layout_passes=False, use_tc_tiling_on_sc=True),
        scratch_types=[
            pltpu.VMEM((bpw,), jnp.int32),
            pltpu.VMEM((bpw,), jnp.int32),
            pltpu.VMEM((bpw,), jnp.int32),
            pltpu.VMEM((bpw,), jnp.int32),
            pltpu.VMEM((bpw,), jnp.int32),
            pltpu.VMEM((bpw,), jnp.int32),
            pltpu.VMEM((2 * CHUNK, 2 * DIM), jnp.float32),
            pltpu.VMEM((2 * CHUNK, 2 * DIM), jnp.float32),
            pltpu.VMEM((2 * CHUNK, 2 * DIM), jnp.float32),
            pltpu.VMEM((bpw,), jnp.float32),
            pltpu.SemaphoreType.DMA,
        ],
    )
    def k(h_hbm, r_hbm, t_hbm, pe_hbm, pr_hbm, out_hbm,
          hidx, tidx, ridx, hrow, trow, rrow,
          hbuf, tbuf, rbuf, outv, sem):
        wid = lax.axis_index("s") * NC + lax.axis_index("c")
        base = wid * bpw
        iota = lax.iota(jnp.int32, L)

        pltpu.sync_copy(h_hbm.at[pl.ds(base, bpw)], hidx)
        pltpu.sync_copy(t_hbm.at[pl.ds(base, bpw)], tidx)
        pltpu.sync_copy(r_hbm.at[pl.ds(base, bpw)], ridx)

        def row_body(g, carry):
            sl = pl.ds(g * L, L)
            hrow[sl] = _ent_row(hidx[sl])
            trow[sl] = _ent_row(tidx[sl])
            rv = ridx[sl]
            rrow[sl] = jnp.where(rv >= rel_half, rv - rel_half, rv)
            return carry

        lax.fori_loop(0, bpw // L, row_body, 0)

        def fire(c, slot):
            sl = pl.ds(c * CHUNK, CHUNK)
            dsl = pl.ds(slot * CHUNK, CHUNK)
            return (
                pltpu.async_copy(pe_hbm.at[hrow.at[sl]], hbuf.at[dsl], sem),
                pltpu.async_copy(pe_hbm.at[trow.at[sl]], tbuf.at[dsl], sem),
                pltpu.async_copy(pr_hbm.at[rrow.at[sl]], rbuf.at[dsl], sem),
            )

        def compute(c, slot):
            def group_body(g, carry):
                jj = iota + (slot * CHUNK + g * L)
                gsl = pl.ds(c * CHUNK + g * L, L)
                ho = _ent_off(hidx[gsl])
                to = _ent_off(tidx[gsl])
                ro = jnp.where(ridx[gsl] >= rel_half, DIM, 0)
                zero = jnp.zeros((L,), jnp.float32)

                def d_body(o, acc):
                    ssh, sst, ssr, dht, dhr, dtr = acc
                    for dd in range(8):
                        d = o * 8 + dd
                        hv = plsc.load_gather(hbuf, [jj, ho + d])
                        tv = plsc.load_gather(tbuf, [jj, to + d])
                        rv = plsc.load_gather(rbuf, [jj, ro + d])
                        ssh += hv * hv
                        sst += tv * tv
                        ssr += rv * rv
                        dht += hv * tv
                        dhr += hv * rv
                        dtr += tv * rv
                    return ssh, sst, ssr, dht, dhr, dtr

                ssh, sst, ssr, dht, dhr, dtr = lax.fori_loop(
                    0, DIM // 8, d_body, (zero,) * 6)
                a = _inv_norm(ssh)
                b = _inv_norm(sst)
                cc = _inv_norm(ssr)
                q = (ssh * a * a + sst * b * b + ssr * cc * cc
                     - 2.0 * ((a * b) * dht - (a * cc) * dhr + (b * cc) * dtr))
                qm = jnp.maximum(q, 0.0)
                outv[pl.ds(c * CHUNK + g * L, L)] = qm * _rsqrt(qm)
                return carry

            lax.fori_loop(0, groups, group_body, 0)

        pend = fire(0, 0)
        for c in range(nchunks):
            slot = c % 2
            nxt = None
            if c + 1 < nchunks:
                nxt = fire(c + 1, (c + 1) % 2)
            for cp in pend:
                cp.wait()
            compute(c, slot)
            pend = nxt

        pltpu.sync_copy(outv, out_hbm.at[pl.ds(base, bpw)])

    return k


def kernel(h, r, t, emb_entity, emb_relation):
    h = h.astype(jnp.int32)
    r = r.astype(jnp.int32)
    t = t.astype(jnp.int32)
    pe = _pairify_ent(emb_entity.T)
    pr = _pairify_rel(emb_relation.T)
    score = _make_score_kernel(h.shape[0], emb_relation.shape[0] // 2)
    return score(h, r, t, pe, pr)

# --- scband reference (transcript-rebuilt; emitter-appended) ---
"""Pipeline reference for scband-trans-e-42021960024275 (READ-ONLY COPY).

The authoritative reference and input builder live on the scoring server;
editing this copy changes nothing except your own understanding.
"""

import jax, jax.numpy as jnp
import numpy as np

ENT = 1000000
REL = 1000
DIM = 64
B = 16384

def _xavier_uniform(key, shape):
    fan_in, fan_out = shape[0], shape[1]
    limit = float(np.sqrt(6.0 / (fan_in + fan_out)))
    return jax.random.uniform(key, shape, dtype=jnp.float32, minval=-limit, maxval=limit)

def setup_inputs(seed: int = 0) -> dict:
    key = jax.random.key(seed)
    k1, k2, k3, k4, k5 = jax.random.split(key, 5)
    h = jax.random.randint(k1, (B,), 0, ENT, dtype=jnp.int64)
    r = jax.random.randint(k2, (B,), 0, REL, dtype=jnp.int64)
    t = jax.random.randint(k3, (B,), 0, ENT, dtype=jnp.int64)
    emb_entity = _xavier_uniform(k4, (ENT, DIM))
    emb_relation = _xavier_uniform(k5, (REL, DIM))
    return {"h": h, "r": r, "t": t, "emb_entity": emb_entity, "emb_relation": emb_relation}

def _normalize(x, p=2, eps=1e-12):
    # matches torch.nn.functional.normalize: x / max(||x||_p, eps)
    norm = jnp.sum(jnp.abs(x) ** p, axis=-1, keepdims=True) ** (1.0 / p)
    return x / jnp.maximum(norm, eps)

def reference(h, r, t, emb_entity, emb_relation):
    h_emb = jnp.take(emb_entity, h, axis=0)
    r_emb = jnp.take(emb_relation, r, axis=0)
    t_emb = jnp.take(emb_entity, t, axis=0)
    h_emb = _normalize(h_emb, p=2)
    r_emb = _normalize(r_emb, p=2)
    t_emb = _normalize(t_emb, p=2)
    res = h_emb - t_emb + r_emb
    # torch.norm with p=2 along dim=-1
    return jnp.sqrt(jnp.sum(res * res, axis=-1))

if __name__ == "__main__":
    import jax
    _d = setup_inputs()
    print(jax.jit(kernel)(*tuple(_d.values())))

</pallas_src>

<mosaic_0001>
#map = affine_map<(d0, d1) -> (0)>
#map1 = affine_map<(d0, d1) -> (0, 0)>
module attributes {stable_mosaic.version = 14 : i64} {
  func.func @k(%arg0: i32, %arg1: i32, %arg2: memref<16384xi32, #tpu.memory_space<hbm>>, %arg3: memref<16384xi32, #tpu.memory_space<hbm>>, %arg4: memref<16384xi32, #tpu.memory_space<hbm>>, %arg5: memref<507904x128xf32, #tpu.memory_space<hbm>>, %arg6: memref<500x128xf32, #tpu.memory_space<hbm>>, %arg7: memref<16384xf32, #tpu.memory_space<hbm>>, %arg8: memref<512xi32, #tpu.memory_space<vmem>>, %arg9: memref<512xi32, #tpu.memory_space<vmem>>, %arg10: memref<512xi32, #tpu.memory_space<vmem>>, %arg11: memref<512xi32, #tpu.memory_space<vmem>>, %arg12: memref<512xi32, #tpu.memory_space<vmem>>, %arg13: memref<512xi32, #tpu.memory_space<vmem>>, %arg14: memref<256x128xf32, #tpu.memory_space<vmem>>, %arg15: memref<256x128xf32, #tpu.memory_space<vmem>>, %arg16: memref<256x128xf32, #tpu.memory_space<vmem>>, %arg17: memref<512xf32, #tpu.memory_space<vmem>>, %arg18: memref<!tpu.dma_semaphore, #tpu.memory_space<semaphore_mem>>) attributes {dimension_semantics = [#tpu.dimension_semantics<core_parallel>, #tpu.dimension_semantics<subcore_parallel>], iteration_bounds = array<i64: 2, 16>, scalar_prefetch = 0 : i64, scratch_operands = 11 : i64, tpu.core_type = #tpu.core_type<sc_vector_subcore>, window_params = [{transform_indices = #map}, {transform_indices = #map}, {transform_indices = #map}, {transform_indices = #map1}, {transform_indices = #map1}, {transform_indices = #map}]} {
    %mul3A = arith.constant 2 : i32
    %mul3A_0 = arith.muli %arg1, %mul3A : i32
    %add3A = arith.addi %mul3A_0, %arg0 : i32
    %mul3A_1 = arith.constant 512 : i32
    %mul3A_2 = arith.muli %add3A, %mul3A_1 : i32
    %iota3A = tpu.iota {dimensions = array<i32: 0>} : vector<16xi32>
    "tpu.region"() ({
      %run_scoped3A = tpu.sem_alloc : memref<!tpu.dma_semaphore, #tpu.memory_space<semaphore_mem>>
      %dma_start3A_222 = tpu.memref_slice %arg2[%mul3A_2] : memref<16384xi32, #tpu.memory_space<hbm>> -> memref<512xi32, #tpu.memory_space<hbm>>
      %dma_start3A_223 = tpu.memref_slice %arg2[%mul3A_2] : memref<16384xi32, #tpu.memory_space<hbm>> -> memref<512xi32, #tpu.memory_space<hbm>>
      tpu.enqueue_dma source(%dma_start3A_223 : memref<512xi32, #tpu.memory_space<hbm>>) target(%arg8 : memref<512xi32, #tpu.memory_space<vmem>>) target_semaphore(%run_scoped3A : memref<!tpu.dma_semaphore, #tpu.memory_space<semaphore_mem>>)
      %dma_wait3A_224 = tpu.memref_slice %arg2[%mul3A_2] : memref<16384xi32, #tpu.memory_space<hbm>> -> memref<512xi32, #tpu.memory_space<hbm>>
      %dma_wait3A_225 = tpu.memref_slice %arg2[%mul3A_2] : memref<16384xi32, #tpu.memory_space<hbm>> -> memref<512xi32, #tpu.memory_space<hbm>>
      tpu.wait_dma2 semaphore(%run_scoped3A : memref<!tpu.dma_semaphore, #tpu.memory_space<semaphore_mem>>) src(%dma_wait3A_225 : memref<512xi32, #tpu.memory_space<hbm>>) dst(%arg8 : memref<512xi32, #tpu.memory_space<vmem>>)
      tpu.yield
    }) : () -> ()
    "tpu.region"() ({
      %run_scoped3A = tpu.sem_alloc : memref<!tpu.dma_semaphore, #tpu.memory_space<semaphore_mem>>
      %dma_start3A_222 = tpu.memref_slice %arg4[%mul3A_2] : memref<16384xi32, #tpu.memory_space<hbm>> -> memref<512xi32, #tpu.memory_space<hbm>>
      %dma_start3A_223 = tpu.memref_slice %arg4[%mul3A_2] : memref<16384xi32, #tpu.memory_space<hbm>> -> memref<512xi32, #tpu.memory_space<hbm>>
      tpu.enqueue_dma source(%dma_start3A_223 : memref<512xi32, #tpu.memory_space<hbm>>) target(%arg9 : memref<512xi32, #tpu.memory_space<vmem>>) target_semaphore(%run_scoped3A : memref<!tpu.dma_semaphore, #tpu.memory_space<semaphore_mem>>)
      %dma_wait3A_224 = tpu.memref_slice %arg4[%mul3A_2] : memref<16384xi32, #tpu.memory_space<hbm>> -> memref<512xi32, #tpu.memory_space<hbm>>
      %dma_wait3A_225 = tpu.memref_slice %arg4[%mul3A_2] : memref<16384xi32, #tpu.memory_space<hbm>> -> memref<512xi32, #tpu.memory_space<hbm>>
      tpu.wait_dma2 semaphore(%run_scoped3A : memref<!tpu.dma_semaphore, #tpu.memory_space<semaphore_mem>>) src(%dma_wait3A_225 : memref<512xi32, #tpu.memory_space<hbm>>) dst(%arg9 : memref<512xi32, #tpu.memory_space<vmem>>)
      tpu.yield
    }) : () -> ()
    "tpu.region"() ({
      %run_scoped3A = tpu.sem_alloc : memref<!tpu.dma_semaphore, #tpu.memory_space<semaphore_mem>>
      %dma_start3A_222 = tpu.memref_slice %arg3[%mul3A_2] : memref<16384xi32, #tpu.memory_space<hbm>> -> memref<512xi32, #tpu.memory_space<hbm>>
      %dma_start3A_223 = tpu.memref_slice %arg3[%mul3A_2] : memref<16384xi32, #tpu.memory_space<hbm>> -> memref<512xi32, #tpu.memory_space<hbm>>
      tpu.enqueue_dma source(%dma_start3A_223 : memref<512xi32, #tpu.memory_space<hbm>>) target(%arg10 : memref<512xi32, #tpu.memory_space<vmem>>) target_semaphore(%run_scoped3A : memref<!tpu.dma_semaphore, #tpu.memory_space<semaphore_mem>>)
      %dma_wait3A_224 = tpu.memref_slice %arg3[%mul3A_2] : memref<16384xi32, #tpu.memory_space<hbm>> -> memref<512xi32, #tpu.memory_space<hbm>>
      %dma_wait3A_225 = tpu.memref_slice %arg3[%mul3A_2] : memref<16384xi32, #tpu.memory_space<hbm>> -> memref<512xi32, #tpu.memory_space<hbm>>
      tpu.wait_dma2 semaphore(%run_scoped3A : memref<!tpu.dma_semaphore, #tpu.memory_space<semaphore_mem>>) src(%dma_wait3A_225 : memref<512xi32, #tpu.memory_space<hbm>>) dst(%arg10 : memref<512xi32, #tpu.memory_space<vmem>>)
      tpu.yield
    }) : () -> ()
    %scan3A = arith.constant 0 : i32
    %scan3A_3 = arith.constant 0 : i32
    %scan3A_4 = arith.constant 32 : i32
    %scan3A_5 = arith.addi %scan3A_3, %scan3A_4 : i32
    %scan3A_6 = arith.constant 1 : i32
    scf.for %scan3A_222 = %scan3A_3 to %scan3A_5 step %scan3A_6  : i32 {
      %mul3A_223 = arith.constant 16 : i32
      %mul3A_224 = arith.muli %scan3A_222, %mul3A_223 : i32
      %get3A = arith.index_cast %mul3A_224 : i32 to index
      %get3A_225 = tpu.vector_load %arg8[%get3A] {strides = array<i32>} : memref<512xi32, #tpu.memory_space<vmem>>, vector<16xi32>,
      %shift_right_logical3A = arith.constant 14 : i32
      %shift_right_logical3A_226 = vector.broadcast %shift_right_logical3A : i32 to vector<16xi32>
      %shift_right_logical3A_227 = arith.shrui %get3A_225, %shift_right_logical3A_226 : vector<16xi32>
      %shift_left3A = arith.constant 13 : i32
      %shift_left3A_228 = vector.broadcast %shift_left3A : i32 to vector<16xi32>
      %shift_left3A_229 = arith.shli %shift_right_logical3A_227, %shift_left3A_228 : vector<16xi32>
      %and3A = arith.constant 8191 : i32
      %and3A_230 = vector.broadcast %and3A : i32 to vector<16xi32>
      %and3A_231 = arith.andi %get3A_225, %and3A_230 : vector<16xi32>
      %add3A_232 = arith.addi %shift_left3A_229, %and3A_231 : vector<16xi32>
      %swap3A = arith.index_cast %mul3A_224 : i32 to index
      %swap3A_233 = tpu.vector_load %arg11[%swap3A] {strides = array<i32>} : memref<512xi32, #tpu.memory_space<vmem>>, vector<16xi32>,
      tpu.vector_store %arg11[%swap3A], %add3A_232 {strides = array<i32>} : memref<512xi32, #tpu.memory_space<vmem>>, vector<16xi32>,
      %get3A_234 = arith.index_cast %mul3A_224 : i32 to index
      %get3A_235 = tpu.vector_load %arg9[%get3A_234] {strides = array<i32>} : memref<512xi32, #tpu.memory_space<vmem>>, vector<16xi32>,
      %shift_right_logical3A_236 = arith.constant 14 : i32
      %shift_right_logical3A_237 = vector.broadcast %shift_right_logical3A_236 : i32 to vector<16xi32>
      %shift_right_logical3A_238 = arith.shrui %get3A_235, %shift_right_logical3A_237 : vector<16xi32>
      %shift_left3A_239 = arith.constant 13 : i32
      %shift_left3A_240 = vector.broadcast %shift_left3A_239 : i32 to vector<16xi32>
      %shift_left3A_241 = arith.shli %shift_right_logical3A_238, %shift_left3A_240 : vector<16xi32>
      %and3A_242 = arith.constant 8191 : i32
      %and3A_243 = vector.broadcast %and3A_242 : i32 to vector<16xi32>
      %and3A_244 = arith.andi %get3A_235, %and3A_243 : vector<16xi32>
      %add3A_245 = arith.addi %shift_left3A_241, %and3A_244 : vector<16xi32>
      %swap3A_246 = arith.index_cast %mul3A_224 : i32 to index
      %swap3A_247 = tpu.vector_load %arg12[%swap3A_246] {strides = array<i32>} : memref<512xi32, #tpu.memory_space<vmem>>, vector<16xi32>,
      tpu.vector_store %arg12[%swap3A_246], %add3A_245 {strides = array<i32>} : memref<512xi32, #tpu.memory_space<vmem>>, vector<16xi32>,
      %get3A_248 = arith.index_cast %mul3A_224 : i32 to index
      %get3A_249 = tpu.vector_load %arg10[%get3A_248] {strides = array<i32>} : memref<512xi32, #tpu.memory_space<vmem>>, vector<16xi32>,
      %ge3A = arith.constant 500 : i32
      %ge3A_250 = vector.broadcast %ge3A : i32 to vector<16xi32>
      %ge3A_251 = arith.cmpi sge, %get3A_249, %ge3A_250 : vector<16xi32>
      %sub3A = arith.constant 500 : i32
      %sub3A_252 = vector.broadcast %sub3A : i32 to vector<16xi32>
      %sub3A_253 = arith.subi %get3A_249, %sub3A_252 : vector<16xi32>
      %select_n3A = arith.select %ge3A_251, %sub3A_253, %get3A_249 : vector<16xi1>, vector<16xi32>
      %swap3A_254 = arith.index_cast %mul3A_224 : i32 to index
      %swap3A_255 = tpu.vector_load %arg13[%swap3A_254] {strides = array<i32>} : memref<512xi32, #tpu.memory_space<vmem>>, vector<16xi32>,
      tpu.vector_store %arg13[%swap3A_254], %select_n3A {strides = array<i32>} : memref<512xi32, #tpu.memory_space<vmem>>, vector<16xi32>,
    }
    %scan3A_7 = arith.constant 32 : i32
    %dma_start3A = arith.constant 0 : i32
    %dma_start3A_8 = arith.constant 0 : i32
    %dma_start3A_9 = tpu.memref_slice %arg14[%dma_start3A, %dma_start3A_8] : memref<256x128xf32, #tpu.memory_space<vmem>> -> memref<128x128xf32, #tpu.memory_space<vmem>>
    %dma_start3A_10 = arith.constant 0 : i32
    %dma_start3A_11 = tpu.memref_slice %arg11[%dma_start3A_10] : memref<512xi32, #tpu.memory_space<vmem>> -> memref<128xi32, #tpu.memory_space<vmem>>
    %dma_start3A_12 = arith.constant 0 : i32
    %dma_start3A_13 = arith.constant 0 : i32
    %dma_start3A_14 = tpu.memref_slice %arg5[%dma_start3A_12, %dma_start3A_13] : memref<507904x128xf32, #tpu.memory_space<hbm>> -> memref<507904x128xf32, #tpu.memory_space<hbm>>
    tpu.enqueue_indirect_dma source(%dma_start3A_14 : memref<507904x128xf32, #tpu.memory_space<hbm>>) target(%dma_start3A_9 : memref<128x128xf32, #tpu.memory_space<vmem>>) offsets(%dma_start3A_11 : memref<128xi32, #tpu.memory_space<vmem>>) semaphore(%arg18 : memref<!tpu.dma_semaphore, #tpu.memory_space<semaphore_mem>>)
    %dma_start3A_15 = arith.constant 0 : i32
    %dma_start3A_16 = arith.constant 0 : i32
    %dma_start3A_17 = tpu.memref_slice %arg15[%dma_start3A_15, %dma_start3A_16] : memref<256x128xf32, #tpu.memory_space<vmem>> -> memref<128x128xf32, #tpu.memory_space<vmem>>
    %dma_start3A_18 = arith.constant 0 : i32
    %dma_start3A_19 = tpu.memref_slice %arg12[%dma_start3A_18] : memref<512xi32, #tpu.memory_space<vmem>> -> memref<128xi32, #tpu.memory_space<vmem>>
    %dma_start3A_20 = arith.constant 0 : i32
    %dma_start3A_21 = arith.constant 0 : i32
    %dma_start3A_22 = tpu.memref_slice %arg5[%dma_start3A_20, %dma_start3A_21] : memref<507904x128xf32, #tpu.memory_space<hbm>> -> memref<507904x128xf32, #tpu.memory_space<hbm>>
    tpu.enqueue_indirect_dma source(%dma_start3A_22 : memref<507904x128xf32, #tpu.memory_space<hbm>>) target(%dma_start3A_17 : memref<128x128xf32, #tpu.memory_space<vmem>>) offsets(%dma_start3A_19 : memref<128xi32, #tpu.memory_space<vmem>>) semaphore(%arg18 : memref<!tpu.dma_semaphore, #tpu.memory_space<semaphore_mem>>)
    %dma_start3A_23 = arith.constant 0 : i32
    %dma_start3A_24 = arith.constant 0 : i32
    %dma_start3A_25 = tpu.memref_slice %arg16[%dma_start3A_23, %dma_start3A_24] : memref<256x128xf32, #tpu.memory_space<vmem>> -> memref<128x128xf32, #tpu.memory_space<vmem>>
    %dma_start3A_26 = arith.constant 0 : i32
    %dma_start3A_27 = tpu.memref_slice %arg13[%dma_start3A_26] : memref<512xi32, #tpu.memory_space<vmem>> -> memref<128xi32, #tpu.memory_space<vmem>>
    %dma_start3A_28 = arith.constant 0 : i32
    %dma_start3A_29 = arith.constant 0 : i32
    %dma_start3A_30 = tpu.memref_slice %arg6[%dma_start3A_28, %dma_start3A_29] : memref<500x128xf32, #tpu.memory_space<hbm>> -> memref<500x128xf32, #tpu.memory_space<hbm>>
    tpu.enqueue_indirect_dma source(%dma_start3A_30 : memref<500x128xf32, #tpu.memory_space<hbm>>) target(%dma_start3A_25 : memref<128x128xf32, #tpu.memory_space<vmem>>) offsets(%dma_start3A_27 : memref<128xi32, #tpu.memory_space<vmem>>) semaphore(%arg18 : memref<!tpu.dma_semaphore, #tpu.memory_space<semaphore_mem>>)
    %dma_start3A_31 = arith.constant 128 : i32
    %dma_start3A_32 = arith.constant 0 : i32
    %dma_start3A_33 = tpu.memref_slice %arg14[%dma_start3A_31, %dma_start3A_32] : memref<256x128xf32, #tpu.memory_space<vmem>> -> memref<128x128xf32, #tpu.memory_space<vmem>>
    %dma_start3A_34 = arith.constant 128 : i32
    %dma_start3A_35 = tpu.memref_slice %arg11[%dma_start3A_34] : memref<512xi32, #tpu.memory_space<vmem>> -> memref<128xi32, #tpu.memory_space<vmem>>
    %dma_start3A_36 = arith.constant 0 : i32
    %dma_start3A_37 = arith.constant 0 : i32
    %dma_start3A_38 = tpu.memref_slice %arg5[%dma_start3A_36, %dma_start3A_37] : memref<507904x128xf32, #tpu.memory_space<hbm>> -> memref<507904x128xf32, #tpu.memory_space<hbm>>
    tpu.enqueue_indirect_dma source(%dma_start3A_38 : memref<507904x128xf32, #tpu.memory_space<hbm>>) target(%dma_start3A_33 : memref<128x128xf32, #tpu.memory_space<vmem>>) offsets(%dma_start3A_35 : memref<128xi32, #tpu.memory_space<vmem>>) semaphore(%arg18 : memref<!tpu.dma_semaphore, #tpu.memory_space<semaphore_mem>>)
    %dma_start3A_39 = arith.constant 128 : i32
    %dma_start3A_40 = arith.constant 0 : i32
    %dma_start3A_41 = tpu.memref_slice %arg15[%dma_start3A_39, %dma_start3A_40] : memref<256x128xf32, #tpu.memory_space<vmem>> -> memref<128x128xf32, #tpu.memory_space<vmem>>
    %dma_start3A_42 = arith.constant 128 : i32
    %dma_start3A_43 = tpu.memref_slice %arg12[%dma_start3A_42] : memref<512xi32, #tpu.memory_space<vmem>> -> memref<128xi32, #tpu.memory_space<vmem>>
    %dma_start3A_44 = arith.constant 0 : i32
    %dma_start3A_45 = arith.constant 0 : i32
    %dma_start3A_46 = tpu.memref_slice %arg5[%dma_start3A_44, %dma_start3A_45] : memref<507904x128xf32, #tpu.memory_space<hbm>> -> memref<507904x128xf32, #tpu.memory_space<hbm>>
    tpu.enqueue_indirect_dma source(%dma_start3A_46 : memref<507904x128xf32, #tpu.memory_space<hbm>>) target(%dma_start3A_41 : memref<128x128xf32, #tpu.memory_space<vmem>>) offsets(%dma_start3A_43 : memref<128xi32, #tpu.memory_space<vmem>>) semaphore(%arg18 : memref<!tpu.dma_semaphore, #tpu.memory_space<semaphore_mem>>)
    %dma_start3A_47 = arith.constant 128 : i32
    %dma_start3A_48 = arith.constant 0 : i32
    %dma_start3A_49 = tpu.memref_slice %arg16[%dma_start3A_47, %dma_start3A_48] : memref<256x128xf32, #tpu.memory_space<vmem>> -> memref<128x128xf32, #tpu.memory_space<vmem>>
    %dma_start3A_50 = arith.constant 128 : i32
    %dma_start3A_51 = tpu.memref_slice %arg13[%dma_start3A_50] : memref<512xi32, #tpu.memory_space<vmem>> -> memref<128xi32, #tpu.memory_space<vmem>>
    %dma_start3A_52 = arith.constant 0 : i32
    %dma_start3A_53 = arith.constant 0 : i32
    %dma_start3A_54 = tpu.memref_slice %arg6[%dma_start3A_52, %dma_start3A_53] : memref<500x128xf32, #tpu.memory_space<hbm>> -> memref<500x128xf32, #tpu.memory_space<hbm>>
    tpu.enqueue_indirect_dma source(%dma_start3A_54 : memref<500x128xf32, #tpu.memory_space<hbm>>) target(%dma_start3A_49 : memref<128x128xf32, #tpu.memory_space<vmem>>) offsets(%dma_start3A_51 : memref<128xi32, #tpu.memory_space<vmem>>) semaphore(%arg18 : memref<!tpu.dma_semaphore, #tpu.memory_space<semaphore_mem>>)
    %dma_wait3A = arith.constant 0 : i32
    %dma_wait3A_55 = arith.constant 0 : i32
    %dma_wait3A_56 = tpu.memref_slice %arg14[%dma_wait3A, %dma_wait3A_55] : memref<256x128xf32, #tpu.memory_space<vmem>> -> memref<128x128xf32, #tpu.memory_space<vmem>>
    %dma_wait3A_57 = arith.constant 0 : i32
    %dma_wait3A_58 = tpu.memref_slice %arg11[%dma_wait3A_57] : memref<512xi32, #tpu.memory_space<vmem>> -> memref<128xi32, #tpu.memory_space<vmem>>
    %dma_wait3A_59 = arith.constant 0 : i32
    %dma_wait3A_60 = arith.constant 0 : i32
    %dma_wait3A_61 = tpu.memref_slice %arg5[%dma_wait3A_59, %dma_wait3A_60] : memref<507904x128xf32, #tpu.memory_space<hbm>> -> memref<507904x128xf32, #tpu.memory_space<hbm>>
    tpu.wait_indirect_dma semaphore(%arg18 : memref<!tpu.dma_semaphore, #tpu.memory_space<semaphore_mem>>) src(%dma_wait3A_61 : memref<507904x128xf32, #tpu.memory_space<hbm>>) dst(%dma_wait3A_56 : memref<128x128xf32, #tpu.memory_space<vmem>>)
    %dma_wait3A_62 = arith.constant 0 : i32
    %dma_wait3A_63 = arith.constant 0 : i32
    %dma_wait3A_64 = tpu.memref_slice %arg15[%dma_wait3A_62, %dma_wait3A_63] : memref<256x128xf32, #tpu.memory_space<vmem>> -> memref<128x128xf32, #tpu.memory_space<vmem>>
    %dma_wait3A_65 = arith.constant 0 : i32
    %dma_wait3A_66 = tpu.memref_slice %arg12[%dma_wait3A_65] : memref<512xi32, #tpu.memory_space<vmem>> -> memref<128xi32, #tpu.memory_space<vmem>>
    %dma_wait3A_67 = arith.constant 0 : i32
    %dma_wait3A_68 = arith.constant 0 : i32
    %dma_wait3A_69 = tpu.memref_slice %arg5[%dma_wait3A_67, %dma_wait3A_68] : memref<507904x128xf32, #tpu.memory_space<hbm>> -> memref<507904x128xf32, #tpu.memory_space<hbm>>
    tpu.wait_indirect_dma semaphore(%arg18 : memref<!tpu.dma_semaphore, #tpu.memory_space<semaphore_mem>>) src(%dma_wait3A_69 : memref<507904x128xf32, #tpu.memory_space<hbm>>) dst(%dma_wait3A_64 : memref<128x128xf32, #tpu.memory_space<vmem>>)
    %dma_wait3A_70 = arith.constant 0 : i32
    %dma_wait3A_71 = arith.constant 0 : i32
    %dma_wait3A_72 = tpu.memref_slice %arg16[%dma_wait3A_70, %dma_wait3A_71] : memref<256x128xf32, #tpu.memory_space<vmem>> -> memref<128x128xf32, #tpu.memory_space<vmem>>
    %dma_wait3A_73 = arith.constant 0 : i32
    %dma_wait3A_74 = tpu.memref_slice %arg13[%dma_wait3A_73] : memref<512xi32, #tpu.memory_space<vmem>> -> memref<128xi32, #tpu.memory_space<vmem>>
    %dma_wait3A_75 = arith.constant 0 : i32
    %dma_wait3A_76 = arith.constant 0 : i32
    %dma_wait3A_77 = tpu.memref_slice %arg6[%dma_wait3A_75, %dma_wait3A_76] : memref<500x128xf32, #tpu.memory_space<hbm>> -> memref<500x128xf32, #tpu.memory_space<hbm>>
    tpu.wait_indirect_dma semaphore(%arg18 : memref<!tpu.dma_semaphore, #tpu.memory_space<semaphore_mem>>) src(%dma_wait3A_77 : memref<500x128xf32, #tpu.memory_space<hbm>>) dst(%dma_wait3A_72 : memref<128x128xf32, #tpu.memory_space<vmem>>)
    %scan3A_78 = arith.constant 0 : i32
    %scan3A_79 = arith.constant 0 : i32
    %scan3A_80 = arith.constant 8 : i32
    %scan3A_81 = arith.addi %scan3A_79, %scan3A_80 : i32
    %scan3A_82 = arith.constant 1 : i32
    scf.for %scan3A_222 = %scan3A_79 to %scan3A_81 step %scan3A_82  : i32 {
      %mul3A_223 = arith.constant 16 : i32
      %mul3A_224 = arith.muli %scan3A_222, %mul3A_223 : i32
      %add3A_225 = arith.constant 0 : i32
      %add3A_226 = arith.addi %add3A_225, %mul3A_224 : i32
      %add3A_227 = vector.broadcast %add3A_226 : i32 to vector<16xi32>
      %add3A_228 = arith.addi %iota3A, %add3A_227 : vector<16xi32>
      %mul3A_229 = arith.constant 16 : i32
      %mul3A_230 = arith.muli %scan3A_222, %mul3A_229 : i32
      %add3A_231 = arith.constant 0 : i32
      %add3A_232 = arith.addi %add3A_231, %mul3A_230 : i32
      %get3A = arith.index_cast %add3A_232 : i32 to index
      %get3A_233 = tpu.vector_load %arg8[%get3A] {strides = array<i32>} : memref<512xi32, #tpu.memory_space<vmem>>, vector<16xi32>,
      %shift_right_logical3A = arith.constant 13 : i32
      %shift_right_logical3A_234 = vector.broadcast %shift_right_logical3A : i32 to vector<16xi32>
      %shift_right_logical3A_235 = arith.shrui %get3A_233, %shift_right_logical3A_234 : vector<16xi32>
      %and3A = arith.constant 1 : i32
      %and3A_236 = vector.broadcast %and3A : i32 to vector<16xi32>
      %and3A_237 = arith.andi %shift_right_logical3A_235, %and3A_236 : vector<16xi32>
      %shift_left3A = arith.constant 6 : i32
      %shift_left3A_238 = vector.broadcast %shift_left3A : i32 to vector<16xi32>
      %shift_left3A_239 = arith.shli %and3A_237, %shift_left3A_238 : vector<16xi32>
      %get3A_240 = arith.index_cast %add3A_232 : i32 to index
      %get3A_241 = tpu.vector_load %arg9[%get3A_240] {strides = array<i32>} : memref<512xi32, #tpu.memory_space<vmem>>, vector<16xi32>,
      %shift_right_logical3A_242 = arith.constant 13 : i32
      %shift_right_logical3A_243 = vector.broadcast %shift_right_logical3A_242 : i32 to vector<16xi32>
      %shift_right_logical3A_244 = arith.shrui %get3A_241, %shift_right_logical3A_243 : vector<16xi32>
      %and3A_245 = arith.constant 1 : i32
      %and3A_246 = vector.broadcast %and3A_245 : i32 to vector<16xi32>
      %and3A_247 = arith.andi %shift_right_logical3A_244, %and3A_246 : vector<16xi32>
      %shift_left3A_248 = arith.constant 6 : i32
      %shift_left3A_249 = vector.broadcast %shift_left3A_248 : i32 to vector<16xi32>
      %shift_left3A_250 = arith.shli %and3A_247, %shift_left3A_249 : vector<16xi32>
      %get3A_251 = arith.index_cast %add3A_232 : i32 to index
      %get3A_252 = tpu.vector_load %arg10[%get3A_251] {strides = array<i32>} : memref<512xi32, #tpu.memory_space<vmem>>, vector<16xi32>,
      %ge3A = arith.constant 500 : i32
      %ge3A_253 = vector.broadcast %ge3A : i32 to vector<16xi32>
      %ge3A_254 = arith.cmpi sge, %get3A_252, %ge3A_253 : vector<16xi32>
      %jit3A = arith.constant 64 : i32
      %jit3A_255 = arith.constant 0 : i32
      %broadcast_in_dim3A = vector.broadcast %jit3A : i32 to vector<16xi32>
      %broadcast_in_dim3A_256 = vector.broadcast %jit3A_255 : i32 to vector<16xi32>
      %select_n3A = arith.select %ge3A_254, %broadcast_in_dim3A, %broadcast_in_dim3A_256 : vector<16xi1>, vector<16xi32>
      %broadcast_in_dim3A_257 = arith.constant 0.000000e+00 : f32
      %broadcast_in_dim3A_258 = vector.broadcast %broadcast_in_dim3A_257 : f32 to vector<16xf32>
      %scan3A_259 = arith.constant 0 : i32
      %scan3A_260 = arith.constant 8 : i32
      %scan3A_261 = arith.addi %scan3A_259, %scan3A_260 : i32
      %scan3A_262 = arith.constant 1 : i32
      %scan3A_263:6 = scf.for %scan3A_451 = %scan3A_259 to %scan3A_261 step %scan3A_262 iter_args(%scan3A_452 = %broadcast_in_dim3A_258, %scan3A_453 = %broadcast_in_dim3A_258, %scan3A_454 = %broadcast_in_dim3A_258, %scan3A_455 = %broadcast_in_dim3A_258, %scan3A_456 = %broadcast_in_dim3A_258, %scan3A_457 = %broadcast_in_dim3A_258) -> (vector<16xf32>, vector<16xf32>, vector<16xf32>, vector<16xf32>, vector<16xf32>, vector<16xf32>)  : i32 {
        %mul3A_458 = arith.constant 8 : i32
        %mul3A_459 = arith.muli %scan3A_451, %mul3A_458 : i32
        %add3A_460 = arith.constant 0 : i32
        %add3A_461 = arith.addi %mul3A_459, %add3A_460 : i32
        %add3A_462 = vector.broadcast %add3A_461 : i32 to vector<16xi32>
        %add3A_463 = arith.addi %shift_left3A_239, %add3A_462 : vector<16xi32>
        %gather3A = tpu.vector_load_idx %arg14[%add3A_228, %add3A_463] : memref<256x128xf32, #tpu.memory_space<vmem>>[vector<16xi32>, vector<16xi32>], vector<16xf32>,
        %add3A_464 = vector.broadcast %add3A_461 : i32 to vector<16xi32>
        %add3A_465 = arith.addi %shift_left3A_250, %add3A_464 : vector<16xi32>
        %gather3A_466 = tpu.vector_load_idx %arg15[%add3A_228, %add3A_465] : memref<256x128xf32, #tpu.memory_space<vmem>>[vector<16xi32>, vector<16xi32>], vector<16xf32>,
        %add3A_467 = vector.broadcast %add3A_461 : i32 to vector<16xi32>
        %add3A_468 = arith.addi %select_n3A, %add3A_467 : vector<16xi32>
        %gather3A_469 = tpu.vector_load_idx %arg16[%add3A_228, %add3A_468] : memref<256x128xf32, #tpu.memory_space<vmem>>[vector<16xi32>, vector<16xi32>], vector<16xf32>,
        %mul3A_470 = arith.mulf %gather3A, %gather3A : vector<16xf32>
        %add3A_471 = arith.addf %scan3A_452, %mul3A_470 : vector<16xf32>
        %mul3A_472 = arith.mulf %gather3A_466, %gather3A_466 : vector<16xf32>
        %add3A_473 = arith.addf %scan3A_453, %mul3A_472 : vector<16xf32>
        %mul3A_474 = arith.mulf %gather3A_469, %gather3A_469 : vector<16xf32>
        %add3A_475 = arith.addf %scan3A_454, %mul3A_474 : vector<16xf32>
        %mul3A_476 = arith.mulf %gather3A, %gather3A_466 : vector<16xf32>
        %add3A_477 = arith.addf %scan3A_455, %mul3A_476 : vector<16xf32>
        %mul3A_478 = arith.mulf %gather3A, %gather3A_469 : vector<16xf32>
        %add3A_479 = arith.addf %scan3A_456, %mul3A_478 : vector<16xf32>
        %mul3A_480 = arith.mulf %gather3A_466, %gather3A_469 : vector<16xf32>
        %add3A_481 = arith.addf %scan3A_457, %mul3A_480 : vector<16xf32>
        %mul3A_482 = arith.constant 8 : i32
        %mul3A_483 = arith.muli %scan3A_451, %mul3A_482 : i32
        %add3A_484 = arith.constant 1 : i32
        %add3A_485 = arith.addi %mul3A_483, %add3A_484 : i32
        %add3A_486 = vector.broadcast %add3A_485 : i32 to vector<16xi32>
        %add3A_487 = arith.addi %shift_left3A_239, %add3A_486 : vector<16xi32>
        %gather3A_488 = tpu.vector_load_idx %arg14[%add3A_228, %add3A_487] : memref<256x128xf32, #tpu.memory_space<vmem>>[vector<16xi32>, vector<16xi32>], vector<16xf32>,
        %add3A_489 = vector.broadcast %add3A_485 : i32 to vector<16xi32>
        %add3A_490 = arith.addi %shift_left3A_250, %add3A_489 : vector<16xi32>
        %gather3A_491 = tpu.vector_load_idx %arg15[%add3A_228, %add3A_490] : memref<256x128xf32, #tpu.memory_space<vmem>>[vector<16xi32>, vector<16xi32>], vector<16xf32>,
        %add3A_492 = vector.broadcast %add3A_485 : i32 to vector<16xi32>
        %add3A_493 = arith.addi %select_n3A, %add3A_492 : vector<16xi32>
        %gather3A_494 = tpu.vector_load_idx %arg16[%add3A_228, %add3A_493] : memref<256x128xf32, #tpu.memory_space<vmem>>[vector<16xi32>, vector<16xi32>], vector<16xf32>,
        %mul3A_495 = arith.mulf %gather3A_488, %gather3A_488 : vector<16xf32>
        %add3A_496 = arith.addf %add3A_471, %mul3A_495 : vector<16xf32>
        %mul3A_497 = arith.mulf %gather3A_491, %gather3A_491 : vector<16xf32>
        %add3A_498 = arith.addf %add3A_473, %mul3A_497 : vector<16xf32>
        %mul3A_499 = arith.mulf %gather3A_494, %gather3A_494 : vector<16xf32>
        %add3A_500 = arith.addf %add3A_475, %mul3A_499 : vector<16xf32>
        %mul3A_501 = arith.mulf %gather3A_488, %gather3A_491 : vector<16xf32>
        %add3A_502 = arith.addf %add3A_477, %mul3A_501 : vector<16xf32>
        %mul3A_503 = arith.mulf %gather3A_488, %gather3A_494 : vector<16xf32>
        %add3A_504 = arith.addf %add3A_479, %mul3A_503 : vector<16xf32>
        %mul3A_505 = arith.mulf %gather3A_491, %gather3A_494 : vector<16xf32>
        %add3A_506 = arith.addf %add3A_481, %mul3A_505 : vector<16xf32>
        %mul3A_507 = arith.constant 8 : i32
        %mul3A_508 = arith.muli %scan3A_451, %mul3A_507 : i32
        %add3A_509 = arith.constant 2 : i32
        %add3A_510 = arith.addi %mul3A_508, %add3A_509 : i32
        %add3A_511 = vector.broadcast %add3A_510 : i32 to vector<16xi32>
        %add3A_512 = arith.addi %shift_left3A_239, %add3A_511 : vector<16xi32>
        %gather3A_513 = tpu.vector_load_idx %arg14[%add3A_228, %add3A_512] : memref<256x128xf32, #tpu.memory_space<vmem>>[vector<16xi32>, vector<16xi32>], vector<16xf32>,
        %add3A_514 = vector.broadcast %add3A_510 : i32 to vector<16xi32>
        %add3A_515 = arith.addi %shift_left3A_250, %add3A_514 : vector<16xi32>
        %gather3A_516 = tpu.vector_load_idx %arg15[%add3A_228, %add3A_515] : memref<256x128xf32, #tpu.memory_space<vmem>>[vector<16xi32>, vector<16xi32>], vector<16xf32>,
        %add3A_517 = vector.broadcast %add3A_510 : i32 to vector<16xi32>
        %add3A_518 = arith.addi %select_n3A, %add3A_517 : vector<16xi32>
        %gather3A_519 = tpu.vector_load_idx %arg16[%add3A_228, %add3A_518] : memref<256x128xf32, #tpu.memory_space<vmem>>[vector<16xi32>, vector<16xi32>], vector<16xf32>,
        %mul3A_520 = arith.mulf %gather3A_513, %gather3A_513 : vector<16xf32>
        %add3A_521 = arith.addf %add3A_496, %mul3A_520 : vector<16xf32>
        %mul3A_522 = arith.mulf %gather3A_516, %gather3A_516 : vector<16xf32>
        %add3A_523 = arith.addf %add3A_498, %mul3A_522 : vector<16xf32>
        %mul3A_524 = arith.mulf %gather3A_519, %gather3A_519 : vector<16xf32>
        %add3A_525 = arith.addf %add3A_500, %mul3A_524 : vector<16xf32>
        %mul3A_526 = arith.mulf %gather3A_513, %gather3A_516 : vector<16xf32>
        %add3A_527 = arith.addf %add3A_502, %mul3A_526 : vector<16xf32>
        %mul3A_528 = arith.mulf %gather3A_513, %gather3A_519 : vector<16xf32>
        %add3A_529 = arith.addf %add3A_504, %mul3A_528 : vector<16xf32>
        %mul3A_530 = arith.mulf %gather3A_516, %gather3A_519 : vector<16xf32>
        %add3A_531 = arith.addf %add3A_506, %mul3A_530 : vector<16xf32>
        %mul3A_532 = arith.constant 8 : i32
        %mul3A_533 = arith.muli %scan3A_451, %mul3A_532 : i32
        %add3A_534 = arith.constant 3 : i32
        %add3A_535 = arith.addi %mul3A_533, %add3A_534 : i32
        %add3A_536 = vector.broadcast %add3A_535 : i32 to vector<16xi32>
        %add3A_537 = arith.addi %shift_left3A_239, %add3A_536 : vector<16xi32>
        %gather3A_538 = tpu.vector_load_idx %arg14[%add3A_228, %add3A_537] : memref<256x128xf32, #tpu.memory_space<vmem>>[vector<16xi32>, vector<16xi32>], vector<16xf32>,
        %add3A_539 = vector.broadcast %add3A_535 : i32 to vector<16xi32>
        %add3A_540 = arith.addi %shift_left3A_250, %add3A_539 : vector<16xi32>
        %gather3A_541 = tpu.vector_load_idx %arg15[%add3A_228, %add3A_540] : memref<256x128xf32, #tpu.memory_space<vmem>>[vector<16xi32>, vector<16xi32>], vector<16xf32>,
        %add3A_542 = vector.broadcast %add3A_535 : i32 to vector<16xi32>
        %add3A_543 = arith.addi %select_n3A, %add3A_542 : vector<16xi32>
        %gather3A_544 = tpu.vector_load_idx %arg16[%add3A_228, %add3A_543] : memref<256x128xf32, #tpu.memory_space<vmem>>[vector<16xi32>, vector<16xi32>], vector<16xf32>,
        %mul3A_545 = arith.mulf %gather3A_538, %gather3A_538 : vector<16xf32>
        %add3A_546 = arith.addf %add3A_521, %mul3A_545 : vector<16xf32>
        %mul3A_547 = arith.mulf %gather3A_541, %gather3A_541 : vector<16xf32>
        %add3A_548 = arith.addf %add3A_523, %mul3A_547 : vector<16xf32>
        %mul3A_549 = arith.mulf %gather3A_544, %gather3A_544 : vector<16xf32>
        %add3A_550 = arith.addf %add3A_525, %mul3A_549 : vector<16xf32>
        %mul3A_551 = arith.mulf %gather3A_538, %gather3A_541 : vector<16xf32>
        %add3A_552 = arith.addf %add3A_527, %mul3A_551 : vector<16xf32>
        %mul3A_553 = arith.mulf %gather3A_538, %gather3A_544 : vector<16xf32>
        %add3A_554 = arith.addf %add3A_529, %mul3A_553 : vector<16xf32>
        %mul3A_555 = arith.mulf %gather3A_541, %gather3A_544 : vector<16xf32>
        %add3A_556 = arith.addf %add3A_531, %mul3A_555 : vector<16xf32>
        %mul3A_557 = arith.constant 8 : i32
        %mul3A_558 = arith.muli %scan3A_451, %mul3A_557 : i32
        %add3A_559 = arith.constant 4 : i32
        %add3A_560 = arith.addi %mul3A_558, %add3A_559 : i32
        %add3A_561 = vector.broadcast %add3A_560 : i32 to vector<16xi32>
        %add3A_562 = arith.addi %shift_left3A_239, %add3A_561 : vector<16xi32>
        %gather3A_563 = tpu.vector_load_idx %arg14[%add3A_228, %add3A_562] : memref<256x128xf32, #tpu.memory_space<vmem>>[vector<16xi32>, vector<16xi32>], vector<16xf32>,
        %add3A_564 = vector.broadcast %add3A_560 : i32 to vector<16xi32>
        %add3A_565 = arith.addi %shift_left3A_250, %add3A_564 : vector<16xi32>
        %gather3A_566 = tpu.vector_load_idx %arg15[%add3A_228, %add3A_565] : memref<256x128xf32, #tpu.memory_space<vmem>>[vector<16xi32>, vector<16xi32>], vector<16xf32>,
        %add3A_567 = vector.broadcast %add3A_560 : i32 to vector<16xi32>
        %add3A_568 = arith.addi %select_n3A, %add3A_567 : vector<16xi32>
        %gather3A_569 = tpu.vector_load_idx %arg16[%add3A_228, %add3A_568] : memref<256x128xf32, #tpu.memory_space<vmem>>[vector<16xi32>, vector<16xi32>], vector<16xf32>,
        %mul3A_570 = arith.mulf %gather3A_563, %gather3A_563 : vector<16xf32>
        %add3A_571 = arith.addf %add3A_546, %mul3A_570 : vector<16xf32>
        %mul3A_572 = arith.mulf %gather3A_566, %gather3A_566 : vector<16xf32>
        %add3A_573 = arith.addf %add3A_548, %mul3A_572 : vector<16xf32>
        %mul3A_574 = arith.mulf %gather3A_569, %gather3A_569 : vector<16xf32>
        %add3A_575 = arith.addf %add3A_550, %mul3A_574 : vector<16xf32>
        %mul3A_576 = arith.mulf %gather3A_563, %gather3A_566 : vector<16xf32>
        %add3A_577 = arith.addf %add3A_552, %mul3A_576 : vector<16xf32>
        %mul3A_578 = arith.mulf %gather3A_563, %gather3A_569 : vector<16xf32>
        %add3A_579 = arith.addf %add3A_554, %mul3A_578 : vector<16xf32>
        %mul3A_580 = arith.mulf %gather3A_566, %gather3A_569 : vector<16xf32>
        %add3A_581 = arith.addf %add3A_556, %mul3A_580 : vector<16xf32>
        %mul3A_582 = arith.constant 8 : i32
        %mul3A_583 = arith.muli %scan3A_451, %mul3A_582 : i32
        %add3A_584 = arith.constant 5 : i32
        %add3A_585 = arith.addi %mul3A_583, %add3A_584 : i32
        %add3A_586 = vector.broadcast %add3A_585 : i32 to vector<16xi32>
        %add3A_587 = arith.addi %shift_left3A_239, %add3A_586 : vector<16xi32>
        %gather3A_588 = tpu.vector_load_idx %arg14[%add3A_228, %add3A_587] : memref<256x128xf32, #tpu.memory_space<vmem>>[vector<16xi32>, vector<16xi32>], vector<16xf32>,
        %add3A_589 = vector.broadcast %add3A_585 : i32 to vector<16xi32>
        %add3A_590 = arith.addi %shift_left3A_250, %add3A_589 : vector<16xi32>
        %gather3A_591 = tpu.vector_load_idx %arg15[%add3A_228, %add3A_590] : memref<256x128xf32, #tpu.memory_space<vmem>>[vector<16xi32>, vector<16xi32>], vector<16xf32>,
        %add3A_592 = vector.broadcast %add3A_585 : i32 to vector<16xi32>
        %add3A_593 = arith.addi %select_n3A, %add3A_592 : vector<16xi32>
        %gather3A_594 = tpu.vector_load_idx %arg16[%add3A_228, %add3A_593] : memref<256x128xf32, #tpu.memory_space<vmem>>[vector<16xi32>, vector<16xi32>], vector<16xf32>,
        %mul3A_595 = arith.mulf %gather3A_588, %gather3A_588 : vector<16xf32>
        %add3A_596 = arith.addf %add3A_571, %mul3A_595 : vector<16xf32>
        %mul3A_597 = arith.mulf %gather3A_591, %gather3A_591 : vector<16xf32>
        %add3A_598 = arith.addf %add3A_573, %mul3A_597 : vector<16xf32>
        %mul3A_599 = arith.mulf %gather3A_594, %gather3A_594 : vector<16xf32>
        %add3A_600 = arith.addf %add3A_575, %mul3A_599 : vector<16xf32>
        %mul3A_601 = arith.mulf %gather3A_588, %gather3A_591 : vector<16xf32>
        %add3A_602 = arith.addf %add3A_577, %mul3A_601 : vector<16xf32>
        %mul3A_603 = arith.mulf %gather3A_588, %gather3A_594 : vector<16xf32>
        %add3A_604 = arith.addf %add3A_579, %mul3A_603 : vector<16xf32>
        %mul3A_605 = arith.mulf %gather3A_591, %gather3A_594 : vector<16xf32>
        %add3A_606 = arith.addf %add3A_581, %mul3A_605 : vector<16xf32>
        %mul3A_607 = arith.constant 8 : i32
        %mul3A_608 = arith.muli %scan3A_451, %mul3A_607 : i32
        %add3A_609 = arith.constant 6 : i32
        %add3A_610 = arith.addi %mul3A_608, %add3A_609 : i32
        %add3A_611 = vector.broadcast %add3A_610 : i32 to vector<16xi32>
        %add3A_612 = arith.addi %shift_left3A_239, %add3A_611 : vector<16xi32>
        %gather3A_613 = tpu.vector_load_idx %arg14[%add3A_228, %add3A_612] : memref<256x128xf32, #tpu.memory_space<vmem>>[vector<16xi32>, vector<16xi32>], vector<16xf32>,
        %add3A_614 = vector.broadcast %add3A_610 : i32 to vector<16xi32>
        %add3A_615 = arith.addi %shift_left3A_250, %add3A_614 : vector<16xi32>
        %gather3A_616 = tpu.vector_load_idx %arg15[%add3A_228, %add3A_615] : memref<256x128xf32, #tpu.memory_space<vmem>>[vector<16xi32>, vector<16xi32>], vector<16xf32>,
        %add3A_617 = vector.broadcast %add3A_610 : i32 to vector<16xi32>
        %add3A_618 = arith.addi %select_n3A, %add3A_617 : vector<16xi32>
        %gather3A_619 = tpu.vector_load_idx %arg16[%add3A_228, %add3A_618] : memref<256x128xf32, #tpu.memory_space<vmem>>[vector<16xi32>, vector<16xi32>], vector<16xf32>,
        %mul3A_620 = arith.mulf %gather3A_613, %gather3A_613 : vector<16xf32>
        %add3A_621 = arith.addf %add3A_596, %mul3A_620 : vector<16xf32>
        %mul3A_622 = arith.mulf %gather3A_616, %gather3A_616 : vector<16xf32>
        %add3A_623 = arith.addf %add3A_598, %mul3A_622 : vector<16xf32>
        %mul3A_624 = arith.mulf %gather3A_619, %gather3A_619 : vector<16xf32>
        %add3A_625 = arith.addf %add3A_600, %mul3A_624 : vector<16xf32>
        %mul3A_626 = arith.mulf %gather3A_613, %gather3A_616 : vector<16xf32>
        %add3A_627 = arith.addf %add3A_602, %mul3A_626 : vector<16xf32>
        %mul3A_628 = arith.mulf %gather3A_613, %gather3A_619 : vector<16xf32>
        %add3A_629 = arith.addf %add3A_604, %mul3A_628 : vector<16xf32>
        %mul3A_630 = arith.mulf %gather3A_616, %gather3A_619 : vector<16xf32>
        %add3A_631 = arith.addf %add3A_606, %mul3A_630 : vector<16xf32>
        %mul3A_632 = arith.constant 8 : i32
        %mul3A_633 = arith.muli %scan3A_451, %mul3A_632 : i32
        %add3A_634 = arith.constant 7 : i32
        %add3A_635 = arith.addi %mul3A_633, %add3A_634 : i32
        %add3A_636 = vector.broadcast %add3A_635 : i32 to vector<16xi32>
        %add3A_637 = arith.addi %shift_left3A_239, %add3A_636 : vector<16xi32>
        %gather3A_638 = tpu.vector_load_idx %arg14[%add3A_228, %add3A_637] : memref<256x128xf32, #tpu.memory_space<vmem>>[vector<16xi32>, vector<16xi32>], vector<16xf32>,
        %add3A_639 = vector.broadcast %add3A_635 : i32 to vector<16xi32>
        %add3A_640 = arith.addi %shift_left3A_250, %add3A_639 : vector<16xi32>
        %gather3A_641 = tpu.vector_load_idx %arg15[%add3A_228, %add3A_640] : memref<256x128xf32, #tpu.memory_space<vmem>>[vector<16xi32>, vector<16xi32>], vector<16xf32>,
        %add3A_642 = vector.broadcast %add3A_635 : i32 to vector<16xi32>
        %add3A_643 = arith.addi %select_n3A, %add3A_642 : vector<16xi32>
        %gather3A_644 = tpu.vector_load_idx %arg16[%add3A_228, %add3A_643] : memref<256x128xf32, #tpu.memory_space<vmem>>[vector<16xi32>, vector<16xi32>], vector<16xf32>,
        %mul3A_645 = arith.mulf %gather3A_638, %gather3A_638 : vector<16xf32>
        %add3A_646 = arith.addf %add3A_621, %mul3A_645 : vector<16xf32>
        %mul3A_647 = arith.mulf %gather3A_641, %gather3A_641 : vector<16xf32>
        %add3A_648 = arith.addf %add3A_623, %mul3A_647 : vector<16xf32>
        %mul3A_649 = arith.mulf %gather3A_644, %gather3A_644 : vector<16xf32>
        %add3A_650 = arith.addf %add3A_625, %mul3A_649 : vector<16xf32>
        %mul3A_651 = arith.mulf %gather3A_638, %gather3A_641 : vector<16xf32>
        %add3A_652 = arith.addf %add3A_627, %mul3A_651 : vector<16xf32>
        %mul3A_653 = arith.mulf %gather3A_638, %gather3A_644 : vector<16xf32>
        %add3A_654 = arith.addf %add3A_629, %mul3A_653 : vector<16xf32>
        %mul3A_655 = arith.mulf %gather3A_641, %gather3A_644 : vector<16xf32>
        %add3A_656 = arith.addf %add3A_631, %mul3A_655 : vector<16xf32>
        scf.yield %add3A_646, %add3A_648, %add3A_650, %add3A_652, %add3A_654, %add3A_656 : vector<16xf32>, vector<16xf32>, vector<16xf32>, vector<16xf32>, vector<16xf32>, vector<16xf32>
      }
      %scan3A_264 = arith.constant 8 : i32
      %bitcast3A = vector.bitcast %scan3A_263#0 : vector<16xf32> to vector<16xi32>
      %shift_right_logical3A_265 = arith.constant 1 : i32
      %shift_right_logical3A_266 = vector.broadcast %shift_right_logical3A_265 : i32 to vector<16xi32>
      %shift_right_logical3A_267 = arith.shrui %bitcast3A, %shift_right_logical3A_266 : vector<16xi32>
      %sub3A = arith.constant 1597463007 : i32
      %sub3A_268 = vector.broadcast %sub3A : i32 to vector<16xi32>
      %sub3A_269 = arith.subi %sub3A_268, %shift_right_logical3A_267 : vector<16xi32>
      %bitcast3A_270 = vector.bitcast %sub3A_269 : vector<16xi32> to vector<16xf32>
      %mul3A_271 = arith.constant 5.000000e-01 : f32
      %mul3A_272 = vector.broadcast %mul3A_271 : f32 to vector<16xf32>
      %mul3A_273 = arith.mulf %mul3A_272, %scan3A_263#0 : vector<16xf32>
      %mul3A_274 = arith.mulf %mul3A_273, %bitcast3A_270 : vector<16xf32>
      %mul3A_275 = arith.mulf %mul3A_274, %bitcast3A_270 : vector<16xf32>
      %sub3A_276 = arith.constant 1.500000e+00 : f32
      %sub3A_277 = vector.broadcast %sub3A_276 : f32 to vector<16xf32>
      %sub3A_278 = arith.subf %sub3A_277, %mul3A_275 : vector<16xf32>
      %mul3A_279 = arith.mulf %bitcast3A_270, %sub3A_278 : vector<16xf32>
      %mul3A_280 = arith.constant 5.000000e-01 : f32
      %mul3A_281 = vector.broadcast %mul3A_280 : f32 to vector<16xf32>
      %mul3A_282 = arith.mulf %mul3A_281, %scan3A_263#0 : vector<16xf32>
      %mul3A_283 = arith.mulf %mul3A_282, %mul3A_279 : vector<16xf32>
      %mul3A_284 = arith.mulf %mul3A_283, %mul3A_279 : vector<16xf32>
      %sub3A_285 = arith.constant 1.500000e+00 : f32
      %sub3A_286 = vector.broadcast %sub3A_285 : f32 to vector<16xf32>
      %sub3A_287 = arith.subf %sub3A_286, %mul3A_284 : vector<16xf32>
      %mul3A_288 = arith.mulf %mul3A_279, %sub3A_287 : vector<16xf32>
      %mul3A_289 = arith.constant 5.000000e-01 : f32
      %mul3A_290 = vector.broadcast %mul3A_289 : f32 to vector<16xf32>
      %mul3A_291 = arith.mulf %mul3A_290, %scan3A_263#0 : vector<16xf32>
      %mul3A_292 = arith.mulf %mul3A_291, %mul3A_288 : vector<16xf32>
      %mul3A_293 = arith.mulf %mul3A_292, %mul3A_288 : vector<16xf32>
      %sub3A_294 = arith.constant 1.500000e+00 : f32
      %sub3A_295 = vector.broadcast %sub3A_294 : f32 to vector<16xf32>
      %sub3A_296 = arith.subf %sub3A_295, %mul3A_293 : vector<16xf32>
      %mul3A_297 = arith.mulf %mul3A_288, %sub3A_296 : vector<16xf32>
      %mul3A_298 = arith.mulf %scan3A_263#0, %mul3A_297 : vector<16xf32>
      %max3A = arith.constant 9.99999996E-13 : f32
      %max3A_299 = vector.broadcast %max3A : f32 to vector<16xf32>
      %max3A_300 = arith.maximumf %mul3A_298, %max3A_299 : vector<16xf32>
      %div3A = arith.constant 1.000000e+00 : f32
      %div3A_301 = vector.broadcast %div3A : f32 to vector<16xf32>
      %div3A_302 = arith.divf %div3A_301, %max3A_300 : vector<16xf32>
      %bitcast3A_303 = vector.bitcast %scan3A_263#1 : vector<16xf32> to vector<16xi32>
      %shift_right_logical3A_304 = arith.constant 1 : i32
      %shift_right_logical3A_305 = vector.broadcast %shift_right_logical3A_304 : i32 to vector<16xi32>
      %shift_right_logical3A_306 = arith.shrui %bitcast3A_303, %shift_right_logical3A_305 : vector<16xi32>
      %sub3A_307 = arith.constant 1597463007 : i32
      %sub3A_308 = vector.broadcast %sub3A_307 : i32 to vector<16xi32>
      %sub3A_309 = arith.subi %sub3A_308, %shift_right_logical3A_306 : vector<16xi32>
      %bitcast3A_310 = vector.bitcast %sub3A_309 : vector<16xi32> to vector<16xf32>
      %mul3A_311 = arith.constant 5.000000e-01 : f32
      %mul3A_312 = vector.broadcast %mul3A_311 : f32 to vector<16xf32>
      %mul3A_313 = arith.mulf %mul3A_312, %scan3A_263#1 : vector<16xf32>
      %mul3A_314 = arith.mulf %mul3A_313, %bitcast3A_310 : vector<16xf32>
      %mul3A_315 = arith.mulf %mul3A_314, %bitcast3A_310 : vector<16xf32>
      %sub3A_316 = arith.constant 1.500000e+00 : f32
      %sub3A_317 = vector.broadcast %sub3A_316 : f32 to vector<16xf32>
      %sub3A_318 = arith.subf %sub3A_317, %mul3A_315 : vector<16xf32>
      %mul3A_319 = arith.mulf %bitcast3A_310, %sub3A_318 : vector<16xf32>
      %mul3A_320 = arith.constant 5.000000e-01 : f32
      %mul3A_321 = vector.broadcast %mul3A_320 : f32 to vector<16xf32>
      %mul3A_322 = arith.mulf %mul3A_321, %scan3A_263#1 : vector<16xf32>
      %mul3A_323 = arith.mulf %mul3A_322, %mul3A_319 : vector<16xf32>
      %mul3A_324 = arith.mulf %mul3A_323, %mul3A_319 : vector<16xf32>
      %sub3A_325 = arith.constant 1.500000e+00 : f32
      %sub3A_326 = vector.broadcast %sub3A_325 : f32 to vector<16xf32>
      %sub3A_327 = arith.subf %sub3A_326, %mul3A_324 : vector<16xf32>
      %mul3A_328 = arith.mulf %mul3A_319, %sub3A_327 : vector<16xf32>
      %mul3A_329 = arith.constant 5.000000e-01 : f32
      %mul3A_330 = vector.broadcast %mul3A_329 : f32 to vector<16xf32>
      %mul3A_331 = arith.mulf %mul3A_330, %scan3A_263#1 : vector<16xf32>
      %mul3A_332 = arith.mulf %mul3A_331, %mul3A_328 : vector<16xf32>
      %mul3A_333 = arith.mulf %mul3A_332, %mul3A_328 : vector<16xf32>
      %sub3A_334 = arith.constant 1.500000e+00 : f32
      %sub3A_335 = vector.broadcast %sub3A_334 : f32 to vector<16xf32>
      %sub3A_336 = arith.subf %sub3A_335, %mul3A_333 : vector<16xf32>
      %mul3A_337 = arith.mulf %mul3A_328, %sub3A_336 : vector<16xf32>
      %mul3A_338 = arith.mulf %scan3A_263#1, %mul3A_337 : vector<16xf32>
      %max3A_339 = arith.constant 9.99999996E-13 : f32
      %max3A_340 = vector.broadcast %max3A_339 : f32 to vector<16xf32>
      %max3A_341 = arith.maximumf %mul3A_338, %max3A_340 : vector<16xf32>
      %div3A_342 = arith.constant 1.000000e+00 : f32
      %div3A_343 = vector.broadcast %div3A_342 : f32 to vector<16xf32>
      %div3A_344 = arith.divf %div3A_343, %max3A_341 : vector<16xf32>
      %bitcast3A_345 = vector.bitcast %scan3A_263#2 : vector<16xf32> to vector<16xi32>
      %shift_right_logical3A_346 = arith.constant 1 : i32
      %shift_right_logical3A_347 = vector.broadcast %shift_right_logical3A_346 : i32 to vector<16xi32>
      %shift_right_logical3A_348 = arith.shrui %bitcast3A_345, %shift_right_logical3A_347 : vector<16xi32>
      %sub3A_349 = arith.constant 1597463007 : i32
      %sub3A_350 = vector.broadcast %sub3A_349 : i32 to vector<16xi32>
      %sub3A_351 = arith.subi %sub3A_350, %shift_right_logical3A_348 : vector<16xi32>
      %bitcast3A_352 = vector.bitcast %sub3A_351 : vector<16xi32> to vector<16xf32>
      %mul3A_353 = arith.constant 5.000000e-01 : f32
      %mul3A_354 = vector.broadcast %mul3A_353 : f32 to vector<16xf32>
      %mul3A_355 = arith.mulf %mul3A_354, %scan3A_263#2 : vector<16xf32>
      %mul3A_356 = arith.mulf %mul3A_355, %bitcast3A_352 : vector<16xf32>
      %mul3A_357 = arith.mulf %mul3A_356, %bitcast3A_352 : vector<16xf32>
      %sub3A_358 = arith.constant 1.500000e+00 : f32
      %sub3A_359 = vector.broadcast %sub3A_358 : f32 to vector<16xf32>
      %sub3A_360 = arith.subf %sub3A_359, %mul3A_357 : vector<16xf32>
      %mul3A_361 = arith.mulf %bitcast3A_352, %sub3A_360 : vector<16xf32>
      %mul3A_362 = arith.constant 5.000000e-01 : f32
      %mul3A_363 = vector.broadcast %mul3A_362 : f32 to vector<16xf32>
      %mul3A_364 = arith.mulf %mul3A_363, %scan3A_263#2 : vector<16xf32>
      %mul3A_365 = arith.mulf %mul3A_364, %mul3A_361 : vector<16xf32>
      %mul3A_366 = arith.mulf %mul3A_365, %mul3A_361 : vector<16xf32>
      %sub3A_367 = arith.constant 1.500000e+00 : f32
      %sub3A_368 = vector.broadcast %sub3A_367 : f32 to vector<16xf32>
      %sub3A_369 = arith.subf %sub3A_368, %mul3A_366 : vector<16xf32>
      %mul3A_370 = arith.mulf %mul3A_361, %sub3A_369 : vector<16xf32>
      %mul3A_371 = arith.constant 5.000000e-01 : f32
      %mul3A_372 = vector.broadcast %mul3A_371 : f32 to vector<16xf32>
      %mul3A_373 = arith.mulf %mul3A_372, %scan3A_263#2 : vector<16xf32>
      %mul3A_374 = arith.mulf %mul3A_373, %mul3A_370 : vector<16xf32>
      %mul3A_375 = arith.mulf %mul3A_374, %mul3A_370 : vector<16xf32>
      %sub3A_376 = arith.constant 1.500000e+00 : f32
      %sub3A_377 = vector.broadcast %sub3A_376 : f32 to vector<16xf32>
      %sub3A_378 = arith.subf %sub3A_377, %mul3A_375 : vector<16xf32>
      %mul3A_379 = arith.mulf %mul3A_370, %sub3A_378 : vector<16xf32>
      %mul3A_380 = arith.mulf %scan3A_263#2, %mul3A_379 : vector<16xf32>
      %max3A_381 = arith.constant 9.99999996E-13 : f32
      %max3A_382 = vector.broadcast %max3A_381 : f32 to vector<16xf32>
      %max3A_383 = arith.maximumf %mul3A_380, %max3A_382 : vector<16xf32>
      %div3A_384 = arith.constant 1.000000e+00 : f32
      %div3A_385 = vector.broadcast %div3A_384 : f32 to vector<16xf32>
      %div3A_386 = arith.divf %div3A_385, %max3A_383 : vector<16xf32>
      %mul3A_387 = arith.mulf %scan3A_263#0, %div3A_302 : vector<16xf32>
      %mul3A_388 = arith.mulf %mul3A_387, %div3A_302 : vector<16xf32>
      %mul3A_389 = arith.mulf %scan3A_263#1, %div3A_344 : vector<16xf32>
      %mul3A_390 = arith.mulf %mul3A_389, %div3A_344 : vector<16xf32>
      %add3A_391 = arith.addf %mul3A_388, %mul3A_390 : vector<16xf32>
      %mul3A_392 = arith.mulf %scan3A_263#2, %div3A_386 : vector<16xf32>
      %mul3A_393 = arith.mulf %mul3A_392, %div3A_386 : vector<16xf32>
      %add3A_394 = arith.addf %add3A_391, %mul3A_393 : vector<16xf32>
      %mul3A_395 = arith.mulf %div3A_302, %div3A_344 : vector<16xf32>
      %mul3A_396 = arith.mulf %mul3A_395, %scan3A_263#3 : vector<16xf32>
      %mul3A_397 = arith.mulf %div3A_302, %div3A_386 : vector<16xf32>
      %mul3A_398 = arith.mulf %mul3A_397, %scan3A_263#4 : vector<16xf32>
      %sub3A_399 = arith.subf %mul3A_396, %mul3A_398 : vector<16xf32>
      %mul3A_400 = arith.mulf %div3A_344, %div3A_386 : vector<16xf32>
      %mul3A_401 = arith.mulf %mul3A_400, %scan3A_263#5 : vector<16xf32>
      %add3A_402 = arith.addf %sub3A_399, %mul3A_401 : vector<16xf32>
      %mul3A_403 = arith.constant 2.000000e+00 : f32
      %mul3A_404 = vector.broadcast %mul3A_403 : f32 to vector<16xf32>
      %mul3A_405 = arith.mulf %mul3A_404, %add3A_402 : vector<16xf32>
      %sub3A_406 = arith.subf %add3A_394, %mul3A_405 : vector<16xf32>
      %max3A_407 = arith.constant 0.000000e+00 : f32
      %max3A_408 = vector.broadcast %max3A_407 : f32 to vector<16xf32>
      %max3A_409 = arith.maximumf %sub3A_406, %max3A_408 : vector<16xf32>
      %bitcast3A_410 = vector.bitcast %max3A_409 : vector<16xf32> to vector<16xi32>
      %shift_right_logical3A_411 = arith.constant 1 : i32
      %shift_right_logical3A_412 = vector.broadcast %shift_right_logical3A_411 : i32 to vector<16xi32>
      %shift_right_logical3A_413 = arith.shrui %bitcast3A_410, %shift_right_logical3A_412 : vector<16xi32>
      %sub3A_414 = arith.constant 1597463007 : i32
      %sub3A_415 = vector.broadcast %sub3A_414 : i32 to vector<16xi32>
      %sub3A_416 = arith.subi %sub3A_415, %shift_right_logical3A_413 : vector<16xi32>
      %bitcast3A_417 = vector.bitcast %sub3A_416 : vector<16xi32> to vector<16xf32>
      %mul3A_418 = arith.constant 5.000000e-01 : f32
      %mul3A_419 = vector.broadcast %mul3A_418 : f32 to vector<16xf32>
      %mul3A_420 = arith.mulf %mul3A_419, %max3A_409 : vector<16xf32>
      %mul3A_421 = arith.mulf %mul3A_420, %bitcast3A_417 : vector<16xf32>
      %mul3A_422 = arith.mulf %mul3A_421, %bitcast3A_417 : vector<16xf32>
      %sub3A_423 = arith.constant 1.500000e+00 : f32
      %sub3A_424 = vector.broadcast %sub3A_423 : f32 to vector<16xf32>
      %sub3A_425 = arith.subf %sub3A_424, %mul3A_422 : vector<16xf32>
      %mul3A_426 = arith.mulf %bitcast3A_417, %sub3A_425 : vector<16xf32>
      %mul3A_427 = arith.constant 5.000000e-01 : f32
      %mul3A_428 = vector.broadcast %mul3A_427 : f32 to vector<16xf32>
      %mul3A_429 = arith.mulf %mul3A_428, %max3A_409 : vector<16xf32>
      %mul3A_430 = arith.mulf %mul3A_429, %mul3A_426 : vector<16xf32>
      %mul3A_431 = arith.mulf %mul3A_430, %mul3A_426 : vector<16xf32>
      %sub3A_432 = arith.constant 1.500000e+00 : f32
      %sub3A_433 = vector.broadcast %sub3A_432 : f32 to vector<16xf32>
      %sub3A_434 = arith.subf %sub3A_433, %mul3A_431 : vector<16xf32>
      %mul3A_435 = arith.mulf %mul3A_426, %sub3A_434 : vector<16xf32>
      %mul3A_436 = arith.constant 5.000000e-01 : f32
      %mul3A_437 = vector.broadcast %mul3A_436 : f32 to vector<16xf32>
      %mul3A_438 = arith.mulf %mul3A_437, %max3A_409 : vector<16xf32>
      %mul3A_439 = arith.mulf %mul3A_438, %mul3A_435 : vector<16xf32>
      %mul3A_440 = arith.mulf %mul3A_439, %mul3A_435 : vector<16xf32>
      %sub3A_441 = arith.constant 1.500000e+00 : f32
      %sub3A_442 = vector.broadcast %sub3A_441 : f32 to vector<16xf32>
      %sub3A_443 = arith.subf %sub3A_442, %mul3A_440 : vector<16xf32>
      %mul3A_444 = arith.mulf %mul3A_435, %sub3A_443 : vector<16xf32>
      %mul3A_445 = arith.mulf %max3A_409, %mul3A_444 : vector<16xf32>
      %mul3A_446 = arith.constant 16 : i32
      %mul3A_447 = arith.muli %scan3A_222, %mul3A_446 : i32
      %add3A_448 = arith.constant 0 : i32
      %add3A_449 = arith.addi %add3A_448, %mul3A_447 : i32
      %swap3A = arith.index_cast %add3A_449 : i32 to index
      %swap3A_450 = tpu.vector_load %arg17[%swap3A] {strides = array<i32>} : memref<512xf32, #tpu.memory_space<vmem>>, vector<16xf32>,
      tpu.vector_store %arg17[%swap3A], %mul3A_445 {strides = array<i32>} : memref<512xf32, #tpu.memory_space<vmem>>, vector<16xf32>,
    }
    %scan3A_83 = arith.constant 8 : i32
    %dma_start3A_84 = arith.constant 0 : i32
    %dma_start3A_85 = arith.constant 0 : i32
    %dma_start3A_86 = tpu.memref_slice %arg14[%dma_start3A_84, %dma_start3A_85] : memref<256x128xf32, #tpu.memory_space<vmem>> -> memref<128x128xf32, #tpu.memory_space<vmem>>
    %dma_start3A_87 = arith.constant 256 : i32
    %dma_start3A_88 = tpu.memref_slice %arg11[%dma_start3A_87] : memref<512xi32, #tpu.memory_space<vmem>> -> memref<128xi32, #tpu.memory_space<vmem>>
    %dma_start3A_89 = arith.constant 0 : i32
    %dma_start3A_90 = arith.constant 0 : i32
    %dma_start3A_91 = tpu.memref_slice %arg5[%dma_start3A_89, %dma_start3A_90] : memref<507904x128xf32, #tpu.memory_space<hbm>> -> memref<507904x128xf32, #tpu.memory_space<hbm>>
    tpu.enqueue_indirect_dma source(%dma_start3A_91 : memref<507904x128xf32, #tpu.memory_space<hbm>>) target(%dma_start3A_86 : memref<128x128xf32, #tpu.memory_space<vmem>>) offsets(%dma_start3A_88 : memref<128xi32, #tpu.memory_space<vmem>>) semaphore(%arg18 : memref<!tpu.dma_semaphore, #tpu.memory_space<semaphore_mem>>)
    %dma_start3A_92 = arith.constant 0 : i32
    %dma_start3A_93 = arith.constant 0 : i32
    %dma_start3A_94 = tpu.memref_slice %arg15[%dma_start3A_92, %dma_start3A_93] : memref<256x128xf32, #tpu.memory_space<vmem>> -> memref<128x128xf32, #tpu.memory_space<vmem>>
    %dma_start3A_95 = arith.constant 256 : i32
    %dma_start3A_96 = tpu.memref_slice %arg12[%dma_start3A_95] : memref<512xi32, #tpu.memory_space<vmem>> -> memref<128xi32, #tpu.memory_space<vmem>>
    %dma_start3A_97 = arith.constant 0 : i32
    %dma_start3A_98 = arith.constant 0 : i32
    %dma_start3A_99 = tpu.memref_slice %arg5[%dma_start3A_97, %dma_start3A_98] : memref<507904x128xf32, #tpu.memory_space<hbm>> -> memref<507904x128xf32, #tpu.memory_space<hbm>>
    tpu.enqueue_indirect_dma source(%dma_start3A_99 : memref<507904x128xf32, #tpu.memory_space<hbm>>) target(%dma_start3A_94 : memref<128x128xf32, #tpu.memory_space<vmem>>) offsets(%dma_start3A_96 : memref<128xi32, #tpu.memory_space<vmem>>) semaphore(%arg18 : memref<!tpu.dma_semaphore, #tpu.memory_space<semaphore_mem>>)
    %dma_start3A_100 = arith.constant 0 : i32
    %dma_start3A_101 = arith.constant 0 : i32
    %dma_start3A_102 = tpu.memref_slice %arg16[%dma_start3A_100, %dma_start3A_101] : memref<256x128xf32, #tpu.memory_space<vmem>> -> memref<128x128xf32, #tpu.memory_space<vmem>>
    %dma_start3A_103 = arith.constant 256 : i32
    %dma_start3A_104 = tpu.memref_slice %arg13[%dma_start3A_103] : memref<512xi32, #tpu.memory_space<vmem>> -> memref<128xi32, #tpu.memory_space<vmem>>
    %dma_start3A_105 = arith.constant 0 : i32
    %dma_start3A_106 = arith.constant 0 : i32
    %dma_start3A_107 = tpu.memref_slice %arg6[%dma_start3A_105, %dma_start3A_106] : memref<500x128xf32, #tpu.memory_space<hbm>> -> memref<500x128xf32, #tpu.memory_space<hbm>>
    tpu.enqueue_indirect_dma source(%dma_start3A_107 : memref<500x128xf32, #tpu.memory_space<hbm>>) target(%dma_start3A_102 : memref<128x128xf32, #tpu.memory_space<vmem>>) offsets(%dma_start3A_104 : memref<128xi32, #tpu.memory_space<vmem>>) semaphore(%arg18 : memref<!tpu.dma_semaphore, #tpu.memory_space<semaphore_mem>>)
    %dma_wait3A_108 = arith.constant 128 : i32
    %dma_wait3A_109 = arith.constant 0 : i32
    %dma_wait3A_110 = tpu.memref_slice %arg14[%dma_wait3A_108, %dma_wait3A_109] : memref<256x128xf32, #tpu.memory_space<vmem>> -> memref<128x128xf32, #tpu.memory_space<vmem>>
    %dma_wait3A_111 = arith.constant 128 : i32
    %dma_wait3A_112 = tpu.memref_slice %arg11[%dma_wait3A_111] : memref<512xi32, #tpu.memory_space<vmem>> -> memref<128xi32, #tpu.memory_space<vmem>>
    %dma_wait3A_113 = arith.constant 0 : i32
    %dma_wait3A_114 = arith.constant 0 : i32
    %dma_wait3A_115 = tpu.memref_slice %arg5[%dma_wait3A_113, %dma_wait3A_114] : memref<507904x128xf32, #tpu.memory_space<hbm>> -> memref<507904x128xf32, #tpu.memory_space<hbm>>
    tpu.wait_indirect_dma semaphore(%arg18 : memref<!tpu.dma_semaphore, #tpu.memory_space<semaphore_mem>>) src(%dma_wait3A_115 : memref<507904x128xf32, #tpu.memory_space<hbm>>) dst(%dma_wait3A_110 : memref<128x128xf32, #tpu.memory_space<vmem>>)
    %dma_wait3A_116 = arith.constant 128 : i32
    %dma_wait3A_117 = arith.constant 0 : i32
    %dma_wait3A_118 = tpu.memref_slice %arg15[%dma_wait3A_116, %dma_wait3A_117] : memref<256x128xf32, #tpu.memory_space<vmem>> -> memref<128x128xf32, #tpu.memory_space<vmem>>
    %dma_wait3A_119 = arith.constant 128 : i32
    %dma_wait3A_120 = tpu.memref_slice %arg12[%dma_wait3A_119] : memref<512xi32, #tpu.memory_space<vmem>> -> memref<128xi32, #tpu.memory_space<vmem>>
    %dma_wait3A_121 = arith.constant 0 : i32
    %dma_wait3A_122 = arith.constant 0 : i32
    %dma_wait3A_123 = tpu.memref_slice %arg5[%dma_wait3A_121, %dma_wait3A_122] : memref<507904x128xf32, #tpu.memory_space<hbm>> -> memref<507904x128xf32, #tpu.memory_space<hbm>>
    tpu.wait_indirect_dma semaphore(%arg18 : memref<!tpu.dma_semaphore, #tpu.memory_space<semaphore_mem>>) src(%dma_wait3A_123 : memref<507904x128xf32, #tpu.memory_space<hbm>>) dst(%dma_wait3A_118 : memref<128x128xf32, #tpu.memory_space<vmem>>)
    %dma_wait3A_124 = arith.constant 128 : i32
    %dma_wait3A_125 = arith.constant 0 : i32
    %dma_wait3A_126 = tpu.memref_slice %arg16[%dma_wait3A_124, %dma_wait3A_125] : memref<256x128xf32, #tpu.memory_space<vmem>> -> memref<128x128xf32, #tpu.memory_space<vmem>>
    %dma_wait3A_127 = arith.constant 128 : i32
    %dma_wait3A_128 = tpu.memref_slice %arg13[%dma_wait3A_127] : memref<512xi32, #tpu.memory_space<vmem>> -> memref<128xi32, #tpu.memory_space<vmem>>
    %dma_wait3A_129 = arith.constant 0 : i32
    %dma_wait3A_130 = arith.constant 0 : i32
    %dma_wait3A_131 = tpu.memref_slice %arg6[%dma_wait3A_129, %dma_wait3A_130] : memref<500x128xf32, #tpu.memory_space<hbm>> -> memref<500x128xf32, #tpu.memory_space<hbm>>
    tpu.wait_indirect_dma semaphore(%arg18 : memref<!tpu.dma_semaphore, #tpu.memory_space<semaphore_mem>>) src(%dma_wait3A_131 : memref<500x128xf32, #tpu.memory_space<hbm>>) dst(%dma_wait3A_126 : memref<128x128xf32, #tpu.memory_space<vmem>>)
    %scan3A_132 = arith.constant 0 : i32
    %scan3A_133 = arith.constant 0 : i32
    %scan3A_134 = arith.constant 8 : i32
    %scan3A_135 = arith.addi %scan3A_133, %scan3A_134 : i32
    %scan3A_136 = arith.constant 1 : i32
    scf.for %scan3A_222 = %scan3A_133 to %scan3A_135 step %scan3A_136  : i32 {
      %mul3A_223 = arith.constant 16 : i32
      %mul3A_224 = arith.muli %scan3A_222, %mul3A_223 : i32
      %add3A_225 = arith.constant 128 : i32
      %add3A_226 = arith.addi %add3A_225, %mul3A_224 : i32
      %add3A_227 = vector.broadcast %add3A_226 : i32 to vector<16xi32>
      %add3A_228 = arith.addi %iota3A, %add3A_227 : vector<16xi32>
      %mul3A_229 = arith.constant 16 : i32
      %mul3A_230 = arith.muli %scan3A_222, %mul3A_229 : i32
      %add3A_231 = arith.constant 128 : i32
      %add3A_232 = arith.addi %add3A_231, %mul3A_230 : i32
      %get3A = arith.index_cast %add3A_232 : i32 to index
      %get3A_233 = tpu.vector_load %arg8[%get3A] {strides = array<i32>} : memref<512xi32, #tpu.memory_space<vmem>>, vector<16xi32>,
      %shift_right_logical3A = arith.constant 13 : i32
      %shift_right_logical3A_234 = vector.broadcast %shift_right_logical3A : i32 to vector<16xi32>
      %shift_right_logical3A_235 = arith.shrui %get3A_233, %shift_right_logical3A_234 : vector<16xi32>
      %and3A = arith.constant 1 : i32
      %and3A_236 = vector.broadcast %and3A : i32 to vector<16xi32>
      %and3A_237 = arith.andi %shift_right_logical3A_235, %and3A_236 : vector<16xi32>
      %shift_left3A = arith.constant 6 : i32
      %shift_left3A_238 = vector.broadcast %shift_left3A : i32 to vector<16xi32>
      %shift_left3A_239 = arith.shli %and3A_237, %shift_left3A_238 : vector<16xi32>
      %get3A_240 = arith.index_cast %add3A_232 : i32 to index
      %get3A_241 = tpu.vector_load %arg9[%get3A_240] {strides = array<i32>} : memref<512xi32, #tpu.memory_space<vmem>>, vector<16xi32>,
      %shift_right_logical3A_242 = arith.constant 13 : i32
      %shift_right_logical3A_243 = vector.broadcast %shift_right_logical3A_242 : i32 to vector<16xi32>
      %shift_right_logical3A_244 = arith.shrui %get3A_241, %shift_right_logical3A_243 : vector<16xi32>
      %and3A_245 = arith.constant 1 : i32
      %and3A_246 = vector.broadcast %and3A_245 : i32 to vector<16xi32>
      %and3A_247 = arith.andi %shift_right_logical3A_244, %and3A_246 : vector<16xi32>
      %shift_left3A_248 = arith.constant 6 : i32
      %shift_left3A_249 = vector.broadcast %shift_left3A_248 : i32 to vector<16xi32>
      %shift_left3A_250 = arith.shli %and3A_247, %shift_left3A_249 : vector<16xi32>
      %get3A_251 = arith.index_cast %add3A_232 : i32 to index
      %get3A_252 = tpu.vector_load %arg10[%get3A_251] {strides = array<i32>} : memref<512xi32, #tpu.memory_space<vmem>>, vector<16xi32>,
      %ge3A = arith.constant 500 : i32
      %ge3A_253 = vector.broadcast %ge3A : i32 to vector<16xi32>
      %ge3A_254 = arith.cmpi sge, %get3A_252, %ge3A_253 : vector<16xi32>
      %jit3A = arith.constant 64 : i32
      %jit3A_255 = arith.constant 0 : i32
      %broadcast_in_dim3A = vector.broadcast %jit3A : i32 to vector<16xi32>
      %broadcast_in_dim3A_256 = vector.broadcast %jit3A_255 : i32 to vector<16xi32>
      %select_n3A = arith.select %ge3A_254, %broadcast_in_dim3A, %broadcast_in_dim3A_256 : vector<16xi1>, vector<16xi32>
      %broadcast_in_dim3A_257 = arith.constant 0.000000e+00 : f32
      %broadcast_in_dim3A_258 = vector.broadcast %broadcast_in_dim3A_257 : f32 to vector<16xf32>
      %scan3A_259 = arith.constant 0 : i32
      %scan3A_260 = arith.constant 8 : i32
      %scan3A_261 = arith.addi %scan3A_259, %scan3A_260 : i32
      %scan3A_262 = arith.constant 1 : i32
      %scan3A_263:6 = scf.for %scan3A_451 = %scan3A_259 to %scan3A_261 step %scan3A_262 iter_args(%scan3A_452 = %broadcast_in_dim3A_258, %scan3A_453 = %broadcast_in_dim3A_258, %scan3A_454 = %broadcast_in_dim3A_258, %scan3A_455 = %broadcast_in_dim3A_258, %scan3A_456 = %broadcast_in_dim3A_258, %scan3A_457 = %broadcast_in_dim3A_258) -> (vector<16xf32>, vector<16xf32>, vector<16xf32>, vector<16xf32>, vector<16xf32>, vector<16xf32>)  : i32 {
        %mul3A_458 = arith.constant 8 : i32
        %mul3A_459 = arith.muli %scan3A_451, %mul3A_458 : i32
        %add3A_460 = arith.constant 0 : i32
        %add3A_461 = arith.addi %mul3A_459, %add3A_460 : i32
        %add3A_462 = vector.broadcast %add3A_461 : i32 to vector<16xi32>
        %add3A_463 = arith.addi %shift_left3A_239, %add3A_462 : vector<16xi32>
        %gather3A = tpu.vector_load_idx %arg14[%add3A_228, %add3A_463] : memref<256x128xf32, #tpu.memory_space<vmem>>[vector<16xi32>, vector<16xi32>], vector<16xf32>,
        %add3A_464 = vector.broadcast %add3A_461 : i32 to vector<16xi32>
        %add3A_465 = arith.addi %shift_left3A_250, %add3A_464 : vector<16xi32>
        %gather3A_466 = tpu.vector_load_idx %arg15[%add3A_228, %add3A_465] : memref<256x128xf32, #tpu.memory_space<vmem>>[vector<16xi32>, vector<16xi32>], vector<16xf32>,
        %add3A_467 = vector.broadcast %add3A_461 : i32 to vector<16xi32>
        %add3A_468 = arith.addi %select_n3A, %add3A_467 : vector<16xi32>
        %gather3A_469 = tpu.vector_load_idx %arg16[%add3A_228, %add3A_468] : memref<256x128xf32, #tpu.memory_space<vmem>>[vector<16xi32>, vector<16xi32>], vector<16xf32>,
        %mul3A_470 = arith.mulf %gather3A, %gather3A : vector<16xf32>
        %add3A_471 = arith.addf %scan3A_452, %mul3A_470 : vector<16xf32>
        %mul3A_472 = arith.mulf %gather3A_466, %gather3A_466 : vector<16xf32>
        %add3A_473 = arith.addf %scan3A_453, %mul3A_472 : vector<16xf32>
        %mul3A_474 = arith.mulf %gather3A_469, %gather3A_469 : vector<16xf32>
        %add3A_475 = arith.addf %scan3A_454, %mul3A_474 : vector<16xf32>
        %mul3A_476 = arith.mulf %gather3A, %gather3A_466 : vector<16xf32>
        %add3A_477 = arith.addf %scan3A_455, %mul3A_476 : vector<16xf32>
        %mul3A_478 = arith.mulf %gather3A, %gather3A_469 : vector<16xf32>
        %add3A_479 = arith.addf %scan3A_456, %mul3A_478 : vector<16xf32>
        %mul3A_480 = arith.mulf %gather3A_466, %gather3A_469 : vector<16xf32>
        %add3A_481 = arith.addf %scan3A_457, %mul3A_480 : vector<16xf32>
        %mul3A_482 = arith.constant 8 : i32
        %mul3A_483 = arith.muli %scan3A_451, %mul3A_482 : i32
        %add3A_484 = arith.constant 1 : i32
        %add3A_485 = arith.addi %mul3A_483, %add3A_484 : i32
        %add3A_486 = vector.broadcast %add3A_485 : i32 to vector<16xi32>
        %add3A_487 = arith.addi %shift_left3A_239, %add3A_486 : vector<16xi32>
        %gather3A_488 = tpu.vector_load_idx %arg14[%add3A_228, %add3A_487] : memref<256x128xf32, #tpu.memory_space<vmem>>[vector<16xi32>, vector<16xi32>], vector<16xf32>,
        %add3A_489 = vector.broadcast %add3A_485 : i32 to vector<16xi32>
        %add3A_490 = arith.addi %shift_left3A_250, %add3A_489 : vector<16xi32>
        %gather3A_491 = tpu.vector_load_idx %arg15[%add3A_228, %add3A_490] : memref<256x128xf32, #tpu.memory_space<vmem>>[vector<16xi32>, vector<16xi32>], vector<16xf32>,
        %add3A_492 = vector.broadcast %add3A_485 : i32 to vector<16xi32>
        %add3A_493 = arith.addi %select_n3A, %add3A_492 : vector<16xi32>
        %gather3A_494 = tpu.vector_load_idx %arg16[%add3A_228, %add3A_493] : memref<256x128xf32, #tpu.memory_space<vmem>>[vector<16xi32>, vector<16xi32>], vector<16xf32>,
        %mul3A_495 = arith.mulf %gather3A_488, %gather3A_488 : vector<16xf32>
        %add3A_496 = arith.addf %add3A_471, %mul3A_495 : vector<16xf32>
        %mul3A_497 = arith.mulf %gather3A_491, %gather3A_491 : vector<16xf32>
        %add3A_498 = arith.addf %add3A_473, %mul3A_497 : vector<16xf32>
        %mul3A_499 = arith.mulf %gather3A_494, %gather3A_494 : vector<16xf32>
        %add3A_500 = arith.addf %add3A_475, %mul3A_499 : vector<16xf32>
        %mul3A_501 = arith.mulf %gather3A_488, %gather3A_491 : vector<16xf32>
        %add3A_502 = arith.addf %add3A_477, %mul3A_501 : vector<16xf32>
        %mul3A_503 = arith.mulf %gather3A_488, %gather3A_494 : vector<16xf32>
        %add3A_504 = arith.addf %add3A_479, %mul3A_503 : vector<16xf32>
        %mul3A_505 = arith.mulf %gather3A_491, %gather3A_494 : vector<16xf32>
        %add3A_506 = arith.addf %add3A_481, %mul3A_505 : vector<16xf32>
        %mul3A_507 = arith.constant 8 : i32
        %mul3A_508 = arith.muli %scan3A_451, %mul3A_507 : i32
        %add3A_509 = arith.constant 2 : i32
        %add3A_510 = arith.addi %mul3A_508, %add3A_509 : i32
        %add3A_511 = vector.broadcast %add3A_510 : i32 to vector<16xi32>
        %add3A_512 = arith.addi %shift_left3A_239, %add3A_511 : vector<16xi32>
        %gather3A_513 = tpu.vector_load_idx %arg14[%add3A_228, %add3A_512] : memref<256x128xf32, #tpu.memory_space<vmem>>[vector<16xi32>, vector<16xi32>], vector<16xf32>,
        %add3A_514 = vector.broadcast %add3A_510 : i32 to vector<16xi32>
        %add3A_515 = arith.addi %shift_left3A_250, %add3A_514 : vector<16xi32>
        %gather3A_516 = tpu.vector_load_idx %arg15[%add3A_228, %add3A_515] : memref<256x128xf32, #tpu.memory_space<vmem>>[vector<16xi32>, vector<16xi32>], vector<16xf32>,
        %add3A_517 = vector.broadcast %add3A_510 : i32 to vector<16xi32>
        %add3A_518 = arith.addi %select_n3A, %add3A_517 : vector<16xi32>
        %gather3A_519 = tpu.vector_load_idx %arg16[%add3A_228, %add3A_518] : memref<256x128xf32, #tpu.memory_space<vmem>>[vector<16xi32>, vector<16xi32>], vector<16xf32>,
        %mul3A_520 = arith.mulf %gather3A_513, %gather3A_513 : vector<16xf32>
        %add3A_521 = arith.addf %add3A_496, %mul3A_520 : vector<16xf32>
        %mul3A_522 = arith.mulf %gather3A_516, %gather3A_516 : vector<16xf32>
        %add3A_523 = arith.addf %add3A_498, %mul3A_522 : vector<16xf32>
        %mul3A_524 = arith.mulf %gather3A_519, %gather3A_519 : vector<16xf32>
        %add3A_525 = arith.addf %add3A_500, %mul3A_524 : vector<16xf32>
        %mul3A_526 = arith.mulf %gather3A_513, %gather3A_516 : vector<16xf32>
        %add3A_527 = arith.addf %add3A_502, %mul3A_526 : vector<16xf32>
        %mul3A_528 = arith.mulf %gather3A_513, %gather3A_519 : vector<16xf32>
        %add3A_529 = arith.addf %add3A_504, %mul3A_528 : vector<16xf32>
        %mul3A_530 = arith.mulf %gather3A_516, %gather3A_519 : vector<16xf32>
        %add3A_531 = arith.addf %add3A_506, %mul3A_530 : vector<16xf32>
        %mul3A_532 = arith.constant 8 : i32
        %mul3A_533 = arith.muli %scan3A_451, %mul3A_532 : i32
        %add3A_534 = arith.constant 3 : i32
        %add3A_535 = arith.addi %mul3A_533, %add3A_534 : i32
        %add3A_536 = vector.broadcast %add3A_535 : i32 to vector<16xi32>
        %add3A_537 = arith.addi %shift_left3A_239, %add3A_536 : vector<16xi32>
        %gather3A_538 = tpu.vector_load_idx %arg14[%add3A_228, %add3A_537] : memref<256x128xf32, #tpu.memory_space<vmem>>[vector<16xi32>, vector<16xi32>], vector<16xf32>,
        %add3A_539 = vector.broadcast %add3A_535 : i32 to vector<16xi32>
        %add3A_540 = arith.addi %shift_left3A_250, %add3A_539 : vector<16xi32>
        %gather3A_541 = tpu.vector_load_idx %arg15[%add3A_228, %add3A_540] : memref<256x128xf32, #tpu.memory_space<vmem>>[vector<16xi32>, vector<16xi32>], vector<16xf32>,
        %add3A_542 = vector.broadcast %add3A_535 : i32 to vector<16xi32>
        %add3A_543 = arith.addi %select_n3A, %add3A_542 : vector<16xi32>
        %gather3A_544 = tpu.vector_load_idx %arg16[%add3A_228, %add3A_543] : memref<256x128xf32, #tpu.memory_space<vmem>>[vector<16xi32>, vector<16xi32>], vector<16xf32>,
        %mul3A_545 = arith.mulf %gather3A_538, %gather3A_538 : vector<16xf32>
        %add3A_546 = arith.addf %add3A_521, %mul3A_545 : vector<16xf32>
        %mul3A_547 = arith.mulf %gather3A_541, %gather3A_541 : vector<16xf32>
        %add3A_548 = arith.addf %add3A_523, %mul3A_547 : vector<16xf32>
        %mul3A_549 = arith.mulf %gather3A_544, %gather3A_544 : vector<16xf32>
        %add3A_550 = arith.addf %add3A_525, %mul3A_549 : vector<16xf32>
        %mul3A_551 = arith.mulf %gather3A_538, %gather3A_541 : vector<16xf32>
        %add3A_552 = arith.addf %add3A_527, %mul3A_551 : vector<16xf32>
        %mul3A_553 = arith.mulf %gather3A_538, %gather3A_544 : vector<16xf32>
        %add3A_554 = arith.addf %add3A_529, %mul3A_553 : vector<16xf32>
        %mul3A_555 = arith.mulf %gather3A_541, %gather3A_544 : vector<16xf32>
        %add3A_556 = arith.addf %add3A_531, %mul3A_555 : vector<16xf32>
        %mul3A_557 = arith.constant 8 : i32
        %mul3A_558 = arith.muli %scan3A_451, %mul3A_557 : i32
        %add3A_559 = arith.constant 4 : i32
        %add3A_560 = arith.addi %mul3A_558, %add3A_559 : i32
        %add3A_561 = vector.broadcast %add3A_560 : i32 to vector<16xi32>
        %add3A_562 = arith.addi %shift_left3A_239, %add3A_561 : vector<16xi32>
        %gather3A_563 = tpu.vector_load_idx %arg14[%add3A_228, %add3A_562] : memref<256x128xf32, #tpu.memory_space<vmem>>[vector<16xi32>, vector<16xi32>], vector<16xf32>,
        %add3A_564 = vector.broadcast %add3A_560 : i32 to vector<16xi32>
        %add3A_565 = arith.addi %shift_left3A_250, %add3A_564 : vector<16xi32>
        %gather3A_566 = tpu.vector_load_idx %arg15[%add3A_228, %add3A_565] : memref<256x128xf32, #tpu.memory_space<vmem>>[vector<16xi32>, vector<16xi32>], vector<16xf32>,
        %add3A_567 = vector.broadcast %add3A_560 : i32 to vector<16xi32>
        %add3A_568 = arith.addi %select_n3A, %add3A_567 : vector<16xi32>
        %gather3A_569 = tpu.vector_load_idx %arg16[%add3A_228, %add3A_568] : memref<256x128xf32, #tpu.memory_space<vmem>>[vector<16xi32>, vector<16xi32>], vector<16xf32>,
        %mul3A_570 = arith.mulf %gather3A_563, %gather3A_563 : vector<16xf32>
        %add3A_571 = arith.addf %add3A_546, %mul3A_570 : vector<16xf32>
        %mul3A_572 = arith.mulf %gather3A_566, %gather3A_566 : vector<16xf32>
        %add3A_573 = arith.addf %add3A_548, %mul3A_572 : vector<16xf32>
        %mul3A_574 = arith.mulf %gather3A_569, %gather3A_569 : vector<16xf32>
        %add3A_575 = arith.addf %add3A_550, %mul3A_574 : vector<16xf32>
        %mul3A_576 = arith.mulf %gather3A_563, %gather3A_566 : vector<16xf32>
        %add3A_577 = arith.addf %add3A_552, %mul3A_576 : vector<16xf32>
        %mul3A_578 = arith.mulf %gather3A_563, %gather3A_569 : vector<16xf32>
        %add3A_579 = arith.addf %add3A_554, %mul3A_578 : vector<16xf32>
        %mul3A_580 = arith.mulf %gather3A_566, %gather3A_569 : vector<16xf32>
        %add3A_581 = arith.addf %add3A_556, %mul3A_580 : vector<16xf32>
        %mul3A_582 = arith.constant 8 : i32
        %mul3A_583 = arith.muli %scan3A_451, %mul3A_582 : i32
        %add3A_584 = arith.constant 5 : i32
        %add3A_585 = arith.addi %mul3A_583, %add3A_584 : i32
        %add3A_586 = vector.broadcast %add3A_585 : i32 to vector<16xi32>
        %add3A_587 = arith.addi %shift_left3A_239, %add3A_586 : vector<16xi32>
        %gather3A_588 = tpu.vector_load_idx %arg14[%add3A_228, %add3A_587] : memref<256x128xf32, #tpu.memory_space<vmem>>[vector<16xi32>, vector<16xi32>], vector<16xf32>,
        %add3A_589 = vector.broadcast %add3A_585 : i32 to vector<16xi32>
        %add3A_590 = arith.addi %shift_left3A_250, %add3A_589 : vector<16xi32>
        %gather3A_591 = tpu.vector_load_idx %arg15[%add3A_228, %add3A_590] : memref<256x128xf32, #tpu.memory_space<vmem>>[vector<16xi32>, vector<16xi32>], vector<16xf32>,
        %add3A_592 = vector.broadcast %add3A_585 : i32 to vector<16xi32>
        %add3A_593 = arith.addi %select_n3A, %add3A_592 : vector<16xi32>
        %gather3A_594 = tpu.vector_load_idx %arg16[%add3A_228, %add3A_593] : memref<256x128xf32, #tpu.memory_space<vmem>>[vector<16xi32>, vector<16xi32>], vector<16xf32>,
        %mul3A_595 = arith.mulf %gather3A_588, %gather3A_588 : vector<16xf32>
        %add3A_596 = arith.addf %add3A_571, %mul3A_595 : vector<16xf32>
        %mul3A_597 = arith.mulf %gather3A_591, %gather3A_591 : vector<16xf32>
        %add3A_598 = arith.addf %add3A_573, %mul3A_597 : vector<16xf32>
        %mul3A_599 = arith.mulf %gather3A_594, %gather3A_594 : vector<16xf32>
        %add3A_600 = arith.addf %add3A_575, %mul3A_599 : vector<16xf32>
        %mul3A_601 = arith.mulf %gather3A_588, %gather3A_591 : vector<16xf32>
        %add3A_602 = arith.addf %add3A_577, %mul3A_601 : vector<16xf32>
        %mul3A_603 = arith.mulf %gather3A_588, %gather3A_594 : vector<16xf32>
        %add3A_604 = arith.addf %add3A_579, %mul3A_603 : vector<16xf32>
        %mul3A_605 = arith.mulf %gather3A_591, %gather3A_594 : vector<16xf32>
        %add3A_606 = arith.addf %add3A_581, %mul3A_605 : vector<16xf32>
        %mul3A_607 = arith.constant 8 : i32
        %mul3A_608 = arith.muli %scan3A_451, %mul3A_607 : i32
        %add3A_609 = arith.constant 6 : i32
        %add3A_610 = arith.addi %mul3A_608, %add3A_609 : i32
        %add3A_611 = vector.broadcast %add3A_610 : i32 to vector<16xi32>
        %add3A_612 = arith.addi %shift_left3A_239, %add3A_611 : vector<16xi32>
        %gather3A_613 = tpu.vector_load_idx %arg14[%add3A_228, %add3A_612] : memref<256x128xf32, #tpu.memory_space<vmem>>[vector<16xi32>, vector<16xi32>], vector<16xf32>,
        %add3A_614 = vector.broadcast %add3A_610 : i32 to vector<16xi32>
        %add3A_615 = arith.addi %shift_left3A_250, %add3A_614 : vector<16xi32>
        %gather3A_616 = tpu.vector_load_idx %arg15[%add3A_228, %add3A_615] : memref<256x128xf32, #tpu.memory_space<vmem>>[vector<16xi32>, vector<16xi32>], vector<16xf32>,
        %add3A_617 = vector.broadcast %add3A_610 : i32 to vector<16xi32>
        %add3A_618 = arith.addi %select_n3A, %add3A_617 : vector<16xi32>
        %gather3A_619 = tpu.vector_load_idx %arg16[%add3A_228, %add3A_618] : memref<256x128xf32, #tpu.memory_space<vmem>>[vector<16xi32>, vector<16xi32>], vector<16xf32>,
        %mul3A_620 = arith.mulf %gather3A_613, %gather3A_613 : vector<16xf32>
        %add3A_621 = arith.addf %add3A_596, %mul3A_620 : vector<16xf32>
        %mul3A_622 = arith.mulf %gather3A_616, %gather3A_616 : vector<16xf32>
        %add3A_623 = arith.addf %add3A_598, %mul3A_622 : vector<16xf32>
        %mul3A_624 = arith.mulf %gather3A_619, %gather3A_619 : vector<16xf32>
        %add3A_625 = arith.addf %add3A_600, %mul3A_624 : vector<16xf32>
        %mul3A_626 = arith.mulf %gather3A_613, %gather3A_616 : vector<16xf32>
        %add3A_627 = arith.addf %add3A_602, %mul3A_626 : vector<16xf32>
        %mul3A_628 = arith.mulf %gather3A_613, %gather3A_619 : vector<16xf32>
        %add3A_629 = arith.addf %add3A_604, %mul3A_628 : vector<16xf32>
        %mul3A_630 = arith.mulf %gather3A_616, %gather3A_619 : vector<16xf32>
        %add3A_631 = arith.addf %add3A_606, %mul3A_630 : vector<16xf32>
        %mul3A_632 = arith.constant 8 : i32
        %mul3A_633 = arith.muli %scan3A_451, %mul3A_632 : i32
        %add3A_634 = arith.constant 7 : i32
        %add3A_635 = arith.addi %mul3A_633, %add3A_634 : i32
        %add3A_636 = vector.broadcast %add3A_635 : i32 to vector<16xi32>
        %add3A_637 = arith.addi %shift_left3A_239, %add3A_636 : vector<16xi32>
        %gather3A_638 = tpu.vector_load_idx %arg14[%add3A_228, %add3A_637] : memref<256x128xf32, #tpu.memory_space<vmem>>[vector<16xi32>, vector<16xi32>], vector<16xf32>,
        %add3A_639 = vector.broadcast %add3A_635 : i32 to vector<16xi32>
        %add3A_640 = arith.addi %shift_left3A_250, %add3A_639 : vector<16xi32>
        %gather3A_641 = tpu.vector_load_idx %arg15[%add3A_228, %add3A_640] : memref<256x128xf32, #tpu.memory_space<vmem>>[vector<16xi32>, vector<16xi32>], vector<16xf32>,
        %add3A_642 = vector.broadcast %add3A_635 : i32 to vector<16xi32>
        %add3A_643 = arith.addi %select_n3A, %add3A_642 : vector<16xi32>
        %gather3A_644 = tpu.vector_load_idx %arg16[%add3A_228, %add3A_643] : memref<256x128xf32, #tpu.memory_space<vmem>>[vector<16xi32>, vector<16xi32>], vector<16xf32>,
        %mul3A_645 = arith.mulf %gather3A_638, %gather3A_638 : vector<16xf32>
        %add3A_646 = arith.addf %add3A_621, %mul3A_645 : vector<16xf32>
        %mul3A_647 = arith.mulf %gather3A_641, %gather3A_641 : vector<16xf32>
        %add3A_648 = arith.addf %add3A_623, %mul3A_647 : vector<16xf32>
        %mul3A_649 = arith.mulf %gather3A_644, %gather3A_644 : vector<16xf32>
        %add3A_650 = arith.addf %add3A_625, %mul3A_649 : vector<16xf32>
        %mul3A_651 = arith.mulf %gather3A_638, %gather3A_641 : vector<16xf32>
        %add3A_652 = arith.addf %add3A_627, %mul3A_651 : vector<16xf32>
        %mul3A_653 = arith.mulf %gather3A_638, %gather3A_644 : vector<16xf32>
        %add3A_654 = arith.addf %add3A_629, %mul3A_653 : vector<16xf32>
        %mul3A_655 = arith.mulf %gather3A_641, %gather3A_644 : vector<16xf32>
        %add3A_656 = arith.addf %add3A_631, %mul3A_655 : vector<16xf32>
        scf.yield %add3A_646, %add3A_648, %add3A_650, %add3A_652, %add3A_654, %add3A_656 : vector<16xf32>, vector<16xf32>, vector<16xf32>, vector<16xf32>, vector<16xf32>, vector<16xf32>
      }
      %scan3A_264 = arith.constant 8 : i32
      %bitcast3A = vector.bitcast %scan3A_263#0 : vector<16xf32> to vector<16xi32>
      %shift_right_logical3A_265 = arith.constant 1 : i32
      %shift_right_logical3A_266 = vector.broadcast %shift_right_logical3A_265 : i32 to vector<16xi32>
      %shift_right_logical3A_267 = arith.shrui %bitcast3A, %shift_right_logical3A_266 : vector<16xi32>
      %sub3A = arith.constant 1597463007 : i32
      %sub3A_268 = vector.broadcast %sub3A : i32 to vector<16xi32>
      %sub3A_269 = arith.subi %sub3A_268, %shift_right_logical3A_267 : vector<16xi32>
      %bitcast3A_270 = vector.bitcast %sub3A_269 : vector<16xi32> to vector<16xf32>
      %mul3A_271 = arith.constant 5.000000e-01 : f32
      %mul3A_272 = vector.broadcast %mul3A_271 : f32 to vector<16xf32>
      %mul3A_273 = arith.mulf %mul3A_272, %scan3A_263#0 : vector<16xf32>
      %mul3A_274 = arith.mulf %mul3A_273, %bitcast3A_270 : vector<16xf32>
      %mul3A_275 = arith.mulf %mul3A_274, %bitcast3A_270 : vector<16xf32>
      %sub3A_276 = arith.constant 1.500000e+00 : f32
      %sub3A_277 = vector.broadcast %sub3A_276 : f32 to vector<16xf32>
      %sub3A_278 = arith.subf %sub3A_277, %mul3A_275 : vector<16xf32>
      %mul3A_279 = arith.mulf %bitcast3A_270, %sub3A_278 : vector<16xf32>
      %mul3A_280 = arith.constant 5.000000e-01 : f32
      %mul3A_281 = vector.broadcast %mul3A_280 : f32 to vector<16xf32>
      %mul3A_282 = arith.mulf %mul3A_281, %scan3A_263#0 : vector<16xf32>
      %mul3A_283 = arith.mulf %mul3A_282, %mul3A_279 : vector<16xf32>
      %mul3A_284 = arith.mulf %mul3A_283, %mul3A_279 : vector<16xf32>
      %sub3A_285 = arith.constant 1.500000e+00 : f32
      %sub3A_286 = vector.broadcast %sub3A_285 : f32 to vector<16xf32>
      %sub3A_287 = arith.subf %sub3A_286, %mul3A_284 : vector<16xf32>
      %mul3A_288 = arith.mulf %mul3A_279, %sub3A_287 : vector<16xf32>
      %mul3A_289 = arith.constant 5.000000e-01 : f32
      %mul3A_290 = vector.broadcast %mul3A_289 : f32 to vector<16xf32>
      %mul3A_291 = arith.mulf %mul3A_290, %scan3A_263#0 : vector<16xf32>
      %mul3A_292 = arith.mulf %mul3A_291, %mul3A_288 : vector<16xf32>
      %mul3A_293 = arith.mulf %mul3A_292, %mul3A_288 : vector<16xf32>
      %sub3A_294 = arith.constant 1.500000e+00 : f32
      %sub3A_295 = vector.broadcast %sub3A_294 : f32 to vector<16xf32>
      %sub3A_296 = arith.subf %sub3A_295, %mul3A_293 : vector<16xf32>
      %mul3A_297 = arith.mulf %mul3A_288, %sub3A_296 : vector<16xf32>
      %mul3A_298 = arith.mulf %scan3A_263#0, %mul3A_297 : vector<16xf32>
      %max3A = arith.constant 9.99999996E-13 : f32
      %max3A_299 = vector.broadcast %max3A : f32 to vector<16xf32>
      %max3A_300 = arith.maximumf %mul3A_298, %max3A_299 : vector<16xf32>
      %div3A = arith.constant 1.000000e+00 : f32
      %div3A_301 = vector.broadcast %div3A : f32 to vector<16xf32>
      %div3A_302 = arith.divf %div3A_301, %max3A_300 : vector<16xf32>
      %bitcast3A_303 = vector.bitcast %scan3A_263#1 : vector<16xf32> to vector<16xi32>
      %shift_right_logical3A_304 = arith.constant 1 : i32
      %shift_right_logical3A_305 = vector.broadcast %shift_right_logical3A_304 : i32 to vector<16xi32>
      %shift_right_logical3A_306 = arith.shrui %bitcast3A_303, %shift_right_logical3A_305 : vector<16xi32>
      %sub3A_307 = arith.constant 1597463007 : i32
      %sub3A_308 = vector.broadcast %sub3A_307 : i32 to vector<16xi32>
      %sub3A_309 = arith.subi %sub3A_308, %shift_right_logical3A_306 : vector<16xi32>
      %bitcast3A_310 = vector.bitcast %sub3A_309 : vector<16xi32> to vector<16xf32>
      %mul3A_311 = arith.constant 5.000000e-01 : f32
      %mul3A_312 = vector.broadcast %mul3A_311 : f32 to vector<16xf32>
      %mul3A_313 = arith.mulf %mul3A_312, %scan3A_263#1 : vector<16xf32>
      %mul3A_314 = arith.mulf %mul3A_313, %bitcast3A_310 : vector<16xf32>
      %mul3A_315 = arith.mulf %mul3A_314, %bitcast3A_310 : vector<16xf32>
      %sub3A_316 = arith.constant 1.500000e+00 : f32
      %sub3A_317 = vector.broadcast %sub3A_316 : f32 to vector<16xf32>
      %sub3A_318 = arith.subf %sub3A_317, %mul3A_315 : vector<16xf32>
      %mul3A_319 = arith.mulf %bitcast3A_310, %sub3A_318 : vector<16xf32>
      %mul3A_320 = arith.constant 5.000000e-01 : f32
      %mul3A_321 = vector.broadcast %mul3A_320 : f32 to vector<16xf32>
      %mul3A_322 = arith.mulf %mul3A_321, %scan3A_263#1 : vector<16xf32>
      %mul3A_323 = arith.mulf %mul3A_322, %mul3A_319 : vector<16xf32>
      %mul3A_324 = arith.mulf %mul3A_323, %mul3A_319 : vector<16xf32>
      %sub3A_325 = arith.constant 1.500000e+00 : f32
      %sub3A_326 = vector.broadcast %sub3A_325 : f32 to vector<16xf32>
      %sub3A_327 = arith.subf %sub3A_326, %mul3A_324 : vector<16xf32>
      %mul3A_328 = arith.mulf %mul3A_319, %sub3A_327 : vector<16xf32>
      %mul3A_329 = arith.constant 5.000000e-01 : f32
      %mul3A_330 = vector.broadcast %mul3A_329 : f32 to vector<16xf32>
      %mul3A_331 = arith.mulf %mul3A_330, %scan3A_263#1 : vector<16xf32>
      %mul3A_332 = arith.mulf %mul3A_331, %mul3A_328 : vector<16xf32>
      %mul3A_333 = arith.mulf %mul3A_332, %mul3A_328 : vector<16xf32>
      %sub3A_334 = arith.constant 1.500000e+00 : f32
      %sub3A_335 = vector.broadcast %sub3A_334 : f32 to vector<16xf32>
      %sub3A_336 = arith.subf %sub3A_335, %mul3A_333 : vector<16xf32>
      %mul3A_337 = arith.mulf %mul3A_328, %sub3A_336 : vector<16xf32>
      %mul3A_338 = arith.mulf %scan3A_263#1, %mul3A_337 : vector<16xf32>
      %max3A_339 = arith.constant 9.99999996E-13 : f32
      %max3A_340 = vector.broadcast %max3A_339 : f32 to vector<16xf32>
      %max3A_341 = arith.maximumf %mul3A_338, %max3A_340 : vector<16xf32>
      %div3A_342 = arith.constant 1.000000e+00 : f32
      %div3A_343 = vector.broadcast %div3A_342 : f32 to vector<16xf32>
      %div3A_344 = arith.divf %div3A_343, %max3A_341 : vector<16xf32>
      %bitcast3A_345 = vector.bitcast %scan3A_263#2 : vector<16xf32> to vector<16xi32>
      %shift_right_logical3A_346 = arith.constant 1 : i32
      %shift_right_logical3A_347 = vector.broadcast %shift_right_logical3A_346 : i32 to vector<16xi32>
      %shift_right_logical3A_348 = arith.shrui %bitcast3A_345, %shift_right_logical3A_347 : vector<16xi32>
      %sub3A_349 = arith.constant 1597463007 : i32
      %sub3A_350 = vector.broadcast %sub3A_349 : i32 to vector<16xi32>
      %sub3A_351 = arith.subi %sub3A_350, %shift_right_logical3A_348 : vector<16xi32>
      %bitcast3A_352 = vector.bitcast %sub3A_351 : vector<16xi32> to vector<16xf32>
      %mul3A_353 = arith.constant 5.000000e-01 : f32
      %mul3A_354 = vector.broadcast %mul3A_353 : f32 to vector<16xf32>
      %mul3A_355 = arith.mulf %mul3A_354, %scan3A_263#2 : vector<16xf32>
      %mul3A_356 = arith.mulf %mul3A_355, %bitcast3A_352 : vector<16xf32>
      %mul3A_357 = arith.mulf %mul3A_356, %bitcast3A_352 : vector<16xf32>
      %sub3A_358 = arith.constant 1.500000e+00 : f32
      %sub3A_359 = vector.broadcast %sub3A_358 : f32 to vector<16xf32>
      %sub3A_360 = arith.subf %sub3A_359, %mul3A_357 : vector<16xf32>
      %mul3A_361 = arith.mulf %bitcast3A_352, %sub3A_360 : vector<16xf32>
      %mul3A_362 = arith.constant 5.000000e-01 : f32
      %mul3A_363 = vector.broadcast %mul3A_362 : f32 to vector<16xf32>
      %mul3A_364 = arith.mulf %mul3A_363, %scan3A_263#2 : vector<16xf32>
      %mul3A_365 = arith.mulf %mul3A_364, %mul3A_361 : vector<16xf32>
      %mul3A_366 = arith.mulf %mul3A_365, %mul3A_361 : vector<16xf32>
      %sub3A_367 = arith.constant 1.500000e+00 : f32
      %sub3A_368 = vector.broadcast %sub3A_367 : f32 to vector<16xf32>
      %sub3A_369 = arith.subf %sub3A_368, %mul3A_366 : vector<16xf32>
      %mul3A_370 = arith.mulf %mul3A_361, %sub3A_369 : vector<16xf32>
      %mul3A_371 = arith.constant 5.000000e-01 : f32
      %mul3A_372 = vector.broadcast %mul3A_371 : f32 to vector<16xf32>
      %mul3A_373 = arith.mulf %mul3A_372, %scan3A_263#2 : vector<16xf32>
      %mul3A_374 = arith.mulf %mul3A_373, %mul3A_370 : vector<16xf32>
      %mul3A_375 = arith.mulf %mul3A_374, %mul3A_370 : vector<16xf32>
      %sub3A_376 = arith.constant 1.500000e+00 : f32
      %sub3A_377 = vector.broadcast %sub3A_376 : f32 to vector<16xf32>
      %sub3A_378 = arith.subf %sub3A_377, %mul3A_375 : vector<16xf32>
      %mul3A_379 = arith.mulf %mul3A_370, %sub3A_378 : vector<16xf32>
      %mul3A_380 = arith.mulf %scan3A_263#2, %mul3A_379 : vector<16xf32>
      %max3A_381 = arith.constant 9.99999996E-13 : f32
      %max3A_382 = vector.broadcast %max3A_381 : f32 to vector<16xf32>
      %max3A_383 = arith.maximumf %mul3A_380, %max3A_382 : vector<16xf32>
      %div3A_384 = arith.constant 1.000000e+00 : f32
      %div3A_385 = vector.broadcast %div3A_384 : f32 to vector<16xf32>
      %div3A_386 = arith.divf %div3A_385, %max3A_383 : vector<16xf32>
      %mul3A_387 = arith.mulf %scan3A_263#0, %div3A_302 : vector<16xf32>
      %mul3A_388 = arith.mulf %mul3A_387, %div3A_302 : vector<16xf32>
      %mul3A_389 = arith.mulf %scan3A_263#1, %div3A_344 : vector<16xf32>
      %mul3A_390 = arith.mulf %mul3A_389, %div3A_344 : vector<16xf32>
      %add3A_391 = arith.addf %mul3A_388, %mul3A_390 : vector<16xf32>
      %mul3A_392 = arith.mulf %scan3A_263#2, %div3A_386 : vector<16xf32>
      %mul3A_393 = arith.mulf %mul3A_392, %div3A_386 : vector<16xf32>
      %add3A_394 = arith.addf %add3A_391, %mul3A_393 : vector<16xf32>
      %mul3A_395 = arith.mulf %div3A_302, %div3A_344 : vector<16xf32>
      %mul3A_396 = arith.mulf %mul3A_395, %scan3A_263#3 : vector<16xf32>
      %mul3A_397 = arith.mulf %div3A_302, %div3A_386 : vector<16xf32>
      %mul3A_398 = arith.mulf %mul3A_397, %scan3A_263#4 : vector<16xf32>
      %sub3A_399 = arith.subf %mul3A_396, %mul3A_398 : vector<16xf32>
      %mul3A_400 = arith.mulf %div3A_344, %div3A_386 : vector<16xf32>
      %mul3A_401 = arith.mulf %mul3A_400, %scan3A_263#5 : vector<16xf32>
      %add3A_402 = arith.addf %sub3A_399, %mul3A_401 : vector<16xf32>
      %mul3A_403 = arith.constant 2.000000e+00 : f32
      %mul3A_404 = vector.broadcast %mul3A_403 : f32 to vector<16xf32>
      %mul3A_405 = arith.mulf %mul3A_404, %add3A_402 : vector<16xf32>
      %sub3A_406 = arith.subf %add3A_394, %mul3A_405 : vector<16xf32>
      %max3A_407 = arith.constant 0.000000e+00 : f32
      %max3A_408 = vector.broadcast %max3A_407 : f32 to vector<16xf32>
      %max3A_409 = arith.maximumf %sub3A_406, %max3A_408 : vector<16xf32>
      %bitcast3A_410 = vector.bitcast %max3A_409 : vector<16xf32> to vector<16xi32>
      %shift_right_logical3A_411 = arith.constant 1 : i32
      %shift_right_logical3A_412 = vector.broadcast %shift_right_logical3A_411 : i32 to vector<16xi32>
      %shift_right_logical3A_413 = arith.shrui %bitcast3A_410, %shift_right_logical3A_412 : vector<16xi32>
      %sub3A_414 = arith.constant 1597463007 : i32
      %sub3A_415 = vector.broadcast %sub3A_414 : i32 to vector<16xi32>
      %sub3A_416 = arith.subi %sub3A_415, %shift_right_logical3A_413 : vector<16xi32>
      %bitcast3A_417 = vector.bitcast %sub3A_416 : vector<16xi32> to vector<16xf32>
      %mul3A_418 = arith.constant 5.000000e-01 : f32
      %mul3A_419 = vector.broadcast %mul3A_418 : f32 to vector<16xf32>
      %mul3A_420 = arith.mulf %mul3A_419, %max3A_409 : vector<16xf32>
      %mul3A_421 = arith.mulf %mul3A_420, %bitcast3A_417 : vector<16xf32>
      %mul3A_422 = arith.mulf %mul3A_421, %bitcast3A_417 : vector<16xf32>
      %sub3A_423 = arith.constant 1.500000e+00 : f32
      %sub3A_424 = vector.broadcast %sub3A_423 : f32 to vector<16xf32>
      %sub3A_425 = arith.subf %sub3A_424, %mul3A_422 : vector<16xf32>
      %mul3A_426 = arith.mulf %bitcast3A_417, %sub3A_425 : vector<16xf32>
      %mul3A_427 = arith.constant 5.000000e-01 : f32
      %mul3A_428 = vector.broadcast %mul3A_427 : f32 to vector<16xf32>
      %mul3A_429 = arith.mulf %mul3A_428, %max3A_409 : vector<16xf32>
      %mul3A_430 = arith.mulf %mul3A_429, %mul3A_426 : vector<16xf32>
      %mul3A_431 = arith.mulf %mul3A_430, %mul3A_426 : vector<16xf32>
      %sub3A_432 = arith.constant 1.500000e+00 : f32
      %sub3A_433 = vector.broadcast %sub3A_432 : f32 to vector<16xf32>
      %sub3A_434 = arith.subf %sub3A_433, %mul3A_431 : vector<16xf32>
      %mul3A_435 = arith.mulf %mul3A_426, %sub3A_434 : vector<16xf32>
      %mul3A_436 = arith.constant 5.000000e-01 : f32
      %mul3A_437 = vector.broadcast %mul3A_436 : f32 to vector<16xf32>
      %mul3A_438 = arith.mulf %mul3A_437, %max3A_409 : vector<16xf32>
      %mul3A_439 = arith.mulf %mul3A_438, %mul3A_435 : vector<16xf32>
      %mul3A_440 = arith.mulf %mul3A_439, %mul3A_435 : vector<16xf32>
      %sub3A_441 = arith.constant 1.500000e+00 : f32
      %sub3A_442 = vector.broadcast %sub3A_441 : f32 to vector<16xf32>
      %sub3A_443 = arith.subf %sub3A_442, %mul3A_440 : vector<16xf32>
      %mul3A_444 = arith.mulf %mul3A_435, %sub3A_443 : vector<16xf32>
      %mul3A_445 = arith.mulf %max3A_409, %mul3A_444 : vector<16xf32>
      %mul3A_446 = arith.constant 16 : i32
      %mul3A_447 = arith.muli %scan3A_222, %mul3A_446 : i32
      %add3A_448 = arith.constant 128 : i32
      %add3A_449 = arith.addi %add3A_448, %mul3A_447 : i32
      %swap3A = arith.index_cast %add3A_449 : i32 to index
      %swap3A_450 = tpu.vector_load %arg17[%swap3A] {strides = array<i32>} : memref<512xf32, #tpu.memory_space<vmem>>, vector<16xf32>,
      tpu.vector_store %arg17[%swap3A], %mul3A_445 {strides = array<i32>} : memref<512xf32, #tpu.memory_space<vmem>>, vector<16xf32>,
    }
    %scan3A_137 = arith.constant 8 : i32
    %dma_start3A_138 = arith.constant 128 : i32
    %dma_start3A_139 = arith.constant 0 : i32
    %dma_start3A_140 = tpu.memref_slice %arg14[%dma_start3A_138, %dma_start3A_139] : memref<256x128xf32, #tpu.memory_space<vmem>> -> memref<128x128xf32, #tpu.memory_space<vmem>>
    %dma_start3A_141 = arith.constant 384 : i32
    %dma_start3A_142 = tpu.memref_slice %arg11[%dma_start3A_141] : memref<512xi32, #tpu.memory_space<vmem>> -> memref<128xi32, #tpu.memory_space<vmem>>
    %dma_start3A_143 = arith.constant 0 : i32
    %dma_start3A_144 = arith.constant 0 : i32
    %dma_start3A_145 = tpu.memref_slice %arg5[%dma_start3A_143, %dma_start3A_144] : memref<507904x128xf32, #tpu.memory_space<hbm>> -> memref<507904x128xf32, #tpu.memory_space<hbm>>
    tpu.enqueue_indirect_dma source(%dma_start3A_145 : memref<507904x128xf32, #tpu.memory_space<hbm>>) target(%dma_start3A_140 : memref<128x128xf32, #tpu.memory_space<vmem>>) offsets(%dma_start3A_142 : memref<128xi32, #tpu.memory_space<vmem>>) semaphore(%arg18 : memref<!tpu.dma_semaphore, #tpu.memory_space<semaphore_mem>>)
    %dma_start3A_146 = arith.constant 128 : i32
    %dma_start3A_147 = arith.constant 0 : i32
    %dma_start3A_148 = tpu.memref_slice %arg15[%dma_start3A_146, %dma_start3A_147] : memref<256x128xf32, #tpu.memory_space<vmem>> -> memref<128x128xf32, #tpu.memory_space<vmem>>
    %dma_start3A_149 = arith.constant 384 : i32
    %dma_start3A_150 = tpu.memref_slice %arg12[%dma_start3A_149] : memref<512xi32, #tpu.memory_space<vmem>> -> memref<128xi32, #tpu.memory_space<vmem>>
    %dma_start3A_151 = arith.constant 0 : i32
    %dma_start3A_152 = arith.constant 0 : i32
    %dma_start3A_153 = tpu.memref_slice %arg5[%dma_start3A_151, %dma_start3A_152] : memref<507904x128xf32, #tpu.memory_space<hbm>> -> memref<507904x128xf32, #tpu.memory_space<hbm>>
    tpu.enqueue_indirect_dma source(%dma_start3A_153 : memref<507904x128xf32, #tpu.memory_space<hbm>>) target(%dma_start3A_148 : memref<128x128xf32, #tpu.memory_space<vmem>>) offsets(%dma_start3A_150 : memref<128xi32, #tpu.memory_space<vmem>>) semaphore(%arg18 : memref<!tpu.dma_semaphore, #tpu.memory_space<semaphore_mem>>)
    %dma_start3A_154 = arith.constant 128 : i32
    %dma_start3A_155 = arith.constant 0 : i32
    %dma_start3A_156 = tpu.memref_slice %arg16[%dma_start3A_154, %dma_start3A_155] : memref<256x128xf32, #tpu.memory_space<vmem>> -> memref<128x128xf32, #tpu.memory_space<vmem>>
    %dma_start3A_157 = arith.constant 384 : i32
    %dma_start3A_158 = tpu.memref_slice %arg13[%dma_start3A_157] : memref<512xi32, #tpu.memory_space<vmem>> -> memref<128xi32, #tpu.memory_space<vmem>>
    %dma_start3A_159 = arith.constant 0 : i32
    %dma_start3A_160 = arith.constant 0 : i32
    %dma_start3A_161 = tpu.memref_slice %arg6[%dma_start3A_159, %dma_start3A_160] : memref<500x128xf32, #tpu.memory_space<hbm>> -> memref<500x128xf32, #tpu.memory_space<hbm>>
    tpu.enqueue_indirect_dma source(%dma_start3A_161 : memref<500x128xf32, #tpu.memory_space<hbm>>) target(%dma_start3A_156 : memref<128x128xf32, #tpu.memory_space<vmem>>) offsets(%dma_start3A_158 : memref<128xi32, #tpu.memory_space<vmem>>) semaphore(%arg18 : memref<!tpu.dma_semaphore, #tpu.memory_space<semaphore_mem>>)
    %dma_wait3A_162 = arith.constant 0 : i32
    %dma_wait3A_163 = arith.constant 0 : i32
    %dma_wait3A_164 = tpu.memref_slice %arg14[%dma_wait3A_162, %dma_wait3A_163] : memref<256x128xf32, #tpu.memory_space<vmem>> -> memref<128x128xf32, #tpu.memory_space<vmem>>
    %dma_wait3A_165 = arith.constant 256 : i32
    %dma_wait3A_166 = tpu.memref_slice %arg11[%dma_wait3A_165] : memref<512xi32, #tpu.memory_space<vmem>> -> memref<128xi32, #tpu.memory_space<vmem>>
    %dma_wait3A_167 = arith.constant 0 : i32
    %dma_wait3A_168 = arith.constant 0 : i32
    %dma_wait3A_169 = tpu.memref_slice %arg5[%dma_wait3A_167, %dma_wait3A_168] : memref<507904x128xf32, #tpu.memory_space<hbm>> -> memref<507904x128xf32, #tpu.memory_space<hbm>>
    tpu.wait_indirect_dma semaphore(%arg18 : memref<!tpu.dma_semaphore, #tpu.memory_space<semaphore_mem>>) src(%dma_wait3A_169 : memref<507904x128xf32, #tpu.memory_space<hbm>>) dst(%dma_wait3A_164 : memref<128x128xf32, #tpu.memory_space<vmem>>)
    %dma_wait3A_170 = arith.constant 0 : i32
    %dma_wait3A_171 = arith.constant 0 : i32
    %dma_wait3A_172 = tpu.memref_slice %arg15[%dma_wait3A_170, %dma_wait3A_171] : memref<256x128xf32, #tpu.memory_space<vmem>> -> memref<128x128xf32, #tpu.memory_space<vmem>>
    %dma_wait3A_173 = arith.constant 256 : i32
    %dma_wait3A_174 = tpu.memref_slice %arg12[%dma_wait3A_173] : memref<512xi32, #tpu.memory_space<vmem>> -> memref<128xi32, #tpu.memory_space<vmem>>
    %dma_wait3A_175 = arith.constant 0 : i32
    %dma_wait3A_176 = arith.constant 0 : i32
    %dma_wait3A_177 = tpu.memref_slice %arg5[%dma_wait3A_175, %dma_wait3A_176] : memref<507904x128xf32, #tpu.memory_space<hbm>> -> memref<507904x128xf32, #tpu.memory_space<hbm>>
    tpu.wait_indirect_dma semaphore(%arg18 : memref<!tpu.dma_semaphore, #tpu.memory_space<semaphore_mem>>) src(%dma_wait3A_177 : memref<507904x128xf32, #tpu.memory_space<hbm>>) dst(%dma_wait3A_172 : memref<128x128xf32, #tpu.memory_space<vmem>>)
    %dma_wait3A_178 = arith.constant 0 : i32
    %dma_wait3A_179 = arith.constant 0 : i32
    %dma_wait3A_180 = tpu.memref_slice %arg16[%dma_wait3A_178, %dma_wait3A_179] : memref<256x128xf32, #tpu.memory_space<vmem>> -> memref<128x128xf32, #tpu.memory_space<vmem>>
    %dma_wait3A_181 = arith.constant 256 : i32
    %dma_wait3A_182 = tpu.memref_slice %arg13[%dma_wait3A_181] : memref<512xi32, #tpu.memory_space<vmem>> -> memref<128xi32, #tpu.memory_space<vmem>>
    %dma_wait3A_183 = arith.constant 0 : i32
    %dma_wait3A_184 = arith.constant 0 : i32
    %dma_wait3A_185 = tpu.memref_slice %arg6[%dma_wait3A_183, %dma_wait3A_184] : memref<500x128xf32, #tpu.memory_space<hbm>> -> memref<500x128xf32, #tpu.memory_space<hbm>>
    tpu.wait_indirect_dma semaphore(%arg18 : memref<!tpu.dma_semaphore, #tpu.memory_space<semaphore_mem>>) src(%dma_wait3A_185 : memref<500x128xf32, #tpu.memory_space<hbm>>) dst(%dma_wait3A_180 : memref<128x128xf32, #tpu.memory_space<vmem>>)
    %scan3A_186 = arith.constant 0 : i32
    %scan3A_187 = arith.constant 0 : i32
    %scan3A_188 = arith.constant 8 : i32
    %scan3A_189 = arith.addi %scan3A_187, %scan3A_188 : i32
    %scan3A_190 = arith.constant 1 : i32
    scf.for %scan3A_222 = %scan3A_187 to %scan3A_189 step %scan3A_190  : i32 {
      %mul3A_223 = arith.constant 16 : i32
      %mul3A_224 = arith.muli %scan3A_222, %mul3A_223 : i32
      %add3A_225 = arith.constant 0 : i32
      %add3A_226 = arith.addi %add3A_225, %mul3A_224 : i32
      %add3A_227 = vector.broadcast %add3A_226 : i32 to vector<16xi32>
      %add3A_228 = arith.addi %iota3A, %add3A_227 : vector<16xi32>
      %mul3A_229 = arith.constant 16 : i32
      %mul3A_230 = arith.muli %scan3A_222, %mul3A_229 : i32
      %add3A_231 = arith.constant 256 : i32
      %add3A_232 = arith.addi %add3A_231, %mul3A_230 : i32
      %get3A = arith.index_cast %add3A_232 : i32 to index
      %get3A_233 = tpu.vector_load %arg8[%get3A] {strides = array<i32>} : memref<512xi32, #tpu.memory_space<vmem>>, vector<16xi32>,
      %shift_right_logical3A = arith.constant 13 : i32
      %shift_right_logical3A_234 = vector.broadcast %shift_right_logical3A : i32 to vector<16xi32>
      %shift_right_logical3A_235 = arith.shrui %get3A_233, %shift_right_logical3A_234 : vector<16xi32>
      %and3A = arith.constant 1 : i32
      %and3A_236 = vector.broadcast %and3A : i32 to vector<16xi32>
      %and3A_237 = arith.andi %shift_right_logical3A_235, %and3A_236 : vector<16xi32>
      %shift_left3A = arith.constant 6 : i32
      %shift_left3A_238 = vector.broadcast %shift_left3A : i32 to vector<16xi32>
      %shift_left3A_239 = arith.shli %and3A_237, %shift_left3A_238 : vector<16xi32>
      %get3A_240 = arith.index_cast %add3A_232 : i32 to index
      %get3A_241 = tpu.vector_load %arg9[%get3A_240] {strides = array<i32>} : memref<512xi32, #tpu.memory_space<vmem>>, vector<16xi32>,
      %shift_right_logical3A_242 = arith.constant 13 : i32
      %shift_right_logical3A_243 = vector.broadcast %shift_right_logical3A_242 : i32 to vector<16xi32>
      %shift_right_logical3A_244 = arith.shrui %get3A_241, %shift_right_logical3A_243 : vector<16xi32>
      %and3A_245 = arith.constant 1 : i32
      %and3A_246 = vector.broadcast %and3A_245 : i32 to vector<16xi32>
      %and3A_247 = arith.andi %shift_right_logical3A_244, %and3A_246 : vector<16xi32>
      %shift_left3A_248 = arith.constant 6 : i32
      %shift_left3A_249 = vector.broadcast %shift_left3A_248 : i32 to vector<16xi32>
      %shift_left3A_250 = arith.shli %and3A_247, %shift_left3A_249 : vector<16xi32>
      %get3A_251 = arith.index_cast %add3A_232 : i32 to index
      %get3A_252 = tpu.vector_load %arg10[%get3A_251] {strides = array<i32>} : memref<512xi32, #tpu.memory_space<vmem>>, vector<16xi32>,
      %ge3A = arith.constant 500 : i32
      %ge3A_253 = vector.broadcast %ge3A : i32 to vector<16xi32>
      %ge3A_254 = arith.cmpi sge, %get3A_252, %ge3A_253 : vector<16xi32>
      %jit3A = arith.constant 64 : i32
      %jit3A_255 = arith.constant 0 : i32
      %broadcast_in_dim3A = vector.broadcast %jit3A : i32 to vector<16xi32>
      %broadcast_in_dim3A_256 = vector.broadcast %jit3A_255 : i32 to vector<16xi32>
      %select_n3A = arith.select %ge3A_254, %broadcast_in_dim3A, %broadcast_in_dim3A_256 : vector<16xi1>, vector<16xi32>
      %broadcast_in_dim3A_257 = arith.constant 0.000000e+00 : f32
      %broadcast_in_dim3A_258 = vector.broadcast %broadcast_in_dim3A_257 : f32 to vector<16xf32>
      %scan3A_259 = arith.constant 0 : i32
      %scan3A_260 = arith.constant 8 : i32
      %scan3A_261 = arith.addi %scan3A_259, %scan3A_260 : i32
      %scan3A_262 = arith.constant 1 : i32
      %scan3A_263:6 = scf.for %scan3A_451 = %scan3A_259 to %scan3A_261 step %scan3A_262 iter_args(%scan3A_452 = %broadcast_in_dim3A_258, %scan3A_453 = %broadcast_in_dim3A_258, %scan3A_454 = %broadcast_in_dim3A_258, %scan3A_455 = %broadcast_in_dim3A_258, %scan3A_456 = %broadcast_in_dim3A_258, %scan3A_457 = %broadcast_in_dim3A_258) -> (vector<16xf32>, vector<16xf32>, vector<16xf32>, vector<16xf32>, vector<16xf32>, vector<16xf32>)  : i32 {
        %mul3A_458 = arith.constant 8 : i32
        %mul3A_459 = arith.muli %scan3A_451, %mul3A_458 : i32
        %add3A_460 = arith.constant 0 : i32
        %add3A_461 = arith.addi %mul3A_459, %add3A_460 : i32
        %add3A_462 = vector.broadcast %add3A_461 : i32 to vector<16xi32>
        %add3A_463 = arith.addi %shift_left3A_239, %add3A_462 : vector<16xi32>
        %gather3A = tpu.vector_load_idx %arg14[%add3A_228, %add3A_463] : memref<256x128xf32, #tpu.memory_space<vmem>>[vector<16xi32>, vector<16xi32>], vector<16xf32>,
        %add3A_464 = vector.broadcast %add3A_461 : i32 to vector<16xi32>
        %add3A_465 = arith.addi %shift_left3A_250, %add3A_464 : vector<16xi32>
        %gather3A_466 = tpu.vector_load_idx %arg15[%add3A_228, %add3A_465] : memref<256x128xf32, #tpu.memory_space<vmem>>[vector<16xi32>, vector<16xi32>], vector<16xf32>,
        %add3A_467 = vector.broadcast %add3A_461 : i32 to vector<16xi32>
        %add3A_468 = arith.addi %select_n3A, %add3A_467 : vector<16xi32>
        %gather3A_469 = tpu.vector_load_idx %arg16[%add3A_228, %add3A_468] : memref<256x128xf32, #tpu.memory_space<vmem>>[vector<16xi32>, vector<16xi32>], vector<16xf32>,
        %mul3A_470 = arith.mulf %gather3A, %gather3A : vector<16xf32>
        %add3A_471 = arith.addf %scan3A_452, %mul3A_470 : vector<16xf32>
        %mul3A_472 = arith.mulf %gather3A_466, %gather3A_466 : vector<16xf32>
        %add3A_473 = arith.addf %scan3A_453, %mul3A_472 : vector<16xf32>
        %mul3A_474 = arith.mulf %gather3A_469, %gather3A_469 : vector<16xf32>
        %add3A_475 = arith.addf %scan3A_454, %mul3A_474 : vector<16xf32>
        %mul3A_476 = arith.mulf %gather3A, %gather3A_466 : vector<16xf32>
        %add3A_477 = arith.addf %scan3A_455, %mul3A_476 : vector<16xf32>
        %mul3A_478 = arith.mulf %gather3A, %gather3A_469 : vector<16xf32>
        %add3A_479 = arith.addf %scan3A_456, %mul3A_478 : vector<16xf32>
        %mul3A_480 = arith.mulf %gather3A_466, %gather3A_469 : vector<16xf32>
        %add3A_481 = arith.addf %scan3A_457, %mul3A_480 : vector<16xf32>
        %mul3A_482 = arith.constant 8 : i32
        %mul3A_483 = arith.muli %scan3A_451, %mul3A_482 : i32
        %add3A_484 = arith.constant 1 : i32
        %add3A_485 = arith.addi %mul3A_483, %add3A_484 : i32
        %add3A_486 = vector.broadcast %add3A_485 : i32 to vector<16xi32>
        %add3A_487 = arith.addi %shift_left3A_239, %add3A_486 : vector<16xi32>
        %gather3A_488 = tpu.vector_load_idx %arg14[%add3A_228, %add3A_487] : memref<256x128xf32, #tpu.memory_space<vmem>>[vector<16xi32>, vector<16xi32>], vector<16xf32>,
        %add3A_489 = vector.broadcast %add3A_485 : i32 to vector<16xi32>
        %add3A_490 = arith.addi %shift_left3A_250, %add3A_489 : vector<16xi32>
        %gather3A_491 = tpu.vector_load_idx %arg15[%add3A_228, %add3A_490] : memref<256x128xf32, #tpu.memory_space<vmem>>[vector<16xi32>, vector<16xi32>], vector<16xf32>,
        %add3A_492 = vector.broadcast %add3A_485 : i32 to vector<16xi32>
        %add3A_493 = arith.addi %select_n3A, %add3A_492 : vector<16xi32>
        %gather3A_494 = tpu.vector_load_idx %arg16[%add3A_228, %add3A_493] : memref<256x128xf32, #tpu.memory_space<vmem>>[vector<16xi32>, vector<16xi32>], vector<16xf32>,
        %mul3A_495 = arith.mulf %gather3A_488, %gather3A_488 : vector<16xf32>
        %add3A_496 = arith.addf %add3A_471, %mul3A_495 : vector<16xf32>
        %mul3A_497 = arith.mulf %gather3A_491, %gather3A_491 : vector<16xf32>
        %add3A_498 = arith.addf %add3A_473, %mul3A_497 : vector<16xf32>
        %mul3A_499 = arith.mulf %gather3A_494, %gather3A_494 : vector<16xf32>
        %add3A_500 = arith.addf %add3A_475, %mul3A_499 : vector<16xf32>
        %mul3A_501 = arith.mulf %gather3A_488, %gather3A_491 : vector<16xf32>
        %add3A_502 = arith.addf %add3A_477, %mul3A_501 : vector<16xf32>
        %mul3A_503 = arith.mulf %gather3A_488, %gather3A_494 : vector<16xf32>
        %add3A_504 = arith.addf %add3A_479, %mul3A_503 : vector<16xf32>
        %mul3A_505 = arith.mulf %gather3A_491, %gather3A_494 : vector<16xf32>
        %add3A_506 = arith.addf %add3A_481, %mul3A_505 : vector<16xf32>
        %mul3A_507 = arith.constant 8 : i32
        %mul3A_508 = arith.muli %scan3A_451, %mul3A_507 : i32
        %add3A_509 = arith.constant 2 : i32
        %add3A_510 = arith.addi %mul3A_508, %add3A_509 : i32
        %add3A_511 = vector.broadcast %add3A_510 : i32 to vector<16xi32>
        %add3A_512 = arith.addi %shift_left3A_239, %add3A_511 : vector<16xi32>
        %gather3A_513 = tpu.vector_load_idx %arg14[%add3A_228, %add3A_512] : memref<256x128xf32, #tpu.memory_space<vmem>>[vector<16xi32>, vector<16xi32>], vector<16xf32>,
        %add3A_514 = vector.broadcast %add3A_510 : i32 to vector<16xi32>
        %add3A_515 = arith.addi %shift_left3A_250, %add3A_514 : vector<16xi32>
        %gather3A_516 = tpu.vector_load_idx %arg15[%add3A_228, %add3A_515] : memref<256x128xf32, #tpu.memory_space<vmem>>[vector<16xi32>, vector<16xi32>], vector<16xf32>,
        %add3A_517 = vector.broadcast %add3A_510 : i32 to vector<16xi32>
        %add3A_518 = arith.addi %select_n3A, %add3A_517 : vector<16xi32>
        %gather3A_519 = tpu.vector_load_idx %arg16[%add3A_228, %add3A_518] : memref<256x128xf32, #tpu.memory_space<vmem>>[vector<16xi32>, vector<16xi32>], vector<16xf32>,
        %mul3A_520 = arith.mulf %gather3A_513, %gather3A_513 : vector<16xf32>
        %add3A_521 = arith.addf %add3A_496, %mul3A_520 : vector<16xf32>
        %mul3A_522 = arith.mulf %gather3A_516, %gather3A_516 : vector<16xf32>
        %add3A_523 = arith.addf %add3A_498, %mul3A_522 : vector<16xf32>
        %mul3A_524 = arith.mulf %gather3A_519, %gather3A_519 : vector<16xf32>
        %add3A_525 = arith.addf %add3A_500, %mul3A_524 : vector<16xf32>
        %mul3A_526 = arith.mulf %gather3A_513, %gather3A_516 : vector<16xf32>
        %add3A_527 = arith.addf %add3A_502, %mul3A_526 : vector<16xf32>
        %mul3A_528 = arith.mulf %gather3A_513, %gather3A_519 : vector<16xf32>
        %add3A_529 = arith.addf %add3A_504, %mul3A_528 : vector<16xf32>
        %mul3A_530 = arith.mulf %gather3A_516, %gather3A_519 : vector<16xf32>
        %add3A_531 = arith.addf %add3A_506, %mul3A_530 : vector<16xf32>
        %mul3A_532 = arith.constant 8 : i32
        %mul3A_533 = arith.muli %scan3A_451, %mul3A_532 : i32
        %add3A_534 = arith.constant 3 : i32
        %add3A_535 = arith.addi %mul3A_533, %add3A_534 : i32
        %add3A_536 = vector.broadcast %add3A_535 : i32 to vector<16xi32>
        %add3A_537 = arith.addi %shift_left3A_239, %add3A_536 : vector<16xi32>
        %gather3A_538 = tpu.vector_load_idx %arg14[%add3A_228, %add3A_537] : memref<256x128xf32, #tpu.memory_space<vmem>>[vector<16xi32>, vector<16xi32>], vector<16xf32>,
        %add3A_539 = vector.broadcast %add3A_535 : i32 to vector<16xi32>
        %add3A_540 = arith.addi %shift_left3A_250, %add3A_539 : vector<16xi32>
        %gather3A_541 = tpu.vector_load_idx %arg15[%add3A_228, %add3A_540] : memref<256x128xf32, #tpu.memory_space<vmem>>[vector<16xi32>, vector<16xi32>], vector<16xf32>,
        %add3A_542 = vector.broadcast %add3A_535 : i32 to vector<16xi32>
        %add3A_543 = arith.addi %select_n3A, %add3A_542 : vector<16xi32>
        %gather3A_544 = tpu.vector_load_idx %arg16[%add3A_228, %add3A_543] : memref<256x128xf32, #tpu.memory_space<vmem>>[vector<16xi32>, vector<16xi32>], vector<16xf32>,
        %mul3A_545 = arith.mulf %gather3A_538, %gather3A_538 : vector<16xf32>
        %add3A_546 = arith.addf %add3A_521, %mul3A_545 : vector<16xf32>
        %mul3A_547 = arith.mulf %gather3A_541, %gather3A_541 : vector<16xf32>
        %add3A_548 = arith.addf %add3A_523, %mul3A_547 : vector<16xf32>
        %mul3A_549 = arith.mulf %gather3A_544, %gather3A_544 : vector<16xf32>
        %add3A_550 = arith.addf %add3A_525, %mul3A_549 : vector<16xf32>
        %mul3A_551 = arith.mulf %gather3A_538, %gather3A_541 : vector<16xf32>
        %add3A_552 = arith.addf %add3A_527, %mul3A_551 : vector<16xf32>
        %mul3A_553 = arith.mulf %gather3A_538, %gather3A_544 : vector<16xf32>
        %add3A_554 = arith.addf %add3A_529, %mul3A_553 : vector<16xf32>
        %mul3A_555 = arith.mulf %gather3A_541, %gather3A_544 : vector<16xf32>
        %add3A_556 = arith.addf %add3A_531, %mul3A_555 : vector<16xf32>
        %mul3A_557 = arith.constant 8 : i32
        %mul3A_558 = arith.muli %scan3A_451, %mul3A_557 : i32
        %add3A_559 = arith.constant 4 : i32
        %add3A_560 = arith.addi %mul3A_558, %add3A_559 : i32
        %add3A_561 = vector.broadcast %add3A_560 : i32 to vector<16xi32>
        %add3A_562 = arith.addi %shift_left3A_239, %add3A_561 : vector<16xi32>
        %gather3A_563 = tpu.vector_load_idx %arg14[%add3A_228, %add3A_562] : memref<256x128xf32, #tpu.memory_space<vmem>>[vector<16xi32>, vector<16xi32>], vector<16xf32>,
        %add3A_564 = vector.broadcast %add3A_560 : i32 to vector<16xi32>
        %add3A_565 = arith.addi %shift_left3A_250, %add3A_564 : vector<16xi32>
        %gather3A_566 = tpu.vector_load_idx %arg15[%add3A_228, %add3A_565] : memref<256x128xf32, #tpu.memory_space<vmem>>[vector<16xi32>, vector<16xi32>], vector<16xf32>,
        %add3A_567 = vector.broadcast %add3A_560 : i32 to vector<16xi32>
        %add3A_568 = arith.addi %select_n3A, %add3A_567 : vector<16xi32>
        %gather3A_569 = tpu.vector_load_idx %arg16[%add3A_228, %add3A_568] : memref<256x128xf32, #tpu.memory_space<vmem>>[vector<16xi32>, vector<16xi32>], vector<16xf32>,
        %mul3A_570 = arith.mulf %gather3A_563, %gather3A_563 : vector<16xf32>
        %add3A_571 = arith.addf %add3A_546, %mul3A_570 : vector<16xf32>
        %mul3A_572 = arith.mulf %gather3A_566, %gather3A_566 : vector<16xf32>
        %add3A_573 = arith.addf %add3A_548, %mul3A_572 : vector<16xf32>
        %mul3A_574 = arith.mulf %gather3A_569, %gather3A_569 : vector<16xf32>
        %add3A_575 = arith.addf %add3A_550, %mul3A_574 : vector<16xf32>
        %mul3A_576 = arith.mulf %gather3A_563, %gather3A_566 : vector<16xf32>
        %add3A_577 = arith.addf %add3A_552, %mul3A_576 : vector<16xf32>
        %mul3A_578 = arith.mulf %gather3A_563, %gather3A_569 : vector<16xf32>
        %add3A_579 = arith.addf %add3A_554, %mul3A_578 : vector<16xf32>
        %mul3A_580 = arith.mulf %gather3A_566, %gather3A_569 : vector<16xf32>
        %add3A_581 = arith.addf %add3A_556, %mul3A_580 : vector<16xf32>
        %mul3A_582 = arith.constant 8 : i32
        %mul3A_583 = arith.muli %scan3A_451, %mul3A_582 : i32
        %add3A_584 = arith.constant 5 : i32
        %add3A_585 = arith.addi %mul3A_583, %add3A_584 : i32
        %add3A_586 = vector.broadcast %add3A_585 : i32 to vector<16xi32>
        %add3A_587 = arith.addi %shift_left3A_239, %add3A_586 : vector<16xi32>
        %gather3A_588 = tpu.vector_load_idx %arg14[%add3A_228, %add3A_587] : memref<256x128xf32, #tpu.memory_space<vmem>>[vector<16xi32>, vector<16xi32>], vector<16xf32>,
        %add3A_589 = vector.broadcast %add3A_585 : i32 to vector<16xi32>
        %add3A_590 = arith.addi %shift_left3A_250, %add3A_589 : vector<16xi32>
        %gather3A_591 = tpu.vector_load_idx %arg15[%add3A_228, %add3A_590] : memref<256x128xf32, #tpu.memory_space<vmem>>[vector<16xi32>, vector<16xi32>], vector<16xf32>,
        %add3A_592 = vector.broadcast %add3A_585 : i32 to vector<16xi32>
        %add3A_593 = arith.addi %select_n3A, %add3A_592 : vector<16xi32>
        %gather3A_594 = tpu.vector_load_idx %arg16[%add3A_228, %add3A_593] : memref<256x128xf32, #tpu.memory_space<vmem>>[vector<16xi32>, vector<16xi32>], vector<16xf32>,
        %mul3A_595 = arith.mulf %gather3A_588, %gather3A_588 : vector<16xf32>
        %add3A_596 = arith.addf %add3A_571, %mul3A_595 : vector<16xf32>
        %mul3A_597 = arith.mulf %gather3A_591, %gather3A_591 : vector<16xf32>
        %add3A_598 = arith.addf %add3A_573, %mul3A_597 : vector<16xf32>
        %mul3A_599 = arith.mulf %gather3A_594, %gather3A_594 : vector<16xf32>
        %add3A_600 = arith.addf %add3A_575, %mul3A_599 : vector<16xf32>
        %mul3A_601 = arith.mulf %gather3A_588, %gather3A_591 : vector<16xf32>
        %add3A_602 = arith.addf %add3A_577, %mul3A_601 : vector<16xf32>
        %mul3A_603 = arith.mulf %gather3A_588, %gather3A_594 : vector<16xf32>
        %add3A_604 = arith.addf %add3A_579, %mul3A_603 : vector<16xf32>
        %mul3A_605 = arith.mulf %gather3A_591, %gather3A_594 : vector<16xf32>
        %add3A_606 = arith.addf %add3A_581, %mul3A_605 : vector<16xf32>
        %mul3A_607 = arith.constant 8 : i32
        %mul3A_608 = arith.muli %scan3A_451, %mul3A_607 : i32
        %add3A_609 = arith.constant 6 : i32
        %add3A_610 = arith.addi %mul3A_608, %add3A_609 : i32
        %add3A_611 = vector.broadcast %add3A_610 : i32 to vector<16xi32>
        %add3A_612 = arith.addi %shift_left3A_239, %add3A_611 : vector<16xi32>
        %gather3A_613 = tpu.vector_load_idx %arg14[%add3A_228, %add3A_612] : memref<256x128xf32, #tpu.memory_space<vmem>>[vector<16xi32>, vector<16xi32>], vector<16xf32>,
        %add3A_614 = vector.broadcast %add3A_610 : i32 to vector<16xi32>
        %add3A_615 = arith.addi %shift_left3A_250, %add3A_614 : vector<16xi32>
        %gather3A_616 = tpu.vector_load_idx %arg15[%add3A_228, %add3A_615] : memref<256x128xf32, #tpu.memory_space<vmem>>[vector<16xi32>, vector<16xi32>], vector<16xf32>,
        %add3A_617 = vector.broadcast %add3A_610 : i32 to vector<16xi32>
        %add3A_618 = arith.addi %select_n3A, %add3A_617 : vector<16xi32>
        %gather3A_619 = tpu.vector_load_idx %arg16[%add3A_228, %add3A_618] : memref<256x128xf32, #tpu.memory_space<vmem>>[vector<16xi32>, vector<16xi32>], vector<16xf32>,
        %mul3A_620 = arith.mulf %gather3A_613, %gather3A_613 : vector<16xf32>
        %add3A_621 = arith.addf %add3A_596, %mul3A_620 : vector<16xf32>
        %mul3A_622 = arith.mulf %gather3A_616, %gather3A_616 : vector<16xf32>
        %add3A_623 = arith.addf %add3A_598, %mul3A_622 : vector<16xf32>
        %mul3A_624 = arith.mulf %gather3A_619, %gather3A_619 : vector<16xf32>
        %add3A_625 = arith.addf %add3A_600, %mul3A_624 : vector<16xf32>
        %mul3A_626 = arith.mulf %gather3A_613, %gather3A_616 : vector<16xf32>
        %add3A_627 = arith.addf %add3A_602, %mul3A_626 : vector<16xf32>
        %mul3A_628 = arith.mulf %gather3A_613, %gather3A_619 : vector<16xf32>
        %add3A_629 = arith.addf %add3A_604, %mul3A_628 : vector<16xf32>
        %mul3A_630 = arith.mulf %gather3A_616, %gather3A_619 : vector<16xf32>
        %add3A_631 = arith.addf %add3A_606, %mul3A_630 : vector<16xf32>
        %mul3A_632 = arith.constant 8 : i32
        %mul3A_633 = arith.muli %scan3A_451, %mul3A_632 : i32
        %add3A_634 = arith.constant 7 : i32
        %add3A_635 = arith.addi %mul3A_633, %add3A_634 : i32
        %add3A_636 = vector.broadcast %add3A_635 : i32 to vector<16xi32>
        %add3A_637 = arith.addi %shift_left3A_239, %add3A_636 : vector<16xi32>
        %gather3A_638 = tpu.vector_load_idx %arg14[%add3A_228, %add3A_637] : memref<256x128xf32, #tpu.memory_space<vmem>>[vector<16xi32>, vector<16xi32>], vector<16xf32>,
        %add3A_639 = vector.broadcast %add3A_635 : i32 to vector<16xi32>
        %add3A_640 = arith.addi %shift_left3A_250, %add3A_639 : vector<16xi32>
        %gather3A_641 = tpu.vector_load_idx %arg15[%add3A_228, %add3A_640] : memref<256x128xf32, #tpu.memory_space<vmem>>[vector<16xi32>, vector<16xi32>], vector<16xf32>,
        %add3A_642 = vector.broadcast %add3A_635 : i32 to vector<16xi32>
        %add3A_643 = arith.addi %select_n3A, %add3A_642 : vector<16xi32>
        %gather3A_644 = tpu.vector_load_idx %arg16[%add3A_228, %add3A_643] : memref<256x128xf32, #tpu.memory_space<vmem>>[vector<16xi32>, vector<16xi32>], vector<16xf32>,
        %mul3A_645 = arith.mulf %gather3A_638, %gather3A_638 : vector<16xf32>
        %add3A_646 = arith.addf %add3A_621, %mul3A_645 : vector<16xf32>
        %mul3A_647 = arith.mulf %gather3A_641, %gather3A_641 : vector<16xf32>
        %add3A_648 = arith.addf %add3A_623, %mul3A_647 : vector<16xf32>
        %mul3A_649 = arith.mulf %gather3A_644, %gather3A_644 : vector<16xf32>
        %add3A_650 = arith.addf %add3A_625, %mul3A_649 : vector<16xf32>
        %mul3A_651 = arith.mulf %gather3A_638, %gather3A_641 : vector<16xf32>
        %add3A_652 = arith.addf %add3A_627, %mul3A_651 : vector<16xf32>
        %mul3A_653 = arith.mulf %gather3A_638, %gather3A_644 : vector<16xf32>
        %add3A_654 = arith.addf %add3A_629, %mul3A_653 : vector<16xf32>
        %mul3A_655 = arith.mulf %gather3A_641, %gather3A_644 : vector<16xf32>
        %add3A_656 = arith.addf %add3A_631, %mul3A_655 : vector<16xf32>
        scf.yield %add3A_646, %add3A_648, %add3A_650, %add3A_652, %add3A_654, %add3A_656 : vector<16xf32>, vector<16xf32>, vector<16xf32>, vector<16xf32>, vector<16xf32>, vector<16xf32>
      }
      %scan3A_264 = arith.constant 8 : i32
      %bitcast3A = vector.bitcast %scan3A_263#0 : vector<16xf32> to vector<16xi32>
      %shift_right_logical3A_265 = arith.constant 1 : i32
      %shift_right_logical3A_266 = vector.broadcast %shift_right_logical3A_265 : i32 to vector<16xi32>
      %shift_right_logical3A_267 = arith.shrui %bitcast3A, %shift_right_logical3A_266 : vector<16xi32>
      %sub3A = arith.constant 1597463007 : i32
      %sub3A_268 = vector.broadcast %sub3A : i32 to vector<16xi32>
      %sub3A_269 = arith.subi %sub3A_268, %shift_right_logical3A_267 : vector<16xi32>
      %bitcast3A_270 = vector.bitcast %sub3A_269 : vector<16xi32> to vector<16xf32>
      %mul3A_271 = arith.constant 5.000000e-01 : f32
      %mul3A_272 = vector.broadcast %mul3A_271 : f32 to vector<16xf32>
      %mul3A_273 = arith.mulf %mul3A_272, %scan3A_263#0 : vector<16xf32>
      %mul3A_274 = arith.mulf %mul3A_273, %bitcast3A_270 : vector<16xf32>
      %mul3A_275 = arith.mulf %mul3A_274, %bitcast3A_270 : vector<16xf32>
      %sub3A_276 = arith.constant 1.500000e+00 : f32
      %sub3A_277 = vector.broadcast %sub3A_276 : f32 to vector<16xf32>
      %sub3A_278 = arith.subf %sub3A_277, %mul3A_275 : vector<16xf32>
      %mul3A_279 = arith.mulf %bitcast3A_270, %sub3A_278 : vector<16xf32>
      %mul3A_280 = arith.constant 5.000000e-01 : f32
      %mul3A_281 = vector.broadcast %mul3A_280 : f32 to vector<16xf32>
      %mul3A_282 = arith.mulf %mul3A_281, %scan3A_263#0 : vector<16xf32>
      %mul3A_283 = arith.mulf %mul3A_282, %mul3A_279 : vector<16xf32>
      %mul3A_284 = arith.mulf %mul3A_283, %mul3A_279 : vector<16xf32>
      %sub3A_285 = arith.constant 1.500000e+00 : f32
      %sub3A_286 = vector.broadcast %sub3A_285 : f32 to vector<16xf32>
      %sub3A_287 = arith.subf %sub3A_286, %mul3A_284 : vector<16xf32>
      %mul3A_288 = arith.mulf %mul3A_279, %sub3A_287 : vector<16xf32>
      %mul3A_289 = arith.constant 5.000000e-01 : f32
      %mul3A_290 = vector.broadcast %mul3A_289 : f32 to vector<16xf32>
      %mul3A_291 = arith.mulf %mul3A_290, %scan3A_263#0 : vector<16xf32>
      %mul3A_292 = arith.mulf %mul3A_291, %mul3A_288 : vector<16xf32>
      %mul3A_293 = arith.mulf %mul3A_292, %mul3A_288 : vector<16xf32>
      %sub3A_294 = arith.constant 1.500000e+00 : f32
      %sub3A_295 = vector.broadcast %sub3A_294 : f32 to vector<16xf32>
      %sub3A_296 = arith.subf %sub3A_295, %mul3A_293 : vector<16xf32>
      %mul3A_297 = arith.mulf %mul3A_288, %sub3A_296 : vector<16xf32>
      %mul3A_298 = arith.mulf %scan3A_263#0, %mul3A_297 : vector<16xf32>
      %max3A = arith.constant 9.99999996E-13 : f32
      %max3A_299 = vector.broadcast %max3A : f32 to vector<16xf32>
      %max3A_300 = arith.maximumf %mul3A_298, %max3A_299 : vector<16xf32>
      %div3A = arith.constant 1.000000e+00 : f32
      %div3A_301 = vector.broadcast %div3A : f32 to vector<16xf32>
      %div3A_302 = arith.divf %div3A_301, %max3A_300 : vector<16xf32>
      %bitcast3A_303 = vector.bitcast %scan3A_263#1 : vector<16xf32> to vector<16xi32>
      %shift_right_logical3A_304 = arith.constant 1 : i32
      %shift_right_logical3A_305 = vector.broadcast %shift_right_logical3A_304 : i32 to vector<16xi32>
      %shift_right_logical3A_306 = arith.shrui %bitcast3A_303, %shift_right_logical3A_305 : vector<16xi32>
      %sub3A_307 = arith.constant 1597463007 : i32
      %sub3A_308 = vector.broadcast %sub3A_307 : i32 to vector<16xi32>
      %sub3A_309 = arith.subi %sub3A_308, %shift_right_logical3A_306 : vector<16xi32>
      %bitcast3A_310 = vector.bitcast %sub3A_309 : vector<16xi32> to vector<16xf32>
      %mul3A_311 = arith.constant 5.000000e-01 : f32
      %mul3A_312 = vector.broadcast %mul3A_311 : f32 to vector<16xf32>
      %mul3A_313 = arith.mulf %mul3A_312, %scan3A_263#1 : vector<16xf32>
      %mul3A_314 = arith.mulf %mul3A_313, %bitcast3A_310 : vector<16xf32>
      %mul3A_315 = arith.mulf %mul3A_314, %bitcast3A_310 : vector<16xf32>
      %sub3A_316 = arith.constant 1.500000e+00 : f32
      %sub3A_317 = vector.broadcast %sub3A_316 : f32 to vector<16xf32>
      %sub3A_318 = arith.subf %sub3A_317, %mul3A_315 : vector<16xf32>
      %mul3A_319 = arith.mulf %bitcast3A_310, %sub3A_318 : vector<16xf32>
      %mul3A_320 = arith.constant 5.000000e-01 : f32
      %mul3A_321 = vector.broadcast %mul3A_320 : f32 to vector<16xf32>
      %mul3A_322 = arith.mulf %mul3A_321, %scan3A_263#1 : vector<16xf32>
      %mul3A_323 = arith.mulf %mul3A_322, %mul3A_319 : vector<16xf32>
      %mul3A_324 = arith.mulf %mul3A_323, %mul3A_319 : vector<16xf32>
      %sub3A_325 = arith.constant 1.500000e+00 : f32
      %sub3A_326 = vector.broadcast %sub3A_325 : f32 to vector<16xf32>
      %sub3A_327 = arith.subf %sub3A_326, %mul3A_324 : vector<16xf32>
      %mul3A_328 = arith.mulf %mul3A_319, %sub3A_327 : vector<16xf32>
      %mul3A_329 = arith.constant 5.000000e-01 : f32
      %mul3A_330 = vector.broadcast %mul3A_329 : f32 to vector<16xf32>
      %mul3A_331 = arith.mulf %mul3A_330, %scan3A_263#1 : vector<16xf32>
      %mul3A_332 = arith.mulf %mul3A_331, %mul3A_328 : vector<16xf32>
      %mul3A_333 = arith.mulf %mul3A_332, %mul3A_328 : vector<16xf32>
      %sub3A_334 = arith.constant 1.500000e+00 : f32
      %sub3A_335 = vector.broadcast %sub3A_334 : f32 to vector<16xf32>
      %sub3A_336 = arith.subf %sub3A_335, %mul3A_333 : vector<16xf32>
      %mul3A_337 = arith.mulf %mul3A_328, %sub3A_336 : vector<16xf32>
      %mul3A_338 = arith.mulf %scan3A_263#1, %mul3A_337 : vector<16xf32>
      %max3A_339 = arith.constant 9.99999996E-13 : f32
      %max3A_340 = vector.broadcast %max3A_339 : f32 to vector<16xf32>
      %max3A_341 = arith.maximumf %mul3A_338, %max3A_340 : vector<16xf32>
      %div3A_342 = arith.constant 1.000000e+00 : f32
      %div3A_343 = vector.broadcast %div3A_342 : f32 to vector<16xf32>
      %div3A_344 = arith.divf %div3A_343, %max3A_341 : vector<16xf32>
      %bitcast3A_345 = vector.bitcast %scan3A_263#2 : vector<16xf32> to vector<16xi32>
      %shift_right_logical3A_346 = arith.constant 1 : i32
      %shift_right_logical3A_347 = vector.broadcast %shift_right_logical3A_346 : i32 to vector<16xi32>
      %shift_right_logical3A_348 = arith.shrui %bitcast3A_345, %shift_right_logical3A_347 : vector<16xi32>
      %sub3A_349 = arith.constant 1597463007 : i32
      %sub3A_350 = vector.broadcast %sub3A_349 : i32 to vector<16xi32>
      %sub3A_351 = arith.subi %sub3A_350, %shift_right_logical3A_348 : vector<16xi32>
      %bitcast3A_352 = vector.bitcast %sub3A_351 : vector<16xi32> to vector<16xf32>
      %mul3A_353 = arith.constant 5.000000e-01 : f32
      %mul3A_354 = vector.broadcast %mul3A_353 : f32 to vector<16xf32>
      %mul3A_355 = arith.mulf %mul3A_354, %scan3A_263#2 : vector<16xf32>
      %mul3A_356 = arith.mulf %mul3A_355, %bitcast3A_352 : vector<16xf32>
      %mul3A_357 = arith.mulf %mul3A_356, %bitcast3A_352 : vector<16xf32>
      %sub3A_358 = arith.constant 1.500000e+00 : f32
      %sub3A_359 = vector.broadcast %sub3A_358 : f32 to vector<16xf32>
      %sub3A_360 = arith.subf %sub3A_359, %mul3A_357 : vector<16xf32>
      %mul3A_361 = arith.mulf %bitcast3A_352, %sub3A_360 : vector<16xf32>
      %mul3A_362 = arith.constant 5.000000e-01 : f32
      %mul3A_363 = vector.broadcast %mul3A_362 : f32 to vector<16xf32>
      %mul3A_364 = arith.mulf %mul3A_363, %scan3A_263#2 : vector<16xf32>
      %mul3A_365 = arith.mulf %mul3A_364, %mul3A_361 : vector<16xf32>
      %mul3A_366 = arith.mulf %mul3A_365, %mul3A_361 : vector<16xf32>
      %sub3A_367 = arith.constant 1.500000e+00 : f32
      %sub3A_368 = vector.broadcast %sub3A_367 : f32 to vector<16xf32>
      %sub3A_369 = arith.subf %sub3A_368, %mul3A_366 : vector<16xf32>
      %mul3A_370 = arith.mulf %mul3A_361, %sub3A_369 : vector<16xf32>
      %mul3A_371 = arith.constant 5.000000e-01 : f32
      %mul3A_372 = vector.broadcast %mul3A_371 : f32 to vector<16xf32>
      %mul3A_373 = arith.mulf %mul3A_372, %scan3A_263#2 : vector<16xf32>
      %mul3A_374 = arith.mulf %mul3A_373, %mul3A_370 : vector<16xf32>
      %mul3A_375 = arith.mulf %mul3A_374, %mul3A_370 : vector<16xf32>
      %sub3A_376 = arith.constant 1.500000e+00 : f32
      %sub3A_377 = vector.broadcast %sub3A_376 : f32 to vector<16xf32>
      %sub3A_378 = arith.subf %sub3A_377, %mul3A_375 : vector<16xf32>
      %mul3A_379 = arith.mulf %mul3A_370, %sub3A_378 : vector<16xf32>
      %mul3A_380 = arith.mulf %scan3A_263#2, %mul3A_379 : vector<16xf32>
      %max3A_381 = arith.constant 9.99999996E-13 : f32
      %max3A_382 = vector.broadcast %max3A_381 : f32 to vector<16xf32>
      %max3A_383 = arith.maximumf %mul3A_380, %max3A_382 : vector<16xf32>
      %div3A_384 = arith.constant 1.000000e+00 : f32
      %div3A_385 = vector.broadcast %div3A_384 : f32 to vector<16xf32>
      %div3A_386 = arith.divf %div3A_385, %max3A_383 : vector<16xf32>
      %mul3A_387 = arith.mulf %scan3A_263#0, %div3A_302 : vector<16xf32>
      %mul3A_388 = arith.mulf %mul3A_387, %div3A_302 : vector<16xf32>
      %mul3A_389 = arith.mulf %scan3A_263#1, %div3A_344 : vector<16xf32>
      %mul3A_390 = arith.mulf %mul3A_389, %div3A_344 : vector<16xf32>
      %add3A_391 = arith.addf %mul3A_388, %mul3A_390 : vector<16xf32>
      %mul3A_392 = arith.mulf %scan3A_263#2, %div3A_386 : vector<16xf32>
      %mul3A_393 = arith.mulf %mul3A_392, %div3A_386 : vector<16xf32>
      %add3A_394 = arith.addf %add3A_391, %mul3A_393 : vector<16xf32>
      %mul3A_395 = arith.mulf %div3A_302, %div3A_344 : vector<16xf32>
      %mul3A_396 = arith.mulf %mul3A_395, %scan3A_263#3 : vector<16xf32>
      %mul3A_397 = arith.mulf %div3A_302, %div3A_386 : vector<16xf32>
      %mul3A_398 = arith.mulf %mul3A_397, %scan3A_263#4 : vector<16xf32>
      %sub3A_399 = arith.subf %mul3A_396, %mul3A_398 : vector<16xf32>
      %mul3A_400 = arith.mulf %div3A_344, %div3A_386 : vector<16xf32>
      %mul3A_401 = arith.mulf %mul3A_400, %scan3A_263#5 : vector<16xf32>
      %add3A_402 = arith.addf %sub3A_399, %mul3A_401 : vector<16xf32>
      %mul3A_403 = arith.constant 2.000000e+00 : f32
      %mul3A_404 = vector.broadcast %mul3A_403 : f32 to vector<16xf32>
      %mul3A_405 = arith.mulf %mul3A_404, %add3A_402 : vector<16xf32>
      %sub3A_406 = arith.subf %add3A_394, %mul3A_405 : vector<16xf32>
      %max3A_407 = arith.constant 0.000000e+00 : f32
      %max3A_408 = vector.broadcast %max3A_407 : f32 to vector<16xf32>
      %max3A_409 = arith.maximumf %sub3A_406, %max3A_408 : vector<16xf32>
      %bitcast3A_410 = vector.bitcast %max3A_409 : vector<16xf32> to vector<16xi32>
      %shift_right_logical3A_411 = arith.constant 1 : i32
      %shift_right_logical3A_412 = vector.broadcast %shift_right_logical3A_411 : i32 to vector<16xi32>
      %shift_right_logical3A_413 = arith.shrui %bitcast3A_410, %shift_right_logical3A_412 : vector<16xi32>
      %sub3A_414 = arith.constant 1597463007 : i32
      %sub3A_415 = vector.broadcast %sub3A_414 : i32 to vector<16xi32>
      %sub3A_416 = arith.subi %sub3A_415, %shift_right_logical3A_413 : vector<16xi32>
      %bitcast3A_417 = vector.bitcast %sub3A_416 : vector<16xi32> to vector<16xf32>
      %mul3A_418 = arith.constant 5.000000e-01 : f32
      %mul3A_419 = vector.broadcast %mul3A_418 : f32 to vector<16xf32>
      %mul3A_420 = arith.mulf %mul3A_419, %max3A_409 : vector<16xf32>
      %mul3A_421 = arith.mulf %mul3A_420, %bitcast3A_417 : vector<16xf32>
      %mul3A_422 = arith.mulf %mul3A_421, %bitcast3A_417 : vector<16xf32>
      %sub3A_423 = arith.constant 1.500000e+00 : f32
      %sub3A_424 = vector.broadcast %sub3A_423 : f32 to vector<16xf32>
      %sub3A_425 = arith.subf %sub3A_424, %mul3A_422 : vector<16xf32>
      %mul3A_426 = arith.mulf %bitcast3A_417, %sub3A_425 : vector<16xf32>
      %mul3A_427 = arith.constant 5.000000e-01 : f32
      %mul3A_428 = vector.broadcast %mul3A_427 : f32 to vector<16xf32>
      %mul3A_429 = arith.mulf %mul3A_428, %max3A_409 : vector<16xf32>
      %mul3A_430 = arith.mulf %mul3A_429, %mul3A_426 : vector<16xf32>
      %mul3A_431 = arith.mulf %mul3A_430, %mul3A_426 : vector<16xf32>
      %sub3A_432 = arith.constant 1.500000e+00 : f32
      %sub3A_433 = vector.broadcast %sub3A_432 : f32 to vector<16xf32>
      %sub3A_434 = arith.subf %sub3A_433, %mul3A_431 : vector<16xf32>
      %mul3A_435 = arith.mulf %mul3A_426, %sub3A_434 : vector<16xf32>
      %mul3A_436 = arith.constant 5.000000e-01 : f32
      %mul3A_437 = vector.broadcast %mul3A_436 : f32 to vector<16xf32>
      %mul3A_438 = arith.mulf %mul3A_437, %max3A_409 : vector<16xf32>
      %mul3A_439 = arith.mulf %mul3A_438, %mul3A_435 : vector<16xf32>
      %mul3A_440 = arith.mulf %mul3A_439, %mul3A_435 : vector<16xf32>
      %sub3A_441 = arith.constant 1.500000e+00 : f32
      %sub3A_442 = vector.broadcast %sub3A_441 : f32 to vector<16xf32>
      %sub3A_443 = arith.subf %sub3A_442, %mul3A_440 : vector<16xf32>
      %mul3A_444 = arith.mulf %mul3A_435, %sub3A_443 : vector<16xf32>
      %mul3A_445 = arith.mulf %max3A_409, %mul3A_444 : vector<16xf32>
      %mul3A_446 = arith.constant 16 : i32
      %mul3A_447 = arith.muli %scan3A_222, %mul3A_446 : i32
      %add3A_448 = arith.constant 256 : i32
      %add3A_449 = arith.addi %add3A_448, %mul3A_447 : i32
      %swap3A = arith.index_cast %add3A_449 : i32 to index
      %swap3A_450 = tpu.vector_load %arg17[%swap3A] {strides = array<i32>} : memref<512xf32, #tpu.memory_space<vmem>>, vector<16xf32>,
      tpu.vector_store %arg17[%swap3A], %mul3A_445 {strides = array<i32>} : memref<512xf32, #tpu.memory_space<vmem>>, vector<16xf32>,
    }
    %scan3A_191 = arith.constant 8 : i32
    %dma_wait3A_192 = arith.constant 128 : i32
    %dma_wait3A_193 = arith.constant 0 : i32
    %dma_wait3A_194 = tpu.memref_slice %arg14[%dma_wait3A_192, %dma_wait3A_193] : memref<256x128xf32, #tpu.memory_space<vmem>> -> memref<128x128xf32, #tpu.memory_space<vmem>>
    %dma_wait3A_195 = arith.constant 384 : i32
    %dma_wait3A_196 = tpu.memref_slice %arg11[%dma_wait3A_195] : memref<512xi32, #tpu.memory_space<vmem>> -> memref<128xi32, #tpu.memory_space<vmem>>
    %dma_wait3A_197 = arith.constant 0 : i32
    %dma_wait3A_198 = arith.constant 0 : i32
    %dma_wait3A_199 = tpu.memref_slice %arg5[%dma_wait3A_197, %dma_wait3A_198] : memref<507904x128xf32, #tpu.memory_space<hbm>> -> memref<507904x128xf32, #tpu.memory_space<hbm>>
    tpu.wait_indirect_dma semaphore(%arg18 : memref<!tpu.dma_semaphore, #tpu.memory_space<semaphore_mem>>) src(%dma_wait3A_199 : memref<507904x128xf32, #tpu.memory_space<hbm>>) dst(%dma_wait3A_194 : memref<128x128xf32, #tpu.memory_space<vmem>>)
    %dma_wait3A_200 = arith.constant 128 : i32
    %dma_wait3A_201 = arith.constant 0 : i32
    %dma_wait3A_202 = tpu.memref_slice %arg15[%dma_wait3A_200, %dma_wait3A_201] : memref<256x128xf32, #tpu.memory_space<vmem>> -> memref<128x128xf32, #tpu.memory_space<vmem>>
    %dma_wait3A_203 = arith.constant 384 : i32
    %dma_wait3A_204 = tpu.memref_slice %arg12[%dma_wait3A_203] : memref<512xi32, #tpu.memory_space<vmem>> -> memref<128xi32, #tpu.memory_space<vmem>>
    %dma_wait3A_205 = arith.constant 0 : i32
    %dma_wait3A_206 = arith.constant 0 : i32
    %dma_wait3A_207 = tpu.memref_slice %arg5[%dma_wait3A_205, %dma_wait3A_206] : memref<507904x128xf32, #tpu.memory_space<hbm>> -> memref<507904x128xf32, #tpu.memory_space<hbm>>
    tpu.wait_indirect_dma semaphore(%arg18 : memref<!tpu.dma_semaphore, #tpu.memory_space<semaphore_mem>>) src(%dma_wait3A_207 : memref<507904x128xf32, #tpu.memory_space<hbm>>) dst(%dma_wait3A_202 : memref<128x128xf32, #tpu.memory_space<vmem>>)
    %dma_wait3A_208 = arith.constant 128 : i32
    %dma_wait3A_209 = arith.constant 0 : i32
    %dma_wait3A_210 = tpu.memref_slice %arg16[%dma_wait3A_208, %dma_wait3A_209] : memref<256x128xf32, #tpu.memory_space<vmem>> -> memref<128x128xf32, #tpu.memory_space<vmem>>
    %dma_wait3A_211 = arith.constant 384 : i32
    %dma_wait3A_212 = tpu.memref_slice %arg13[%dma_wait3A_211] : memref<512xi32, #tpu.memory_space<vmem>> -> memref<128xi32, #tpu.memory_space<vmem>>
    %dma_wait3A_213 = arith.constant 0 : i32
    %dma_wait3A_214 = arith.constant 0 : i32
    %dma_wait3A_215 = tpu.memref_slice %arg6[%dma_wait3A_213, %dma_wait3A_214] : memref<500x128xf32, #tpu.memory_space<hbm>> -> memref<500x128xf32, #tpu.memory_space<hbm>>
    tpu.wait_indirect_dma semaphore(%arg18 : memref<!tpu.dma_semaphore, #tpu.memory_space<semaphore_mem>>) src(%dma_wait3A_215 : memref<500x128xf32, #tpu.memory_space<hbm>>) dst(%dma_wait3A_210 : memref<128x128xf32, #tpu.memory_space<vmem>>)
    %scan3A_216 = arith.constant 0 : i32
    %scan3A_217 = arith.constant 0 : i32
    %scan3A_218 = arith.constant 8 : i32
    %scan3A_219 = arith.addi %scan3A_217, %scan3A_218 : i32
    %scan3A_220 = arith.constant 1 : i32
    scf.for %scan3A_222 = %scan3A_217 to %scan3A_219 step %scan3A_220  : i32 {
      %mul3A_223 = arith.constant 16 : i32
      %mul3A_224 = arith.muli %scan3A_222, %mul3A_223 : i32
      %add3A_225 = arith.constant 128 : i32
      %add3A_226 = arith.addi %add3A_225, %mul3A_224 : i32
      %add3A_227 = vector.broadcast %add3A_226 : i32 to vector<16xi32>
      %add3A_228 = arith.addi %iota3A, %add3A_227 : vector<16xi32>
      %mul3A_229 = arith.constant 16 : i32
      %mul3A_230 = arith.muli %scan3A_222, %mul3A_229 : i32
      %add3A_231 = arith.constant 384 : i32
      %add3A_232 = arith.addi %add3A_231, %mul3A_230 : i32
      %get3A = arith.index_cast %add3A_232 : i32 to index
      %get3A_233 = tpu.vector_load %arg8[%get3A] {strides = array<i32>} : memref<512xi32, #tpu.memory_space<vmem>>, vector<16xi32>,
      %shift_right_logical3A = arith.constant 13 : i32
      %shift_right_logical3A_234 = vector.broadcast %shift_right_logical3A : i32 to vector<16xi32>
      %shift_right_logical3A_235 = arith.shrui %get3A_233, %shift_right_logical3A_234 : vector<16xi32>
      %and3A = arith.constant 1 : i32
      %and3A_236 = vector.broadcast %and3A : i32 to vector<16xi32>
      %and3A_237 = arith.andi %shift_right_logical3A_235, %and3A_236 : vector<16xi32>
      %shift_left3A = arith.constant 6 : i32
      %shift_left3A_238 = vector.broadcast %shift_left3A : i32 to vector<16xi32>
      %shift_left3A_239 = arith.shli %and3A_237, %shift_left3A_238 : vector<16xi32>
      %get3A_240 = arith.index_cast %add3A_232 : i32 to index
      %get3A_241 = tpu.vector_load %arg9[%get3A_240] {strides = array<i32>} : memref<512xi32, #tpu.memory_space<vmem>>, vector<16xi32>,
      %shift_right_logical3A_242 = arith.constant 13 : i32
      %shift_right_logical3A_243 = vector.broadcast %shift_right_logical3A_242 : i32 to vector<16xi32>
      %shift_right_logical3A_244 = arith.shrui %get3A_241, %shift_right_logical3A_243 : vector<16xi32>
      %and3A_245 = arith.constant 1 : i32
      %and3A_246 = vector.broadcast %and3A_245 : i32 to vector<16xi32>
      %and3A_247 = arith.andi %shift_right_logical3A_244, %and3A_246 : vector<16xi32>
      %shift_left3A_248 = arith.constant 6 : i32
      %shift_left3A_249 = vector.broadcast %shift_left3A_248 : i32 to vector<16xi32>
      %shift_left3A_250 = arith.shli %and3A_247, %shift_left3A_249 : vector<16xi32>
      %get3A_251 = arith.index_cast %add3A_232 : i32 to index
      %get3A_252 = tpu.vector_load %arg10[%get3A_251] {strides = array<i32>} : memref<512xi32, #tpu.memory_space<vmem>>, vector<16xi32>,
      %ge3A = arith.constant 500 : i32
      %ge3A_253 = vector.broadcast %ge3A : i32 to vector<16xi32>
      %ge3A_254 = arith.cmpi sge, %get3A_252, %ge3A_253 : vector<16xi32>
      %jit3A = arith.constant 64 : i32
      %jit3A_255 = arith.constant 0 : i32
      %broadcast_in_dim3A = vector.broadcast %jit3A : i32 to vector<16xi32>
      %broadcast_in_dim3A_256 = vector.broadcast %jit3A_255 : i32 to vector<16xi32>
      %select_n3A = arith.select %ge3A_254, %broadcast_in_dim3A, %broadcast_in_dim3A_256 : vector<16xi1>, vector<16xi32>
      %broadcast_in_dim3A_257 = arith.constant 0.000000e+00 : f32
      %broadcast_in_dim3A_258 = vector.broadcast %broadcast_in_dim3A_257 : f32 to vector<16xf32>
      %scan3A_259 = arith.constant 0 : i32
      %scan3A_260 = arith.constant 8 : i32
      %scan3A_261 = arith.addi %scan3A_259, %scan3A_260 : i32
      %scan3A_262 = arith.constant 1 : i32
      %scan3A_263:6 = scf.for %scan3A_451 = %scan3A_259 to %scan3A_261 step %scan3A_262 iter_args(%scan3A_452 = %broadcast_in_dim3A_258, %scan3A_453 = %broadcast_in_dim3A_258, %scan3A_454 = %broadcast_in_dim3A_258, %scan3A_455 = %broadcast_in_dim3A_258, %scan3A_456 = %broadcast_in_dim3A_258, %scan3A_457 = %broadcast_in_dim3A_258) -> (vector<16xf32>, vector<16xf32>, vector<16xf32>, vector<16xf32>, vector<16xf32>, vector<16xf32>)  : i32 {
        %mul3A_458 = arith.constant 8 : i32
        %mul3A_459 = arith.muli %scan3A_451, %mul3A_458 : i32
        %add3A_460 = arith.constant 0 : i32
        %add3A_461 = arith.addi %mul3A_459, %add3A_460 : i32
        %add3A_462 = vector.broadcast %add3A_461 : i32 to vector<16xi32>
        %add3A_463 = arith.addi %shift_left3A_239, %add3A_462 : vector<16xi32>
        %gather3A = tpu.vector_load_idx %arg14[%add3A_228, %add3A_463] : memref<256x128xf32, #tpu.memory_space<vmem>>[vector<16xi32>, vector<16xi32>], vector<16xf32>,
        %add3A_464 = vector.broadcast %add3A_461 : i32 to vector<16xi32>
        %add3A_465 = arith.addi %shift_left3A_250, %add3A_464 : vector<16xi32>
        %gather3A_466 = tpu.vector_load_idx %arg15[%add3A_228, %add3A_465] : memref<256x128xf32, #tpu.memory_space<vmem>>[vector<16xi32>, vector<16xi32>], vector<16xf32>,
        %add3A_467 = vector.broadcast %add3A_461 : i32 to vector<16xi32>
        %add3A_468 = arith.addi %select_n3A, %add3A_467 : vector<16xi32>
        %gather3A_469 = tpu.vector_load_idx %arg16[%add3A_228, %add3A_468] : memref<256x128xf32, #tpu.memory_space<vmem>>[vector<16xi32>, vector<16xi32>], vector<16xf32>,
        %mul3A_470 = arith.mulf %gather3A, %gather3A : vector<16xf32>
        %add3A_471 = arith.addf %scan3A_452, %mul3A_470 : vector<16xf32>
        %mul3A_472 = arith.mulf %gather3A_466, %gather3A_466 : vector<16xf32>
        %add3A_473 = arith.addf %scan3A_453, %mul3A_472 : vector<16xf32>
        %mul3A_474 = arith.mulf %gather3A_469, %gather3A_469 : vector<16xf32>
        %add3A_475 = arith.addf %scan3A_454, %mul3A_474 : vector<16xf32>
        %mul3A_476 = arith.mulf %gather3A, %gather3A_466 : vector<16xf32>
        %add3A_477 = arith.addf %scan3A_455, %mul3A_476 : vector<16xf32>
        %mul3A_478 = arith.mulf %gather3A, %gather3A_469 : vector<16xf32>
        %add3A_479 = arith.addf %scan3A_456, %mul3A_478 : vector<16xf32>
        %mul3A_480 = arith.mulf %gather3A_466, %gather3A_469 : vector<16xf32>
        %add3A_481 = arith.addf %scan3A_457, %mul3A_480 : vector<16xf32>
        %mul3A_482 = arith.constant 8 : i32
        %mul3A_483 = arith.muli %scan3A_451, %mul3A_482 : i32
        %add3A_484 = arith.constant 1 : i32
        %add3A_485 = arith.addi %mul3A_483, %add3A_484 : i32
        %add3A_486 = vector.broadcast %add3A_485 : i32 to vector<16xi32>
        %add3A_487 = arith.addi %shift_left3A_239, %add3A_486 : vector<16xi32>
        %gather3A_488 = tpu.vector_load_idx %arg14[%add3A_228, %add3A_487] : memref<256x128xf32, #tpu.memory_space<vmem>>[vector<16xi32>, vector<16xi32>], vector<16xf32>,
        %add3A_489 = vector.broadcast %add3A_485 : i32 to vector<16xi32>
        %add3A_490 = arith.addi %shift_left3A_250, %add3A_489 : vector<16xi32>
        %gather3A_491 = tpu.vector_load_idx %arg15[%add3A_228, %add3A_490] : memref<256x128xf32, #tpu.memory_space<vmem>>[vector<16xi32>, vector<16xi32>], vector<16xf32>,
        %add3A_492 = vector.broadcast %add3A_485 : i32 to vector<16xi32>
        %add3A_493 = arith.addi %select_n3A, %add3A_492 : vector<16xi32>
        %gather3A_494 = tpu.vector_load_idx %arg16[%add3A_228, %add3A_493] : memref<256x128xf32, #tpu.memory_space<vmem>>[vector<16xi32>, vector<16xi32>], vector<16xf32>,
        %mul3A_495 = arith.mulf %gather3A_488, %gather3A_488 : vector<16xf32>
        %add3A_496 = arith.addf %add3A_471, %mul3A_495 : vector<16xf32>
        %mul3A_497 = arith.mulf %gather3A_491, %gather3A_491 : vector<16xf32>
        %add3A_498 = arith.addf %add3A_473, %mul3A_497 : vector<16xf32>
        %mul3A_499 = arith.mulf %gather3A_494, %gather3A_494 : vector<16xf32>
        %add3A_500 = arith.addf %add3A_475, %mul3A_499 : vector<16xf32>
        %mul3A_501 = arith.mulf %gather3A_488, %gather3A_491 : vector<16xf32>
        %add3A_502 = arith.addf %add3A_477, %mul3A_501 : vector<16xf32>
        %mul3A_503 = arith.mulf %gather3A_488, %gather3A_494 : vector<16xf32>
        %add3A_504 = arith.addf %add3A_479, %mul3A_503 : vector<16xf32>
        %mul3A_505 = arith.mulf %gather3A_491, %gather3A_494 : vector<16xf32>
        %add3A_506 = arith.addf %add3A_481, %mul3A_505 : vector<16xf32>
        %mul3A_507 = arith.constant 8 : i32
        %mul3A_508 = arith.muli %scan3A_451, %mul3A_507 : i32
        %add3A_509 = arith.constant 2 : i32
        %add3A_510 = arith.addi %mul3A_508, %add3A_509 : i32
        %add3A_511 = vector.broadcast %add3A_510 : i32 to vector<16xi32>
        %add3A_512 = arith.addi %shift_left3A_239, %add3A_511 : vector<16xi32>
        %gather3A_513 = tpu.vector_load_idx %arg14[%add3A_228, %add3A_512] : memref<256x128xf32, #tpu.memory_space<vmem>>[vector<16xi32>, vector<16xi32>], vector<16xf32>,
        %add3A_514 = vector.broadcast %add3A_510 : i32 to vector<16xi32>
        %add3A_515 = arith.addi %shift_left3A_250, %add3A_514 : vector<16xi32>
        %gather3A_516 = tpu.vector_load_idx %arg15[%add3A_228, %add3A_515] : memref<256x128xf32, #tpu.memory_space<vmem>>[vector<16xi32>, vector<16xi32>], vector<16xf32>,
        %add3A_517 = vector.broadcast %add3A_510 : i32 to vector<16xi32>
        %add3A_518 = arith.addi %select_n3A, %add3A_517 : vector<16xi32>
        %gather3A_519 = tpu.vector_load_idx %arg16[%add3A_228, %add3A_518] : memref<256x128xf32, #tpu.memory_space<vmem>>[vector<16xi32>, vector<16xi32>], vector<16xf32>,
        %mul3A_520 = arith.mulf %gather3A_513, %gather3A_513 : vector<16xf32>
        %add3A_521 = arith.addf %add3A_496, %mul3A_520 : vector<16xf32>
        %mul3A_522 = arith.mulf %gather3A_516, %gather3A_516 : vector<16xf32>
        %add3A_523 = arith.addf %add3A_498, %mul3A_522 : vector<16xf32>
        %mul3A_524 = arith.mulf %gather3A_519, %gather3A_519 : vector<16xf32>
        %add3A_525 = arith.addf %add3A_500, %mul3A_524 : vector<16xf32>
        %mul3A_526 = arith.mulf %gather3A_513, %gather3A_516 : vector<16xf32>
        %add3A_527 = arith.addf %add3A_502, %mul3A_526 : vector<16xf32>
        %mul3A_528 = arith.mulf %gather3A_513, %gather3A_519 : vector<16xf32>
        %add3A_529 = arith.addf %add3A_504, %mul3A_528 : vector<16xf32>
        %mul3A_530 = arith.mulf %gather3A_516, %gather3A_519 : vector<16xf32>
        %add3A_531 = arith.addf %add3A_506, %mul3A_530 : vector<16xf32>
        %mul3A_532 = arith.constant 8 : i32
        %mul3A_533 = arith.muli %scan3A_451, %mul3A_532 : i32
        %add3A_534 = arith.constant 3 : i32
        %add3A_535 = arith.addi %mul3A_533, %add3A_534 : i32
        %add3A_536 = vector.broadcast %add3A_535 : i32 to vector<16xi32>
        %add3A_537 = arith.addi %shift_left3A_239, %add3A_536 : vector<16xi32>
        %gather3A_538 = tpu.vector_load_idx %arg14[%add3A_228, %add3A_537] : memref<256x128xf32, #tpu.memory_space<vmem>>[vector<16xi32>, vector<16xi32>], vector<16xf32>,
        %add3A_539 = vector.broadcast %add3A_535 : i32 to vector<16xi32>
        %add3A_540 = arith.addi %shift_left3A_250, %add3A_539 : vector<16xi32>
        %gather3A_541 = tpu.vector_load_idx %arg15[%add3A_228, %add3A_540] : memref<256x128xf32, #tpu.memory_space<vmem>>[vector<16xi32>, vector<16xi32>], vector<16xf32>,
        %add3A_542 = vector.broadcast %add3A_535 : i32 to vector<16xi32>
        %add3A_543 = arith.addi %select_n3A, %add3A_542 : vector<16xi32>
        %gather3A_544 = tpu.vector_load_idx %arg16[%add3A_228, %add3A_543] : memref<256x128xf32, #tpu.memory_space<vmem>>[vector<16xi32>, vector<16xi32>], vector<16xf32>,
        %mul3A_545 = arith.mulf %gather3A_538, %gather3A_538 : vector<16xf32>
        %add3A_546 = arith.addf %add3A_521, %mul3A_545 : vector<16xf32>
        %mul3A_547 = arith.mulf %gather3A_541, %gather3A_541 : vector<16xf32>
        %add3A_548 = arith.addf %add3A_523, %mul3A_547 : vector<16xf32>
        %mul3A_549 = arith.mulf %gather3A_544, %gather3A_544 : vector<16xf32>
        %add3A_550 = arith.addf %add3A_525, %mul3A_549 : vector<16xf32>
        %mul3A_551 = arith.mulf %gather3A_538, %gather3A_541 : vector<16xf32>
        %add3A_552 = arith.addf %add3A_527, %mul3A_551 : vector<16xf32>
        %mul3A_553 = arith.mulf %gather3A_538, %gather3A_544 : vector<16xf32>
        %add3A_554 = arith.addf %add3A_529, %mul3A_553 : vector<16xf32>
        %mul3A_555 = arith.mulf %gather3A_541, %gather3A_544 : vector<16xf32>
        %add3A_556 = arith.addf %add3A_531, %mul3A_555 : vector<16xf32>
        %mul3A_557 = arith.constant 8 : i32
        %mul3A_558 = arith.muli %scan3A_451, %mul3A_557 : i32
        %add3A_559 = arith.constant 4 : i32
        %add3A_560 = arith.addi %mul3A_558, %add3A_559 : i32
        %add3A_561 = vector.broadcast %add3A_560 : i32 to vector<16xi32>
        %add3A_562 = arith.addi %shift_left3A_239, %add3A_561 : vector<16xi32>
        %gather3A_563 = tpu.vector_load_idx %arg14[%add3A_228, %add3A_562] : memref<256x128xf32, #tpu.memory_space<vmem>>[vector<16xi32>, vector<16xi32>], vector<16xf32>,
        %add3A_564 = vector.broadcast %add3A_560 : i32 to vector<16xi32>
        %add3A_565 = arith.addi %shift_left3A_250, %add3A_564 : vector<16xi32>
        %gather3A_566 = tpu.vector_load_idx %arg15[%add3A_228, %add3A_565] : memref<256x128xf32, #tpu.memory_space<vmem>>[vector<16xi32>, vector<16xi32>], vector<16xf32>,
        %add3A_567 = vector.broadcast %add3A_560 : i32 to vector<16xi32>
        %add3A_568 = arith.addi %select_n3A, %add3A_567 : vector<16xi32>
        %gather3A_569 = tpu.vector_load_idx %arg16[%add3A_228, %add3A_568] : memref<256x128xf32, #tpu.memory_space<vmem>>[vector<16xi32>, vector<16xi32>], vector<16xf32>,
        %mul3A_570 = arith.mulf %gather3A_563, %gather3A_563 : vector<16xf32>
        %add3A_571 = arith.addf %add3A_546, %mul3A_570 : vector<16xf32>
        %mul3A_572 = arith.mulf %gather3A_566, %gather3A_566 : vector<16xf32>
        %add3A_573 = arith.addf %add3A_548, %mul3A_572 : vector<16xf32>
        %mul3A_574 = arith.mulf %gather3A_569, %gather3A_569 : vector<16xf32>
        %add3A_575 = arith.addf %add3A_550, %mul3A_574 : vector<16xf32>
        %mul3A_576 = arith.mulf %gather3A_563, %gather3A_566 : vector<16xf32>
        %add3A_577 = arith.addf %add3A_552, %mul3A_576 : vector<16xf32>
        %mul3A_578 = arith.mulf %gather3A_563, %gather3A_569 : vector<16xf32>
        %add3A_579 = arith.addf %add3A_554, %mul3A_578 : vector<16xf32>
        %mul3A_580 = arith.mulf %gather3A_566, %gather3A_569 : vector<16xf32>
        %add3A_581 = arith.addf %add3A_556, %mul3A_580 : vector<16xf32>
        %mul3A_582 = arith.constant 8 : i32
        %mul3A_583 = arith.muli %scan3A_451, %mul3A_582 : i32
        %add3A_584 = arith.constant 5 : i32
        %add3A_585 = arith.addi %mul3A_583, %add3A_584 : i32
        %add3A_586 = vector.broadcast %add3A_585 : i32 to vector<16xi32>
        %add3A_587 = arith.addi %shift_left3A_239, %add3A_586 : vector<16xi32>
        %gather3A_588 = tpu.vector_load_idx %arg14[%add3A_228, %add3A_587] : memref<256x128xf32, #tpu.memory_space<vmem>>[vector<16xi32>, vector<16xi32>], vector<16xf32>,
        %add3A_589 = vector.broadcast %add3A_585 : i32 to vector<16xi32>
        %add3A_590 = arith.addi %shift_left3A_250, %add3A_589 : vector<16xi32>
        %gather3A_591 = tpu.vector_load_idx %arg15[%add3A_228, %add3A_590] : memref<256x128xf32, #tpu.memory_space<vmem>>[vector<16xi32>, vector<16xi32>], vector<16xf32>,
        %add3A_592 = vector.broadcast %add3A_585 : i32 to vector<16xi32>
        %add3A_593 = arith.addi %select_n3A, %add3A_592 : vector<16xi32>
        %gather3A_594 = tpu.vector_load_idx %arg16[%add3A_228, %add3A_593] : memref<256x128xf32, #tpu.memory_space<vmem>>[vector<16xi32>, vector<16xi32>], vector<16xf32>,
        %mul3A_595 = arith.mulf %gather3A_588, %gather3A_588 : vector<16xf32>
        %add3A_596 = arith.addf %add3A_571, %mul3A_595 : vector<16xf32>
        %mul3A_597 = arith.mulf %gather3A_591, %gather3A_591 : vector<16xf32>
        %add3A_598 = arith.addf %add3A_573, %mul3A_597 : vector<16xf32>
        %mul3A_599 = arith.mulf %gather3A_594, %gather3A_594 : vector<16xf32>
        %add3A_600 = arith.addf %add3A_575, %mul3A_599 : vector<16xf32>
        %mul3A_601 = arith.mulf %gather3A_588, %gather3A_591 : vector<16xf32>
        %add3A_602 = arith.addf %add3A_577, %mul3A_601 : vector<16xf32>
        %mul3A_603 = arith.mulf %gather3A_588, %gather3A_594 : vector<16xf32>
        %add3A_604 = arith.addf %add3A_579, %mul3A_603 : vector<16xf32>
        %mul3A_605 = arith.mulf %gather3A_591, %gather3A_594 : vector<16xf32>
        %add3A_606 = arith.addf %add3A_581, %mul3A_605 : vector<16xf32>
        %mul3A_607 = arith.constant 8 : i32
        %mul3A_608 = arith.muli %scan3A_451, %mul3A_607 : i32
        %add3A_609 = arith.constant 6 : i32
        %add3A_610 = arith.addi %mul3A_608, %add3A_609 : i32
        %add3A_611 = vector.broadcast %add3A_610 : i32 to vector<16xi32>
        %add3A_612 = arith.addi %shift_left3A_239, %add3A_611 : vector<16xi32>
        %gather3A_613 = tpu.vector_load_idx %arg14[%add3A_228, %add3A_612] : memref<256x128xf32, #tpu.memory_space<vmem>>[vector<16xi32>, vector<16xi32>], vector<16xf32>,
        %add3A_614 = vector.broadcast %add3A_610 : i32 to vector<16xi32>
        %add3A_615 = arith.addi %shift_left3A_250, %add3A_614 : vector<16xi32>
        %gather3A_616 = tpu.vector_load_idx %arg15[%add3A_228, %add3A_615] : memref<256x128xf32, #tpu.memory_space<vmem>>[vector<16xi32>, vector<16xi32>], vector<16xf32>,
        %add3A_617 = vector.broadcast %add3A_610 : i32 to vector<16xi32>
        %add3A_618 = arith.addi %select_n3A, %add3A_617 : vector<16xi32>
        %gather3A_619 = tpu.vector_load_idx %arg16[%add3A_228, %add3A_618] : memref<256x128xf32, #tpu.memory_space<vmem>>[vector<16xi32>, vector<16xi32>], vector<16xf32>,
        %mul3A_620 = arith.mulf %gather3A_613, %gather3A_613 : vector<16xf32>
        %add3A_621 = arith.addf %add3A_596, %mul3A_620 : vector<16xf32>
        %mul3A_622 = arith.mulf %gather3A_616, %gather3A_616 : vector<16xf32>
        %add3A_623 = arith.addf %add3A_598, %mul3A_622 : vector<16xf32>
        %mul3A_624 = arith.mulf %gather3A_619, %gather3A_619 : vector<16xf32>
        %add3A_625 = arith.addf %add3A_600, %mul3A_624 : vector<16xf32>
        %mul3A_626 = arith.mulf %gather3A_613, %gather3A_616 : vector<16xf32>
        %add3A_627 = arith.addf %add3A_602, %mul3A_626 : vector<16xf32>
        %mul3A_628 = arith.mulf %gather3A_613, %gather3A_619 : vector<16xf32>
        %add3A_629 = arith.addf %add3A_604, %mul3A_628 : vector<16xf32>
        %mul3A_630 = arith.mulf %gather3A_616, %gather3A_619 : vector<16xf32>
        %add3A_631 = arith.addf %add3A_606, %mul3A_630 : vector<16xf32>
        %mul3A_632 = arith.constant 8 : i32
        %mul3A_633 = arith.muli %scan3A_451, %mul3A_632 : i32
        %add3A_634 = arith.constant 7 : i32
        %add3A_635 = arith.addi %mul3A_633, %add3A_634 : i32
        %add3A_636 = vector.broadcast %add3A_635 : i32 to vector<16xi32>
        %add3A_637 = arith.addi %shift_left3A_239, %add3A_636 : vector<16xi32>
        %gather3A_638 = tpu.vector_load_idx %arg14[%add3A_228, %add3A_637] : memref<256x128xf32, #tpu.memory_space<vmem>>[vector<16xi32>, vector<16xi32>], vector<16xf32>,
        %add3A_639 = vector.broadcast %add3A_635 : i32 to vector<16xi32>
        %add3A_640 = arith.addi %shift_left3A_250, %add3A_639 : vector<16xi32>
        %gather3A_641 = tpu.vector_load_idx %arg15[%add3A_228, %add3A_640] : memref<256x128xf32, #tpu.memory_space<vmem>>[vector<16xi32>, vector<16xi32>], vector<16xf32>,
        %add3A_642 = vector.broadcast %add3A_635 : i32 to vector<16xi32>
        %add3A_643 = arith.addi %select_n3A, %add3A_642 : vector<16xi32>
        %gather3A_644 = tpu.vector_load_idx %arg16[%add3A_228, %add3A_643] : memref<256x128xf32, #tpu.memory_space<vmem>>[vector<16xi32>, vector<16xi32>], vector<16xf32>,
        %mul3A_645 = arith.mulf %gather3A_638, %gather3A_638 : vector<16xf32>
        %add3A_646 = arith.addf %add3A_621, %mul3A_645 : vector<16xf32>
        %mul3A_647 = arith.mulf %gather3A_641, %gather3A_641 : vector<16xf32>
        %add3A_648 = arith.addf %add3A_623, %mul3A_647 : vector<16xf32>
        %mul3A_649 = arith.mulf %gather3A_644, %gather3A_644 : vector<16xf32>
        %add3A_650 = arith.addf %add3A_625, %mul3A_649 : vector<16xf32>
        %mul3A_651 = arith.mulf %gather3A_638, %gather3A_641 : vector<16xf32>
        %add3A_652 = arith.addf %add3A_627, %mul3A_651 : vector<16xf32>
        %mul3A_653 = arith.mulf %gather3A_638, %gather3A_644 : vector<16xf32>
        %add3A_654 = arith.addf %add3A_629, %mul3A_653 : vector<16xf32>
        %mul3A_655 = arith.mulf %gather3A_641, %gather3A_644 : vector<16xf32>
        %add3A_656 = arith.addf %add3A_631, %mul3A_655 : vector<16xf32>
        scf.yield %add3A_646, %add3A_648, %add3A_650, %add3A_652, %add3A_654, %add3A_656 : vector<16xf32>, vector<16xf32>, vector<16xf32>, vector<16xf32>, vector<16xf32>, vector<16xf32>
      }
      %scan3A_264 = arith.constant 8 : i32
      %bitcast3A = vector.bitcast %scan3A_263#0 : vector<16xf32> to vector<16xi32>
      %shift_right_logical3A_265 = arith.constant 1 : i32
      %shift_right_logical3A_266 = vector.broadcast %shift_right_logical3A_265 : i32 to vector<16xi32>
      %shift_right_logical3A_267 = arith.shrui %bitcast3A, %shift_right_logical3A_266 : vector<16xi32>
      %sub3A = arith.constant 1597463007 : i32
      %sub3A_268 = vector.broadcast %sub3A : i32 to vector<16xi32>
      %sub3A_269 = arith.subi %sub3A_268, %shift_right_logical3A_267 : vector<16xi32>
      %bitcast3A_270 = vector.bitcast %sub3A_269 : vector<16xi32> to vector<16xf32>
      %mul3A_271 = arith.constant 5.000000e-01 : f32
      %mul3A_272 = vector.broadcast %mul3A_271 : f32 to vector<16xf32>
      %mul3A_273 = arith.mulf %mul3A_272, %scan3A_263#0 : vector<16xf32>
      %mul3A_274 = arith.mulf %mul3A_273, %bitcast3A_270 : vector<16xf32>
      %mul3A_275 = arith.mulf %mul3A_274, %bitcast3A_270 : vector<16xf32>
      %sub3A_276 = arith.constant 1.500000e+00 : f32
      %sub3A_277 = vector.broadcast %sub3A_276 : f32 to vector<16xf32>
      %sub3A_278 = arith.subf %sub3A_277, %mul3A_275 : vector<16xf32>
      %mul3A_279 = arith.mulf %bitcast3A_270, %sub3A_278 : vector<16xf32>
      %mul3A_280 = arith.constant 5.000000e-01 : f32
      %mul3A_281 = vector.broadcast %mul3A_280 : f32 to vector<16xf32>
      %mul3A_282 = arith.mulf %mul3A_281, %scan3A_263#0 : vector<16xf32>
      %mul3A_283 = arith.mulf %mul3A_282, %mul3A_279 : vector<16xf32>
      %mul3A_284 = arith.mulf %mul3A_283, %mul3A_279 : vector<16xf32>
      %sub3A_285 = arith.constant 1.500000e+00 : f32
      %sub3A_286 = vector.broadcast %sub3A_285 : f32 to vector<16xf32>
      %sub3A_287 = arith.subf %sub3A_286, %mul3A_284 : vector<16xf32>
      %mul3A_288 = arith.mulf %mul3A_279, %sub3A_287 : vector<16xf32>
      %mul3A_289 = arith.constant 5.000000e-01 : f32
      %mul3A_290 = vector.broadcast %mul3A_289 : f32 to vector<16xf32>
      %mul3A_291 = arith.mulf %mul3A_290, %scan3A_263#0 : vector<16xf32>
      %mul3A_292 = arith.mulf %mul3A_291, %mul3A_288 : vector<16xf32>
      %mul3A_293 = arith.mulf %mul3A_292, %mul3A_288 : vector<16xf32>
      %sub3A_294 = arith.constant 1.500000e+00 : f32
      %sub3A_295 = vector.broadcast %sub3A_294 : f32 to vector<16xf32>
      %sub3A_296 = arith.subf %sub3A_295, %mul3A_293 : vector<16xf32>
      %mul3A_297 = arith.mulf %mul3A_288, %sub3A_296 : vector<16xf32>
      %mul3A_298 = arith.mulf %scan3A_263#0, %mul3A_297 : vector<16xf32>
      %max3A = arith.constant 9.99999996E-13 : f32
      %max3A_299 = vector.broadcast %max3A : f32 to vector<16xf32>
      %max3A_300 = arith.maximumf %mul3A_298, %max3A_299 : vector<16xf32>
      %div3A = arith.constant 1.000000e+00 : f32
      %div3A_301 = vector.broadcast %div3A : f32 to vector<16xf32>
      %div3A_302 = arith.divf %div3A_301, %max3A_300 : vector<16xf32>
      %bitcast3A_303 = vector.bitcast %scan3A_263#1 : vector<16xf32> to vector<16xi32>
      %shift_right_logical3A_304 = arith.constant 1 : i32
      %shift_right_logical3A_305 = vector.broadcast %shift_right_logical3A_304 : i32 to vector<16xi32>
      %shift_right_logical3A_306 = arith.shrui %bitcast3A_303, %shift_right_logical3A_305 : vector<16xi32>
      %sub3A_307 = arith.constant 1597463007 : i32
      %sub3A_308 = vector.broadcast %sub3A_307 : i32 to vector<16xi32>
      %sub3A_309 = arith.subi %sub3A_308, %shift_right_logical3A_306 : vector<16xi32>
      %bitcast3A_310 = vector.bitcast %sub3A_309 : vector<16xi32> to vector<16xf32>
      %mul3A_311 = arith.constant 5.000000e-01 : f32
      %mul3A_312 = vector.broadcast %mul3A_311 : f32 to vector<16xf32>
      %mul3A_313 = arith.mulf %mul3A_312, %scan3A_263#1 : vector<16xf32>
      %mul3A_314 = arith.mulf %mul3A_313, %bitcast3A_310 : vector<16xf32>
      %mul3A_315 = arith.mulf %mul3A_314, %bitcast3A_310 : vector<16xf32>
      %sub3A_316 = arith.constant 1.500000e+00 : f32
      %sub3A_317 = vector.broadcast %sub3A_316 : f32 to vector<16xf32>
      %sub3A_318 = arith.subf %sub3A_317, %mul3A_315 : vector<16xf32>
      %mul3A_319 = arith.mulf %bitcast3A_310, %sub3A_318 : vector<16xf32>
      %mul3A_320 = arith.constant 5.000000e-01 : f32
      %mul3A_321 = vector.broadcast %mul3A_320 : f32 to vector<16xf32>
      %mul3A_322 = arith.mulf %mul3A_321, %scan3A_263#1 : vector<16xf32>
      %mul3A_323 = arith.mulf %mul3A_322, %mul3A_319 : vector<16xf32>
      %mul3A_324 = arith.mulf %mul3A_323, %mul3A_319 : vector<16xf32>
      %sub3A_325 = arith.constant 1.500000e+00 : f32
      %sub3A_326 = vector.broadcast %sub3A_325 : f32 to vector<16xf32>
      %sub3A_327 = arith.subf %sub3A_326, %mul3A_324 : vector<16xf32>
      %mul3A_328 = arith.mulf %mul3A_319, %sub3A_327 : vector<16xf32>
      %mul3A_329 = arith.constant 5.000000e-01 : f32
      %mul3A_330 = vector.broadcast %mul3A_329 : f32 to vector<16xf32>
      %mul3A_331 = arith.mulf %mul3A_330, %scan3A_263#1 : vector<16xf32>
      %mul3A_332 = arith.mulf %mul3A_331, %mul3A_328 : vector<16xf32>
      %mul3A_333 = arith.mulf %mul3A_332, %mul3A_328 : vector<16xf32>
      %sub3A_334 = arith.constant 1.500000e+00 : f32
      %sub3A_335 = vector.broadcast %sub3A_334 : f32 to vector<16xf32>
      %sub3A_336 = arith.subf %sub3A_335, %mul3A_333 : vector<16xf32>
      %mul3A_337 = arith.mulf %mul3A_328, %sub3A_336 : vector<16xf32>
      %mul3A_338 = arith.mulf %scan3A_263#1, %mul3A_337 : vector<16xf32>
      %max3A_339 = arith.constant 9.99999996E-13 : f32
      %max3A_340 = vector.broadcast %max3A_339 : f32 to vector<16xf32>
      %max3A_341 = arith.maximumf %mul3A_338, %max3A_340 : vector<16xf32>
      %div3A_342 = arith.constant 1.000000e+00 : f32
      %div3A_343 = vector.broadcast %div3A_342 : f32 to vector<16xf32>
      %div3A_344 = arith.divf %div3A_343, %max3A_341 : vector<16xf32>
      %bitcast3A_345 = vector.bitcast %scan3A_263#2 : vector<16xf32> to vector<16xi32>
      %shift_right_logical3A_346 = arith.constant 1 : i32
      %shift_right_logical3A_347 = vector.broadcast %shift_right_logical3A_346 : i32 to vector<16xi32>
      %shift_right_logical3A_348 = arith.shrui %bitcast3A_345, %shift_right_logical3A_347 : vector<16xi32>
      %sub3A_349 = arith.constant 1597463007 : i32
      %sub3A_350 = vector.broadcast %sub3A_349 : i32 to vector<16xi32>
      %sub3A_351 = arith.subi %sub3A_350, %shift_right_logical3A_348 : vector<16xi32>
      %bitcast3A_352 = vector.bitcast %sub3A_351 : vector<16xi32> to vector<16xf32>
      %mul3A_353 = arith.constant 5.000000e-01 : f32
      %mul3A_354 = vector.broadcast %mul3A_353 : f32 to vector<16xf32>
      %mul3A_355 = arith.mulf %mul3A_354, %scan3A_263#2 : vector<16xf32>
      %mul3A_356 = arith.mulf %mul3A_355, %bitcast3A_352 : vector<16xf32>
      %mul3A_357 = arith.mulf %mul3A_356, %bitcast3A_352 : vector<16xf32>
      %sub3A_358 = arith.constant 1.500000e+00 : f32
      %sub3A_359 = vector.broadcast %sub3A_358 : f32 to vector<16xf32>
      %sub3A_360 = arith.subf %sub3A_359, %mul3A_357 : vector<16xf32>
      %mul3A_361 = arith.mulf %bitcast3A_352, %sub3A_360 : vector<16xf32>
      %mul3A_362 = arith.constant 5.000000e-01 : f32
      %mul3A_363 = vector.broadcast %mul3A_362 : f32 to vector<16xf32>
      %mul3A_364 = arith.mulf %mul3A_363, %scan3A_263#2 : vector<16xf32>
      %mul3A_365 = arith.mulf %mul3A_364, %mul3A_361 : vector<16xf32>
      %mul3A_366 = arith.mulf %mul3A_365, %mul3A_361 : vector<16xf32>
      %sub3A_367 = arith.constant 1.500000e+00 : f32
      %sub3A_368 = vector.broadcast %sub3A_367 : f32 to vector<16xf32>
      %sub3A_369 = arith.subf %sub3A_368, %mul3A_366 : vector<16xf32>
      %mul3A_370 = arith.mulf %mul3A_361, %sub3A_369 : vector<16xf32>
      %mul3A_371 = arith.constant 5.000000e-01 : f32
      %mul3A_372 = vector.broadcast %mul3A_371 : f32 to vector<16xf32>
      %mul3A_373 = arith.mulf %mul3A_372, %scan3A_263#2 : vector<16xf32>
      %mul3A_374 = arith.mulf %mul3A_373, %mul3A_370 : vector<16xf32>
      %mul3A_375 = arith.mulf %mul3A_374, %mul3A_370 : vector<16xf32>
      %sub3A_376 = arith.constant 1.500000e+00 : f32
      %sub3A_377 = vector.broadcast %sub3A_376 : f32 to vector<16xf32>
      %sub3A_378 = arith.subf %sub3A_377, %mul3A_375 : vector<16xf32>
      %mul3A_379 = arith.mulf %mul3A_370, %sub3A_378 : vector<16xf32>
      %mul3A_380 = arith.mulf %scan3A_263#2, %mul3A_379 : vector<16xf32>
      %max3A_381 = arith.constant 9.99999996E-13 : f32
      %max3A_382 = vector.broadcast %max3A_381 : f32 to vector<16xf32>
      %max3A_383 = arith.maximumf %mul3A_380, %max3A_382 : vector<16xf32>
      %div3A_384 = arith.constant 1.000000e+00 : f32
      %div3A_385 = vector.broadcast %div3A_384 : f32 to vector<16xf32>
      %div3A_386 = arith.divf %div3A_385, %max3A_383 : vector<16xf32>
      %mul3A_387 = arith.mulf %scan3A_263#0, %div3A_302 : vector<16xf32>
      %mul3A_388 = arith.mulf %mul3A_387, %div3A_302 : vector<16xf32>
      %mul3A_389 = arith.mulf %scan3A_263#1, %div3A_344 : vector<16xf32>
      %mul3A_390 = arith.mulf %mul3A_389, %div3A_344 : vector<16xf32>
      %add3A_391 = arith.addf %mul3A_388, %mul3A_390 : vector<16xf32>
      %mul3A_392 = arith.mulf %scan3A_263#2, %div3A_386 : vector<16xf32>
      %mul3A_393 = arith.mulf %mul3A_392, %div3A_386 : vector<16xf32>
      %add3A_394 = arith.addf %add3A_391, %mul3A_393 : vector<16xf32>
      %mul3A_395 = arith.mulf %div3A_302, %div3A_344 : vector<16xf32>
      %mul3A_396 = arith.mulf %mul3A_395, %scan3A_263#3 : vector<16xf32>
      %mul3A_397 = arith.mulf %div3A_302, %div3A_386 : vector<16xf32>
      %mul3A_398 = arith.mulf %mul3A_397, %scan3A_263#4 : vector<16xf32>
      %sub3A_399 = arith.subf %mul3A_396, %mul3A_398 : vector<16xf32>
      %mul3A_400 = arith.mulf %div3A_344, %div3A_386 : vector<16xf32>
      %mul3A_401 = arith.mulf %mul3A_400, %scan3A_263#5 : vector<16xf32>
      %add3A_402 = arith.addf %sub3A_399, %mul3A_401 : vector<16xf32>
      %mul3A_403 = arith.constant 2.000000e+00 : f32
      %mul3A_404 = vector.broadcast %mul3A_403 : f32 to vector<16xf32>
      %mul3A_405 = arith.mulf %mul3A_404, %add3A_402 : vector<16xf32>
      %sub3A_406 = arith.subf %add3A_394, %mul3A_405 : vector<16xf32>
      %max3A_407 = arith.constant 0.000000e+00 : f32
      %max3A_408 = vector.broadcast %max3A_407 : f32 to vector<16xf32>
      %max3A_409 = arith.maximumf %sub3A_406, %max3A_408 : vector<16xf32>
      %bitcast3A_410 = vector.bitcast %max3A_409 : vector<16xf32> to vector<16xi32>
      %shift_right_logical3A_411 = arith.constant 1 : i32
      %shift_right_logical3A_412 = vector.broadcast %shift_right_logical3A_411 : i32 to vector<16xi32>
      %shift_right_logical3A_413 = arith.shrui %bitcast3A_410, %shift_right_logical3A_412 : vector<16xi32>
      %sub3A_414 = arith.constant 1597463007 : i32
      %sub3A_415 = vector.broadcast %sub3A_414 : i32 to vector<16xi32>
      %sub3A_416 = arith.subi %sub3A_415, %shift_right_logical3A_413 : vector<16xi32>
      %bitcast3A_417 = vector.bitcast %sub3A_416 : vector<16xi32> to vector<16xf32>
      %mul3A_418 = arith.constant 5.000000e-01 : f32
      %mul3A_419 = vector.broadcast %mul3A_418 : f32 to vector<16xf32>
      %mul3A_420 = arith.mulf %mul3A_419, %max3A_409 : vector<16xf32>
      %mul3A_421 = arith.mulf %mul3A_420, %bitcast3A_417 : vector<16xf32>
      %mul3A_422 = arith.mulf %mul3A_421, %bitcast3A_417 : vector<16xf32>
      %sub3A_423 = arith.constant 1.500000e+00 : f32
      %sub3A_424 = vector.broadcast %sub3A_423 : f32 to vector<16xf32>
      %sub3A_425 = arith.subf %sub3A_424, %mul3A_422 : vector<16xf32>
      %mul3A_426 = arith.mulf %bitcast3A_417, %sub3A_425 : vector<16xf32>
      %mul3A_427 = arith.constant 5.000000e-01 : f32
      %mul3A_428 = vector.broadcast %mul3A_427 : f32 to vector<16xf32>
      %mul3A_429 = arith.mulf %mul3A_428, %max3A_409 : vector<16xf32>
      %mul3A_430 = arith.mulf %mul3A_429, %mul3A_426 : vector<16xf32>
      %mul3A_431 = arith.mulf %mul3A_430, %mul3A_426 : vector<16xf32>
      %sub3A_432 = arith.constant 1.500000e+00 : f32
      %sub3A_433 = vector.broadcast %sub3A_432 : f32 to vector<16xf32>
      %sub3A_434 = arith.subf %sub3A_433, %mul3A_431 : vector<16xf32>
      %mul3A_435 = arith.mulf %mul3A_426, %sub3A_434 : vector<16xf32>
      %mul3A_436 = arith.constant 5.000000e-01 : f32
      %mul3A_437 = vector.broadcast %mul3A_436 : f32 to vector<16xf32>
      %mul3A_438 = arith.mulf %mul3A_437, %max3A_409 : vector<16xf32>
      %mul3A_439 = arith.mulf %mul3A_438, %mul3A_435 : vector<16xf32>
      %mul3A_440 = arith.mulf %mul3A_439, %mul3A_435 : vector<16xf32>
      %sub3A_441 = arith.constant 1.500000e+00 : f32
      %sub3A_442 = vector.broadcast %sub3A_441 : f32 to vector<16xf32>
      %sub3A_443 = arith.subf %sub3A_442, %mul3A_440 : vector<16xf32>
      %mul3A_444 = arith.mulf %mul3A_435, %sub3A_443 : vector<16xf32>
      %mul3A_445 = arith.mulf %max3A_409, %mul3A_444 : vector<16xf32>
      %mul3A_446 = arith.constant 16 : i32
      %mul3A_447 = arith.muli %scan3A_222, %mul3A_446 : i32
      %add3A_448 = arith.constant 384 : i32
      %add3A_449 = arith.addi %add3A_448, %mul3A_447 : i32
      %swap3A = arith.index_cast %add3A_449 : i32 to index
      %swap3A_450 = tpu.vector_load %arg17[%swap3A] {strides = array<i32>} : memref<512xf32, #tpu.memory_space<vmem>>, vector<16xf32>,
      tpu.vector_store %arg17[%swap3A], %mul3A_445 {strides = array<i32>} : memref<512xf32, #tpu.memory_space<vmem>>, vector<16xf32>,
    }
    %scan3A_221 = arith.constant 8 : i32
    "tpu.region"() ({
      %run_scoped3A = tpu.sem_alloc : memref<!tpu.dma_semaphore, #tpu.memory_space<semaphore_mem>>
      %dma_start3A_222 = tpu.memref_slice %arg7[%mul3A_2] : memref<16384xf32, #tpu.memory_space<hbm>> -> memref<512xf32, #tpu.memory_space<hbm>>
      %dma_start3A_223 = tpu.memref_slice %arg7[%mul3A_2] : memref<16384xf32, #tpu.memory_space<hbm>> -> memref<512xf32, #tpu.memory_space<hbm>>
      tpu.enqueue_dma source(%arg17 : memref<512xf32, #tpu.memory_space<vmem>>) target(%dma_start3A_223 : memref<512xf32, #tpu.memory_space<hbm>>) target_semaphore(%run_scoped3A : memref<!tpu.dma_semaphore, #tpu.memory_space<semaphore_mem>>)
      %dma_wait3A_224 = tpu.memref_slice %arg7[%mul3A_2] : memref<16384xf32, #tpu.memory_space<hbm>> -> memref<512xf32, #tpu.memory_space<hbm>>
      %dma_wait3A_225 = tpu.memref_slice %arg7[%mul3A_2] : memref<16384xf32, #tpu.memory_space<hbm>> -> memref<512xf32, #tpu.memory_space<hbm>>
      tpu.wait_dma2 semaphore(%run_scoped3A : memref<!tpu.dma_semaphore, #tpu.memory_space<semaphore_mem>>) src(%arg17 : memref<512xf32, #tpu.memory_space<vmem>>) dst(%dma_wait3A_225 : memref<512xf32, #tpu.memory_space<hbm>>)
      tpu.yield
    }) : () -> ()
    return
  }
}

module attributes {stable_mosaic.version = 14 : i64} {
  func.func @_rel_pair_body(%arg0: i32, %arg1: memref<64x1000xf32, #tpu.memory_space<vmem>>, %arg2: memref<500x128xf32, #tpu.memory_space<vmem>>) attributes {dimension_semantics = [#tpu.dimension_semantics<arbitrary>], iteration_bounds = array<i64: 1>, scalar_prefetch = 0 : i64, scratch_operands = 0 : i64, tpu.core_type = #tpu.core_type<tc>, window_params = [{pipeline_mode = #tpu.pipeline_mode<synchronous>, transform_indices = @transform_0, window_bounds = array<i64: 64, 1000>}, {pipeline_mode = #tpu.pipeline_mode<synchronous>, transform_indices = @transform_1, window_bounds = array<i64: 500, 128>}]} {
    %get3A = arith.constant 0 : index
    %get3A_0 = arith.constant 0 : index
    %get3A_1 = vector.load %arg1[%get3A, %get3A_0] : memref<64x1000xf32, #tpu.memory_space<vmem>>, vector<64x1000xf32>
    %slice3A = vector.extract_strided_slice %get3A_1 {offsets = [0, 0], sizes = [64, 500], strides = [1, 1]} : vector<64x1000xf32> to vector<64x500xf32>
    %transpose3A = tpu.transpose %slice3A, [1, 0] : vector<64x500xf32> -> vector<500x64xf32>
    %swap3A = arith.constant 0 : index
    %swap3A_2 = arith.constant 0 : index
    %swap3A_3 = vector.load %arg2[%swap3A, %swap3A_2] : memref<500x128xf32, #tpu.memory_space<vmem>>, vector<500x64xf32>
    tpu.vector_store %arg2[%swap3A, %swap3A_2], %transpose3A {strides = array<i32>} : memref<500x128xf32, #tpu.memory_space<vmem>>, vector<500x64xf32>,
    %slice3A_4 = vector.extract_strided_slice %get3A_1 {offsets = [0, 500], sizes = [64, 500], strides = [1, 1]} : vector<64x1000xf32> to vector<64x500xf32>
    %transpose3A_5 = tpu.transpose %slice3A_4, [1, 0] : vector<64x500xf32> -> vector<500x64xf32>
    %swap3A_6 = arith.constant 0 : index
    %swap3A_7 = arith.constant 64 : index
    %swap3A_8 = vector.load %arg2[%swap3A_6, %swap3A_7] : memref<500x128xf32, #tpu.memory_space<vmem>>, vector<500x64xf32>
    tpu.vector_store %arg2[%swap3A_6, %swap3A_7], %transpose3A_5 {strides = array<i32>} : memref<500x128xf32, #tpu.memory_space<vmem>>, vector<500x64xf32>,
    return
  }
  func.func @transform_0(%arg0: i32) -> (i32, i32) {
    %c0_i32 = arith.constant 0 : i32
    %c0_i32_0 = arith.constant 0 : i32
    %c0_i32_1 = arith.constant 0 : i32
    return %c0_i32, %c0_i32_0 : i32, i32
  }
  func.func @transform_1(%arg0: i32) -> (i32, i32) {
    %c0_i32 = arith.constant 0 : i32
    %c0_i32_0 = arith.constant 0 : i32
    %c0_i32_1 = arith.constant 0 : i32
    return %c0_i32, %c0_i32_0 : i32, i32
  }
}

module attributes {stable_mosaic.version = 14 : i64} {
  func.func @_pair_body(%arg0: i32, %arg1: memref<64x16384xf32, #tpu.memory_space<vmem>>, %arg2: memref<8192x128xf32, #tpu.memory_space<vmem>>) attributes {dimension_semantics = [#tpu.dimension_semantics<arbitrary>], iteration_bounds = array<i64: 62>, scalar_prefetch = 0 : i64, scratch_operands = 0 : i64, tpu.core_type = #tpu.core_type<tc>, window_params = [{transform_indices = @transform_0, window_bounds = array<i64: 64, 16384>}, {transform_indices = @transform_1, window_bounds = array<i64: 8192, 128>}]} {
    %get3A = arith.constant 0 : index
    %get3A_0 = arith.constant 0 : index
    %get3A_1 = vector.load %arg1[%get3A, %get3A_0] : memref<64x16384xf32, #tpu.memory_space<vmem>>, vector<64x16384xf32>
    %slice3A = vector.extract_strided_slice %get3A_1 {offsets = [0, 0], sizes = [64, 8192], strides = [1, 1]} : vector<64x16384xf32> to vector<64x8192xf32>
    %transpose3A = tpu.transpose %slice3A, [1, 0] : vector<64x8192xf32> -> vector<8192x64xf32>
    %swap3A = arith.constant 0 : index
    %swap3A_2 = arith.constant 0 : index
    %swap3A_3 = vector.load %arg2[%swap3A, %swap3A_2] : memref<8192x128xf32, #tpu.memory_space<vmem>>, vector<8192x64xf32>
    tpu.vector_store %arg2[%swap3A, %swap3A_2], %transpose3A {strides = array<i32>} : memref<8192x128xf32, #tpu.memory_space<vmem>>, vector<8192x64xf32>,
    %slice3A_4 = vector.extract_strided_slice %get3A_1 {offsets = [0, 8192], sizes = [64, 8192], strides = [1, 1]} : vector<64x16384xf32> to vector<64x8192xf32>
    %transpose3A_5 = tpu.transpose %slice3A_4, [1, 0] : vector<64x8192xf32> -> vector<8192x64xf32>
    %swap3A_6 = arith.constant 0 : index
    %swap3A_7 = arith.constant 64 : index
    %swap3A_8 = vector.load %arg2[%swap3A_6, %swap3A_7] : memref<8192x128xf32, #tpu.memory_space<vmem>>, vector<8192x64xf32>
    tpu.vector_store %arg2[%swap3A_6, %swap3A_7], %transpose3A_5 {strides = array<i32>} : memref<8192x128xf32, #tpu.memory_space<vmem>>, vector<8192x64xf32>,
    return
  }
  func.func @transform_0(%arg0: i32) -> (i32, i32) {
    %c0_i32 = arith.constant 0 : i32
    %c0_i32_0 = arith.constant 0 : i32
    return %c0_i32, %arg0 : i32, i32
  }
  func.func @transform_1(%arg0: i32) -> (i32, i32) {
    %c0_i32 = arith.constant 0 : i32
    %c0_i32_0 = arith.constant 0 : i32
    return %arg0, %c0_i32 : i32, i32
  }
}

</mosaic_0001>

<sc_bundles>
// kernel: kernel.5.cloned.1.call-start
scs
__scs_entry_jumppad:
0x0: {  	(pc) =	sbr.rel $0x88, $3  }
0x1: {  	(tag) =	ssettag $0x0;
	lr =	simm.s32 $0x1  }
0x2: {  	[smem:$0x3F9C] =	sst lr;
	_ =	strace $0xD0000000  }
0x3: {  	_ = 	snop  }
0x4: {  	_ = 	snop  }
0x5: {  	_ = 	snop  }
0x6: {  	_ = 	snop  }
0x7: {  	_ = 	snop  }
__scs_overlays_trampoline_lowered:
0x8: {  	[smem:$0x3FAB] =	sst s0  }
0x9: {  	[smem:$0x3FAC] =	sst s1  }
0xa: {  	[smem:$0x3FAD] =	sst s2  }
0xb: {  	[smem:$0x3FAE] =	sst s3  }
0xc: {  	[smem:$0x3FAF] =	sst s4  }
0xd: {  	[smem:$0x3FB0] =	sst s5  }
0xe: {  	[smem:$0x3FB1] =	sst s6  }
0xf: {  	[smem:$0x3FB2] =	sst s7  }
0x10: {  	[smem:$0x3FB3] =	sst s8  }
0x11: {  	[smem:$0x3FB4] =	sst s9;
	s0 =	simm.s32 @!p0 $0x0  }
0x12: {  	s1 =	sld [smem:$0x3F9A];
	s0 =	simm.s32 @p0 $0x1  }
0x13: {  	[smem:$0x3FB5] =	sst s0;
	s0 =	simm.s32 @!p1 $0x0  }
0x14: {  	s2 =	sld [smem:$0x3F99];
	s0 =	simm.s32 @p1 $0x1  }
0x15: {  	[smem:$0x3FB6] =	sst s0;
	s0 =	simm.s32 @!p2 $0x0  }
0x16: {  	s3 =	sld [smem:$0x3FDB];
	s0 =	simm.s32 @p2 $0x1  }
0x17: {  	s4 =	simm.s32 $0x1BF5;
	[smem:$0x3FB8] =	sst s0  }
0x18: {  	s0 =	sld [smem:$0x3F9B];
	_ =	swait.ge [sflag:s4], $0x0  }
0x19: {  	s7 =	sld [smem:$0x3F9C]  }
0x1a: {  	s8 =	sadd.s32 $0xFFFFE003, lr  }
0x1b: {  	s9 =	sadd.s32 $0xFFFFFEF7, lr;
	s5 =	simm.s32 $0xFFFFFFFF;
	p2 =	slt.u32 s8, $0xFFFFF086  }
0x1c: {  	p1 =	slt.u32 s9, $0xF7A;
	s5 =	simm.s32 @!p2 $0x0  }
0x1d: {  	s5 =	simm.s32 @p1 $0x1;
	p0 =	seq.s32 s7, s2  }
0x1e: {  	s7 =	smul.u32 @!p0 $0xF7A, s2;
	p2 =	seq.s32 @!p0 s5, $0x0  }
0x1f: {  	s9 =	smul.u32 $0xF7A, s1;
	s8 =	simm.s32 @!p0 $0x1BF5;
	p2 =	por !p2, p0  }
0x20: {  	[sflag:s8] =	ssyncset.s32 @!p0 $0xFFFFF086;
	s6 =	sadd.s32 @!p0 s3, s7;
	s7 =	simm.s32 @!p0 $0x108  }
0x21: {  	s3 =	sadd.s32 s3, s9;
	s6 =	sadd.s32 @!p0 $0x88, s6;
	s7 =	simm.s32 @p2 $0x1082  }
0x22: {  	[simem:s7], [sflag:s8] =	dma.local @!p0 [hbm:s6], $0xF7A  }
0x23: {  	s9 =	sor.u32 $0xD0000000, s2;
	s6 =	simm.s32 $0x108;
	_ =	swait.ge @!p0 [sflag:s8], $0x0  }
0x24: {  	s3 =	sadd.s32 $0x88, s3;
	s6 =	simm.s32 @!p1 $0x1082;
	[sflag:s4] =	ssyncset.s32 $0xFFFFF086  }
0x25: {  	[simem:s6], [sflag:s4] =	dma.local [hbm:s3], $0xF7A  }
0x26: {  	[smem:$0x3F9C] =	sst s1;
	(tag) =	ssettag s2;
	_ =	strace s9  }
0x27: {  	s1 =	sld [smem:$0x3FAC]  }
0x28: {  	s2 =	sld [smem:$0x3FAD]  }
0x29: {  	s4 =	sld [smem:$0x3FAF]  }
0x2a: {  	p0 =	seq.s32 s5, $0x0;
	s5 =	sld [smem:$0x3FB0]  }
0x2b: {  	s6 =	sld [smem:$0x3FB1]  }
0x2c: {  	s7 =	sld [smem:$0x3FB2]  }
0x2d: {  	s3 =	simm.s32 $0x108;
	s8 =	sld [smem:$0x3FB3]  }
0x2e: {  	s3 =	simm.s32 @!p0 $0x1082;
	s9 =	sld [smem:$0x3FB4]  }
0x2f: {  	lr =	sadd.s32 s0, s3;
	s0 =	sld [smem:$0x3FAB]  }
0x30: {  	s3 =	sld [smem:$0x3FAE]  }
0x31: {  	[smem:$0x3FB7] =	sst s10  }
0x32: {  	s10 =	sld [smem:$0x3FB5];
	_ =	sdelay $0x3  }
0x33: {  	p0 =	seq.s32 s10, $0x1;
	s10 =	sld [smem:$0x3FB7];
	_ =	sdelay $0x3  }
0x34: {  	[smem:$0x3FB7] =	sst s10  }
0x35: {  	s10 =	sld [smem:$0x3FB6];
	_ =	sdelay $0x3  }
0x36: {  	p1 =	seq.s32 s10, $0x1;
	s10 =	sld [smem:$0x3FB7];
	_ =	sdelay $0x3  }
0x37: {  	[smem:$0x3FB7] =	sst s10  }
0x38: {  	s10 =	sld [smem:$0x3FB8]  }
0x39: {  	_ = 	snop;
	(pc) =	sbr.ind lr, $3  }
0x3a: {  	_ = 	snop  }
0x3b: {  	_ = 	snop  }
0x3c: {  	p2 =	seq.s32 s10, $0x1;
	s10 =	sld [smem:$0x3FB7]  }
0x3d: {  	_ =	shalt  }
0x3e: {  	_ =	shalt  }
0x3f: {  	_ =	shalt  }
0x40: {  	_ =	shalt  }
0x41: {  	_ =	shalt  }
0x42: {  	_ =	shalt  }
0x43: {  	_ =	shalt  }
0x44: {  	_ =	shalt  }
0x45: {  	_ =	shalt  }
0x46: {  	_ =	shalt  }
0x47: {  	_ =	shalt  }
0x48: {  	_ =	shalt  }
0x49: {  	_ =	shalt  }
0x4a: {  	_ =	shalt  }
0x4b: {  	_ =	shalt  }
0x4c: {  	_ =	shalt  }
0x4d: {  	_ =	shalt  }
0x4e: {  	_ =	shalt  }
0x4f: {  	_ =	shalt  }
0x50: {  	_ =	shalt  }
0x51: {  	_ =	shalt  }
0x52: {  	_ =	shalt  }
0x53: {  	_ =	shalt  }
0x54: {  	_ =	shalt  }
0x55: {  	_ =	shalt  }
0x56: {  	_ =	shalt  }
0x57: {  	_ =	shalt  }
0x58: {  	_ =	shalt  }
0x59: {  	_ =	shalt  }
0x5a: {  	_ =	shalt  }
0x5b: {  	_ =	shalt  }
0x5c: {  	_ =	shalt  }
0x5d: {  	_ =	shalt  }
0x5e: {  	_ =	shalt  }
0x5f: {  	_ =	shalt  }
0x60: {  	_ =	shalt  }
0x61: {  	_ =	shalt  }
0x62: {  	_ =	shalt  }
0x63: {  	_ =	shalt  }
0x64: {  	_ =	shalt  }
0x65: {  	_ =	shalt  }
0x66: {  	_ =	shalt  }
0x67: {  	_ =	shalt  }
0x68: {  	_ =	shalt  }
0x69: {  	_ =	shalt  }
0x6a: {  	_ =	shalt  }
0x6b: {  	_ =	shalt  }
0x6c: {  	_ =	shalt  }
0x6d: {  	_ =	shalt  }
0x6e: {  	_ =	shalt  }
0x6f: {  	_ =	shalt  }
0x70: {  	_ =	shalt  }
0x71: {  	_ =	shalt  }
0x72: {  	_ =	shalt  }
0x73: {  	_ =	shalt  }
0x74: {  	_ =	shalt  }
0x75: {  	_ =	shalt  }
0x76: {  	_ =	shalt  }
0x77: {  	_ =	shalt  }
0x78: {  	_ =	shalt  }
0x79: {  	_ =	shalt  }
0x7a: {  	_ =	shalt  }
0x7b: {  	_ =	shalt  }
0x7c: {  	_ =	shalt  }
0x7d: {  	_ =	shalt  }
0x7e: {  	_ =	shalt  }
0x7f: {  	_ =	shalt  }
0x80: {  	_ =	shalt  }
0x81: {  	_ =	shalt  }
0x82: {  	_ =	shalt  }
0x83: {  	_ =	shalt  }
0x84: {  	_ =	shalt  }
0x85: {  	_ =	shalt  }
0x86: {  	_ =	shalt  }
0x87: {  	_ =	shalt  }
.Lfunc_end0:
.L_simem_size_0:
called_computation_lowered:
.L_overlay_start_0:
0x88: {  	s2 =	sld [smem:$0x3FD9]  }
0x89: {  	s3 =	sld [smem:$0x3FFE];
	_ =	sdelay $0x1  }
0x8a: {  	s1 =	srdreg.scid  }
0x8b: {  	s0 =	sand.u32 $0x1, s1  }
0x8c: {  	s17 =	sshll.u32 s0, $0xA;
	s2 =	sadd.s32 s3, s2  }
0x8d: {  	s2 =	sadd.s32 s2, s17  }
0x8e: {  	[smem:$0x3FC3] =	sst s2  }
0x8f: {  	_ = 	snop  }
0x90: {  	s2 =	sld [smem:$0x3FC9]  }
0x91: {  	s18 =	sld [smem:$0x3FC8]  }
0x92: {  	s4 =	sld [smem:$0x3FC7]  }
0x93: {  	s5 =	sld [smem:$0x3FD0];
	(tm) =	ssettm $0x1  }
0x94: {  	s6 =	sld [smem:$0x3FFB];
	_ =	sdelay $0x3  }
0x95: {  	_ =	strace s6  }
0x96: {  	s6 =	sld [smem:$0x3FFC];
	_ =	sdelay $0x3  }
0x97: {  	_ =	strace s6  }
0x98: {  	s6 =	sld [smem:$0x3FFD];
	_ =	sdelay $0x3  }
0x99: {  	_ =	strace s6  }
0x9a: {  	_ =	strace $0x8FFFFFFF  }
0x9b: {  	s19 =	sld [smem:$0x3FDB];
	_ =	sdelay $0x1  }
0x9c: {  	s7 =	simm.s32 $_scs_section_size  }
0x9d: {  	s8 =	simm.s32 $_size__tile_overlayer_lowered;
	s9 =	simm.s32 $_tile_overlayer_lowered  }
0x9e: {  	s22 =	simm.s32 $0x1BFF;
	s21 =	sshll.u32 s9, $0x1;
	s6 =	sadd.s32 s7, s19  }
0x9f: {  	s10 =	simm.s32 $0x0;
	s20 =	sshll.u32 s8, $0x1;
	s8 =	sadd.s32 s21, s6  }
0xa0: {  	[timem:s10], [sflag:s22] =	dma.local [hbm:s8], s20  }
0xa1: {  	_ =	swait.ge [sflag:s22], s20  }
0xa2: {  	s7 =	ssub.s32 $0x0, s20;
	[sflag:s22] =	ssyncset.done $0x0  }
0xa3: {  	[sflag:s22] =	ssyncadd.s32 s7;
	_ =	sdelay $0x1  }
0xa4: {  	s23 =	simm.s32 $0x1B8B  }
0xa5: {  	_ =	swait.ge [sflag:s23], $0x1  }
0xa6: {  	[sflag:s23] =	ssyncset.done $0x0  }
0xa7: {  	s25 =	simm.s32 $0x1B8E;
	s24 =	sld [smem:$0x3FFE];
	[sflag:s23] =	ssyncadd.s32 $0xFFFFFFFF  }
0xa8: {  	s26 =	simm.s32 $execute0_lowered;
	[smem:$0x3FD2] =	sst s25  }
0xa9: {  	s8 =	sshll.u32 s26, $0x1;
	_ =	strace $0x80000046;
	[dreg:$0x1] =	wrdreg $0xFFFFFFFF  }
0xaa: {  	s28 =	simm.s32 $_size_execute0_lowered;
	s6 =	sadd.s32 s6, s8;
	[dreg:$0x0] =	wrdreg $0x0  }
0xab: {  	s8 =	sshll.u32 s28, $0x1;
	[dreg:$0x2] =	wrdreg s6  }
0xac: {  	[dreg:$0x3] =	wrdreg s8  }
0xad: {  	[dreg:$0x4] =	wrdreg $0xC0  }
0xae: {  	_ =	task [dreg:s10], $0x5FFFF  }
0xaf: {  	[dreg:$0x1] =	wrdreg $0xFFFFFFFF  }
0xb0: {  	[dreg:$0x0] =	wrdreg $0x60  }
0xb1: {  	[dreg:$0x2] =	wrdreg s2  }
0xb2: {  	[dreg:$0x3] =	wrdreg s18  }
0xb3: {  	[dreg:$0x4] =	wrdreg s4  }
0xb4: {  	[dreg:$0x5] =	wrdreg s24  }
0xb5: {  	[dreg:$0x6] =	wrdreg s5  }
0xb6: {  	[dreg:$0x7] =	wrdreg $0x9  }
0xb7: {  	_ =	task.clear_ibuf [dreg:s10], $0x8FFFF;
	_ =	strace $0x90000046  }
0xb8: {  	s29 =	simm.s32 $0x9;
	_ =	strace $0x80000048  }
0xb9: {  	_ =	swait.ge [sflag:s29], $0x1  }
0xba: {  	[sflag:s29] =	ssyncadd.s32 $0xFFFFFFFF  }
0xbb: {  	_ =	strace $0x90000048  }
0xbc: {  	_ =	sfence  }
0xbd: {  	s30 =	sld [smem:$0x0];
	_ =	sdelay $0x2  }
0xbe: {  	s31 =	sshll.u32 s1, $0xD;
	s1 =	sshrl.u32 s1, $0x2  }
0xbf: {  	s3 =	sand.u32 $0x4000, s31;
	s1 =	sadd.s32 s1, s30  }
0xc0: {  	s0 =	sor.u32 s3, s0;
	s1 =	sshll.u32 s1, $0x11  }
0xc1: {  	s0 =	sor.u32 s1, s0  }
0xc2: {  	s0 =	sadd.s32 $0x8F2B, s0  }
0xc3: {  	[sflag:s0] =	ssyncadd.remote.s32 $0x1  }
0xc4: {  	_ =	sfence.sel $0xFFFF  }
0xc5: {  	[dreg:$0x0] =	wrdreg $0xFFFFFFFF;
	(pc) =	sbr.abs _section_cstart, $3  }
0xc6: {  	[dreg:$0x1] =	wrdreg $0xFFFFFFFF  }
0xc7: {  	_ =	task.clear_ibuf [dreg:s10], $0x2FFFF;
	_ =	strace $0x9FFFFFFF  }
0xc8: {  	(tm) =	ssettm $0x7FFFFFFF  }
0xc9: {  	_ =	shalt  }
tec
execute0_lowered:
.L_overlay_start_1:
0x0: {  	(tag) =	ssettag $0x1  }
0x1: {  	s0 =	rddreg [dreg:$0x0]  }
0x2: {  	s2 =	rddreg [dreg:$0x1]  }
0x3: {  	s6 =	rddreg [dreg:$0x2]  }
0x4: {  	s4 =	rddreg [dreg:$0x3]  }
0x5: {  	s8 =	rddreg [dreg:$0x4];
	s1 =	simm.s32 $0x0  }
0x6: {  	s3 =	srdreg.scid;
	s10 =	stileid.u32;
	s13 =	simm.s32 $0x80  }
0x7: {  	s15 =	simm.s32 $0xC00;
	s17 =	simm.s32 $0x8C00;
	s19 =	simm.s32 $0x10C00  }
0x8: {  	s21 =	simm.s32 $0x4C00;
	s23 =	simm.s32 $0xCC00;
	s25 =	simm.s32 $0x14C00  }
0x9: {  	s26 =	simm.s32 $0x1;
	s30 =	simm.s32 $0xB00;
	s31 =	simm.s32 $0x780  }
0xa: {  	s11 =	simm.s32 $0x18C00;
	s12 =	simm.s32 $0x0;
	[smem:$0x7FF] =	sst s1  }
0xb: {  	s5 =	sand.u32 $0x1, s3;
	s3 =	sadd.s32 $0x2800, s4;
	s10 =	sshll.u32 s10, $0x7  }
0xc: {  	s4 =	sadd.s32 $0x800, s4;
	s7 =	ssub.s32 $0x2, s5;
	s5 =	sshll.u32 s5, $0x6  }
0xd: {  	_ =	strace $0x80000047;
	s9 =	sshrl.u32 s7, $0x1;
	s10 =	sor.u32 s5, s10  }
0xe: {  	s9 =	ssub.s32 s7, s9;
	s5 =	sadd.s32 s0, s10;
	s6 =	sadd.s32 s6, s10  }
0xf: {  	v0 =	vlaneseq.u32;
	s7 =	sadd.s32 s2, s10;
	s8 =	sadd.s32 s8, s10;
	s10 =	simm.s32 $0x2  }
0x10: {  	v1 =	vimm.s32 $0x0;
	v0 =	vmul.u32 $0x80, v0;
	s0 =	simm.s32 $0x980;
	s2 =	simm.s32 $0xB80;
	s9 =	smax.u32 s9, $0x1  }
.LBB2_1:
0x11: {  	[tilespmem:s1], [sflag:$0x2] =	stream.linear.gather [hbm4b:s5+s1], $0x200, $0x38;
	[tilespmem:$0x18E00] =	vst v63  }
0x12: {  	_ =	swait.ge [sflag:s10], $0x200  }
0x13: {  	[sflag:s10] =	ssyncset.done $0x0  }
0x14: {  	s14 =	simm.s32 $0x200;
	[sflag:s10] =	ssyncadd.s32 $0xFFFFFE00  }
0x15: {  	[tilespmem:s14], [sflag:$0x2] =	stream.linear.gather [hbm4b:s6+s1], $0x200, $0x38;
	[tilespmem:$0x18E00] =	vst v63  }
0x16: {  	_ =	swait.ge [sflag:s10], $0x200  }
0x17: {  	[sflag:s10] =	ssyncset.done $0x0  }
0x18: {  	s29 =	simm.s32 $0x400;
	[sflag:s10] =	ssyncadd.s32 $0xFFFFFE00  }
0x19: {  	[tilespmem:s29], [sflag:$0x2] =	stream.linear.gather [hbm4b:s7+s1], $0x200, $0x38;
	[tilespmem:$0x18E00] =	vst v63  }
0x1a: {  	_ =	swait.ge [sflag:s10], $0x200  }
0x1b: {  	[sflag:s10] =	ssyncset.done $0x0  }
0x1c: {  	s14 =	simm.s32 $0x0;
	[sflag:s10] =	ssyncadd.s32 $0xFFFFFE00  }
0x1d: {  	v4 =	vld [tilespmem:s14+$0x200]  }
0x1e: {  	v3 =	vld [tilespmem:s14+$0x0]  }
0x1f: {  	v2 =	vld [tilespmem:s14+$0x400];
	_ =	sdelay $0x1  }
0x20: {  	s16 =	simm.s32 $0x40  }
.LBB2_2:
0x21: {  	s18 =	sshra.s32 s16, $0x2;
	p0 =	sne.s32 s16, $0x7C0;
	s16 =	sadd.s32 $0x40, s16;
	v5 =	vshrl.u32 v4, $0x1  }
.Ltmp0:
0x22: {  	v9 =	vand.u32 $0x1FFF, v4;
	v6 =	vshrl.u32 v3, $0x1;
	v5 =	vand.u32 $0x7FFFE000, v5;
	v4 =	vld [tilespmem:s18+$0x200];
	(pc) =	sbr.rel @p0 .LBB2_2-.Ltmp0, $4  }
0x23: {  	v8 =	vand.u32 $0x1FFF, v3;
	v6 =	vand.u32 $0x7FFFE000, v6;
	v3 =	vld [tilespmem:s18+$0x0];
	v5 =	vor.u32 v9, v5;
	v7 =	vmovc v2  }
0x24: {  	v2 =	vld [tilespmem:s18+$0x400];
	v6 =	vor.u32 v8, v6;
	[tilespmem:s14+$0x800] =	vst v5;
	vm0 =	vgt.s32 v7, $0x1F3;
	v5 =	vadd.s32 $0xFFFFFE0C, v7  }
0x25: {  	[tilespmem:s14+$0x600] =	vst v6;
	v5 =	vsel vm0, v5, v7  }
0x26: {  	[tilespmem:s14+$0xA00] =	vst v5;
	s14 =	smov.u32 s18  }
0x27: {  	v5 =	vshrl.u32 v4, $0x1  }
0x28: {  	v62 =	vand.u32 $0x1FFF, v4;
	v6 =	vshrl.u32 v3, $0x1;
	v5 =	vand.u32 $0x7FFFE000, v5  }
0x29: {  	v3 =	vand.u32 $0x1FFF, v3;
	v6 =	vand.u32 $0x7FFFE000, v6;
	v4 =	vor.u32 v62, v5  }
0x2a: {  	vm0 =	vgt.s32 v2, $0x1F3;
	v63 =	vadd.s32 $0xFFFFFE0C, v2;
	v3 =	vor.u32 v3, v6;
	[tilespmem:s14+$0x800] =	vst v4  }
0x2b: {  	v2 =	vsel vm0, v63, v2;
	[tilespmem:s14+$0x600] =	vst v3  }
0x2c: {  	s18 =	simm.s32 $0x600;
	[tilespmem:s14+$0xA00] =	vst v2  }
0x2d: {  	[tilespmem:s15], [sflag:$0x1] =	stream.indirect.gather [hbm4b:s3+s13], $0x80, s18, s13, $0xb8;
	[tilespmem:$0x18E00] =	vst v63  }
0x2e: {  	s20 =	simm.s32 $0x800  }
0x2f: {  	[tilespmem:s17], [sflag:$0x1] =	stream.indirect.gather [hbm4b:s3+s13], $0x80, s20, s13, $0xb8;
	[tilespmem:$0x18E00] =	vst v63  }
0x30: {  	s22 =	simm.s32 $0xA00  }
0x31: {  	[tilespmem:s19], [sflag:$0x1] =	stream.indirect.gather [hbm4b:s4+s13], $0x80, s22, s13, $0xb8;
	[tilespmem:$0x18E00] =	vst v63  }
0x32: {  	s24 =	simm.s32 $0x680  }
0x33: {  	[tilespmem:s21], [sflag:$0x1] =	stream.indirect.gather [hbm4b:s3+s13], $0x80, s24, s13, $0xb8;
	[tilespmem:$0x18E00] =	vst v63  }
0x34: {  	s28 =	simm.s32 $0x880  }
0x35: {  	[tilespmem:s23], [sflag:$0x1] =	stream.indirect.gather [hbm4b:s3+s13], $0x80, s28, s13, $0xb8;
	[tilespmem:$0x18E00] =	vst v63  }
0x36: {  	s29 =	simm.s32 $0xA80  }
0x37: {  	[tilespmem:s25], [sflag:$0x1] =	stream.indirect.gather [hbm4b:s4+s13], $0x80, s29, s13, $0xb8;
	[tilespmem:$0x18E00] =	vst v63  }
0x38: {  	_ =	swait.ge [sflag:s26], $0x4000  }
0x39: {  	[sflag:s26] =	ssyncset.done $0x0  }
0x3a: {  	[sflag:s26] =	ssyncadd.s32 $0xFFFFC000  }
0x3b: {  	_ =	swait.ge [sflag:s26], $0x4000  }
0x3c: {  	[sflag:s26] =	ssyncset.done $0x0  }
0x3d: {  	[sflag:s26] =	ssyncadd.s32 $0xFFFFC000  }
0x3e: {  	_ =	swait.ge [sflag:s26], $0x4000  }
0x3f: {  	[sflag:s26] =	ssyncset.done $0x0  }
0x40: {  	s14 =	simm.s32 $0x0;
	[sflag:s26] =	ssyncadd.s32 $0xFFFFC000  }
.LBB2_4:
0x41: {  	s16 =	sshll.u32 s14, $0x4  }
0x42: {  	v2 =	vld [tilespmem:s16+$0x200]  }
0x43: {  	v3 =	vld [tilespmem:s16+$0x400]  }
0x44: {  	v4 =	vld [tilespmem:s16+$0x0];
	_ =	sdelay $0x1  }
0x45: {  	v5 =	vmov s16  }
0x46: {  	v5 =	vshll.u32 v5, $0x7;
	v2 =	vshrl.u32 v2, $0x7  }
0x47: {  	v5 =	vor.u32 v0, v5;
	vm0 =	vgt.s32 v3, $0x1F3;
	v2 =	vand.u32 $0x40, v2  }
0x48: {  	s18 =	simm.s32 $0x0;
	v4 =	vshrl.u32 v4, $0x7;
	v6 =	vsel vm0, $0x40, v1;
	v3 =	vor.u32 v5, v2  }
0x49: {  	s20 =	simm.s32 $0x3;
	v2 =	vand.u32 $0x40, v4;
	v4 =	vor.u32 v5, v6;
	v6 =	vor.u32 s18, v3  }
0x4a: {  	s24 =	simm.s32 $0x5;
	v5 =	vor.u32 v5, v2;
	v2 =	vor.u32 s20, v4  }
0x4b: {  	v8 =	vor.u32 s24, v4  }
0x4c: {  	v9 =	vor.u32 s18, v4  }
0x4d: {  	s22 =	simm.s32 $0x4;
	v10 =	vor.u32 s20, v3  }
0x4e: {  	v28 =	vor.u32 s22, v3;
	v11 =	vld.idx.msk [tilespmem:v6+s17+$0x0], $0xffff  }
0x4f: {  	s29 =	simm.s32 $0x2;
	v7 =	vor.u32 s22, v5;
	v12 =	vld.idx.msk [tilespmem:v2+s19+$0x0], $0xffff  }
0x50: {  	s28 =	simm.s32 $0x1;
	v15 =	vor.u32 s29, v5;
	v19 =	vld.idx.msk [tilespmem:v8+s19+$0x0], $0xffff  }
0x51: {  	v18 =	vor.u32 s28, v5;
	v13 =	vld.idx.msk [tilespmem:v9+s19+$0x0], $0xffff  }
0x52: {  	v16 =	vor.u32 s20, v5;
	v10 =	vld.idx.msk [tilespmem:v10+s17+$0x0], $0xffff  }
0x53: {  	v27 =	vor.u32 s29, v4;
	v28 =	vld.idx.msk [tilespmem:v28+s17+$0x0], $0xffff  }
0x54: {  	v6 =	vor.u32 s22, v4;
	v17 =	vld.idx.msk [tilespmem:v7+s15+$0x0], $0xffff  }
0x55: {  	v8 =	vor.u32 s18, v5;
	v36 =	vld.idx.msk [tilespmem:v15+s15+$0x0], $0xffff  }
0x56: {  	v2 =	vor.u32 s28, v3;
	v34 =	vld.idx.msk [tilespmem:v18+s15+$0x0], $0xffff  }
0x57: {  	s18 =	simm.s32 $0x6;
	v7 =	vor.u32 s28, v4;
	v40 =	vld.idx.msk [tilespmem:v16+s15+$0x0], $0xffff  }
0x58: {  	v9 =	vor.u32 s18, v4;
	v18 =	vld.idx.msk [tilespmem:v27+s19+$0x0], $0xffff  }
0x59: {  	v25 =	vor.u32 s24, v3;
	v20 =	vld.idx.msk [tilespmem:v6+s19+$0x0], $0xffff  }
0x5a: {  	v29 =	vor.u32 s24, v5;
	v30 =	vld.idx.msk [tilespmem:v8+s15+$0x0], $0xffff;
	v8 =	vmul.f32 v11, v11;
	v32 =	vmul.f32 v13, v11  }
0x5b: {  	v23 =	vld.idx.msk [tilespmem:v2+s17+$0x0], $0xffff;
	v6 =	vmul.f32 v12, v10;
	v24 =	vmul.f32 v10, v10  }
0x5c: {  	v14 =	vor.u32 s18, v3;
	v16 =	vmul.f32 v19, v19;
	v26 =	vld.idx.msk [tilespmem:v7+s19+$0x0], $0xffff;
	v7 =	vmul.f32 v12, v12  }
0x5d: {  	v21 =	vor.u32 s29, v3;
	v33 =	vld.idx.msk [tilespmem:v9+s19+$0x0], $0xffff;
	v9 =	vmul.f32 v13, v13;
	v42 =	vmul.f32 v17, v17  }
0x5e: {  	v43 =	vld.idx.msk [tilespmem:v25+s17+$0x0], $0xffff;
	v25 =	vmul.f32 v34, v34;
	v47 =	vmul.f32 v12, v40  }
0x5f: {  	v22 =	vimm.f32 $0.0e+00;
	s29 =	simm.s32 $0x7;
	v45 =	vld.idx.msk [tilespmem:v29+s15+$0x0], $0xffff;
	v29 =	vmul.f32 v18, v36;
	v61 =	vmul.f32 v40, v40  }
0x60: {  	v35 =	vor.u32 s29, v4;
	v15 =	vmul.f32 v23, v23;
	v11 =	vmul.f32 v11, v30  }
0x61: {  	v44 =	vor.u32 s29, v3;
	v2 =	vld.idx.msk [tilespmem:v14+s17+$0x0], $0xffff;
	v13 =	vmul.f32 v13, v30;
	v30 =	vmul.f32 v30, v30  }
0x62: {  	v14 =	vadd.f32 v8, v22;
	v8 =	vld.idx.msk [tilespmem:v21+s17+$0x0], $0xffff;
	v12 =	vmul.f32 v20, v28;
	v21 =	vmul.f32 v26, v26  }
0x63: {  	v31 =	vor.u32 s18, v5;
	v37 =	vmul.f32 v26, v23;
	v26 =	vmul.f32 v26, v34  }
0x64: {  	v41 =	vadd.f32 v32, v22;
	v23 =	vmul.f32 v23, v34;
	v34 =	vmul.f32 v45, v45  }
0x65: {  	v39 =	vadd.f32 v15, v14;
	v15 =	vmul.f32 v20, v20;
	v13 =	vadd.f32 v13, v22  }
0x66: {  	v14 =	vadd.f32 v9, v22;
	v9 =	vmul.f32 v33, v33;
	v46 =	vadd.f32 v11, v22  }
0x67: {  	v60 =	vmul.f32 v8, v8;
	v22 =	vadd.f32 v30, v22;
	v26 =	vadd.f32 v26, v13  }
0x68: {  	v38 =	vor.u32 s29, v5;
	v11 =	vmul.f32 v36, v36;
	v30 =	vmul.f32 v28, v28  }
0x69: {  	v20 =	vmul.f32 v20, v17;
	v22 =	vadd.f32 v25, v22;
	v25 =	vadd.f32 v29, v26  }
0x6a: {  	v62 =	vmul.f32 v8, v36;
	v27 =	vadd.f32 v21, v14;
	v21 =	vmul.f32 v2, v2  }
0x6b: {  	v14 =	vmul.f32 v10, v40;
	v10 =	vmul.f32 v28, v17;
	v13 =	vld.idx.msk [tilespmem:v31+s15+$0x0], $0xffff;
	v26 =	vadd.f32 v47, v25  }
0x6c: {  	v32 =	vadd.f32 v60, v39;
	v17 =	vmul.f32 v43, v45;
	v22 =	vadd.f32 v11, v22;
	v11 =	vld.idx.msk [tilespmem:v44+s17+$0x0], $0xffff  }
0x6d: {  	v28 =	vld.idx.msk [tilespmem:v38+s15+$0x0], $0xffff;
	v31 =	vmul.f32 v19, v45;
	v19 =	vmul.f32 v19, v43;
	v20 =	vadd.f32 v20, v26  }
0x6e: {  	v23 =	vadd.f32 v23, v46;
	v29 =	vmul.f32 v43, v43;
	v22 =	vadd.f32 v61, v22  }
0x6f: {  	v25 =	vadd.f32 v37, v41;
	v37 =	vmul.f32 v18, v18;
	v31 =	vadd.f32 v31, v20;
	v20 =	vld.idx.msk [tilespmem:v35+s19+$0x0], $0xffff  }
0x70: {  	v63 =	vmul.f32 v33, v13;
	v36 =	vmul.f32 v13, v13;
	v38 =	vadd.f32 v42, v22  }
0x71: {  	v26 =	vadd.f32 v62, v23;
	v22 =	vmul.f32 v33, v2;
	v33 =	vmul.f32 v11, v11  }
0x72: {  	s18 =	simm.s32 $0xF;
	v23 =	vmul.f32 v11, v28;
	v35 =	vmul.f32 v28, v28;
	v31 =	vadd.f32 v63, v31  }
.LBB2_5:
0x73: {  	s22 =	sadd.s32 $0xFFFFFFF9, s18  }
0x74: {  	p0 =	sne.s32 s18, $0x3F;
	v8 =	vmul.f32 v18, v8;
	v18 =	vadd.f32 v34, v38;
	v28 =	vmul.f32 v20, v28;
	s20 =	smov.u32 s18;
	s18 =	sadd.s32 $0x8, s18  }
0x75: {  	v27 =	vadd.f32 v37, v27;
	v34 =	vor.u32 s22, v5;
	v38 =	vor.u32 s22, v3;
	s24 =	sadd.s32 $0xFFFFFFFA, s20;
	s28 =	sadd.s32 $0xFFFFFFFC, s20;
	s29 =	sadd.s32 $0xFFFFFFFD, s20  }
0x76: {  	v37 =	vor.u32 s28, v4;
	v39 =	vor.u32 s29, v5;
	v18 =	vadd.f32 v36, v18  }
0x77: {  	v36 =	vor.u32 s28, v5;
	v40 =	vor.u32 s28, v3;
	s28 =	sadd.s32 $0xFFFFFFFE, s20;
	v28 =	vadd.f32 v28, v31  }
0x78: {  	v24 =	vadd.f32 v24, v32;
	v31 =	vor.u32 s24, v5;
	v41 =	vor.u32 s28, v4  }
0x79: {  	v32 =	vor.u32 s22, v4;
	s22 =	sadd.s32 $0xFFFFFFFB, s20;
	v42 =	vor.u32 s29, v4;
	v43 =	vor.u32 s28, v3  }
0x7a: {  	v44 =	vor.u32 s22, v5;
	v45 =	vor.u32 s22, v4;
	v35 =	vadd.f32 v35, v18;
	v38 =	vld.idx.msk [tilespmem:v38+s17+$0x0], $0xffff  }
0x7b: {  	v46 =	vor.u32 s29, v3;
	v24 =	vadd.f32 v30, v24;
	v18 =	vor.u32 s24, v3;
	v37 =	vld.idx.msk [tilespmem:v37+s19+$0x0], $0xffff  }
0x7c: {  	v30 =	vor.u32 s24, v4;
	v8 =	vadd.f32 v8, v25;
	v47 =	vor.u32 s28, v5;
	v39 =	vld.idx.msk [tilespmem:v39+s15+$0x0], $0xffff  }
0x7d: {  	v25 =	vor.u32 s22, v3;
	s22 =	sadd.s32 $0xFFFFFFFF, s20;
	v7 =	vadd.f32 v7, v27;
	v24 =	vadd.f32 v29, v24;
	v41 =	vld.idx.msk [tilespmem:v41+s19+$0x0], $0xffff  }
0x7e: {  	v14 =	vadd.f32 v14, v26;
	v29 =	vor.u32 s22, v5;
	v6 =	vadd.f32 v6, v8;
	v27 =	vld.idx.msk [tilespmem:v32+s19+$0x0], $0xffff  }
0x7f: {  	v8 =	vor.u32 s22, v4;
	v15 =	vadd.f32 v15, v7;
	v21 =	vadd.f32 v21, v24;
	v26 =	vld.idx.msk [tilespmem:v40+s17+$0x0], $0xffff  }
0x80: {  	v10 =	vadd.f32 v10, v14;
	v24 =	vor.u32 s22, v3;
	v6 =	vadd.f32 v12, v6;
	v40 =	vld.idx.msk [tilespmem:v42+s19+$0x0], $0xffff  }
0x81: {  	v12 =	vadd.f32 v16, v15;
	v14 =	vadd.f32 v33, v21;
	v7 =	vmul.f32 v37, v37;
	v42 =	vld.idx.msk [tilespmem:v18+s17+$0x0], $0xffff  }
0x82: {  	v2 =	vmul.f32 v2, v13;
	v10 =	vadd.f32 v17, v10;
	v15 =	vadd.f32 v19, v6;
	v30 =	vld.idx.msk [tilespmem:v30+s19+$0x0], $0xffff  }
0x83: {  	v33 =	vor.u32 s20, v4;
	v9 =	vadd.f32 v9, v12;
	v12 =	vmul.f32 v20, v20;
	v13 =	vld.idx.msk [tilespmem:v34+s15+$0x0], $0xffff  }
0x84: {  	v16 =	vmul.f32 v27, v38;
	v48 =	vld.idx.msk [tilespmem:v8+s19+$0x0], $0xffff;
	v8 =	vadd.f32 v2, v10;
	v10 =	vmul.f32 v20, v11  }
0x85: {  	v15 =	vadd.f32 v22, v15;
	v11 =	vmul.f32 v38, v38;
	v6 =	vmul.f32 v37, v26;
	v2 =	vld.idx.msk [tilespmem:v24+s17+$0x0], $0xffff  }
0x86: {  	v9 =	vadd.f32 v12, v9;
	v17 =	vmul.f32 v27, v27;
	v22 =	vld.idx.msk [tilespmem:v44+s15+$0x0], $0xffff;
	v12 =	vadd.f32 v23, v8  }
0x87: {  	v11 =	vadd.f32 v11, v14;
	v14 =	vmul.f32 v42, v42;
	v10 =	vadd.f32 v10, v15;
	v8 =	vld.idx.msk [tilespmem:v25+s17+$0x0], $0xffff  }
0x88: {  	v20 =	vmul.f32 v30, v30;
	v23 =	vmul.f32 v30, v42;
	v25 =	vor.u32 s20, v5;
	v19 =	vld.idx.msk [tilespmem:v31+s15+$0x0], $0xffff  }
0x89: {  	v15 =	vmul.f32 v40, v40;
	v31 =	vmul.f32 v38, v13;
	v11 =	vadd.f32 v14, v11;
	v34 =	vld.idx.msk [tilespmem:v36+s15+$0x0], $0xffff  }
0x8a: {  	v24 =	vmul.f32 v26, v26;
	v14 =	vadd.f32 v17, v9;
	v9 =	vmul.f32 v48, v48;
	v17 =	vld.idx.msk [tilespmem:v46+s17+$0x0], $0xffff  }
0x8b: {  	v32 =	vmul.f32 v27, v13;
	v36 =	vadd.f32 v16, v10;
	v16 =	vmul.f32 v41, v41;
	v18 =	vld.idx.msk [tilespmem:v45+s19+$0x0], $0xffff  }
0x8c: {  	v38 =	vmul.f32 v39, v39;
	v27 =	vadd.f32 v20, v14;
	v21 =	vmul.f32 v2, v2  }
0x8d: {  	v10 =	vmul.f32 v13, v13;
	v13 =	vadd.f32 v32, v28;
	v20 =	vmul.f32 v8, v8;
	v43 =	vld.idx.msk [tilespmem:v43+s17+$0x0], $0xffff  }
0x8e: {  	v45 =	vor.u32 s20, v3;
	v28 =	vmul.f32 v19, v19;
	v30 =	vmul.f32 v30, v19;
	v44 =	vld.idx.msk [tilespmem:v47+s15+$0x0], $0xffff  }
0x8f: {  	v31 =	vadd.f32 v31, v12;
	v46 =	vmul.f32 v22, v22;
	v14 =	vmul.f32 v26, v34  }
0x90: {  	v26 =	vadd.f32 v10, v35;
	v35 =	vmul.f32 v37, v34;
	v10 =	vmul.f32 v17, v39  }
0x91: {  	v30 =	vadd.f32 v30, v13;
	v12 =	vmul.f32 v40, v17;
	v37 =	vmul.f32 v18, v22  }
0x92: {  	v32 =	vadd.f32 v20, v11;
	v47 =	vmul.f32 v34, v34;
	v26 =	vadd.f32 v28, v26;
	v13 =	vld.idx.msk [tilespmem:v29+s15+$0x0], $0xffff  }
0x93: {  	v20 =	vadd.f32 v37, v30;
	v30 =	vmul.f32 v17, v17;
	v29 =	vmul.f32 v43, v43  }
0x94: {  	v26 =	vadd.f32 v46, v26;
	v37 =	vmul.f32 v40, v39;
	v17 =	vmul.f32 v43, v44;
	v11 =	vld.idx.msk [tilespmem:v45+s17+$0x0], $0xffff  }
0x95: {  	v39 =	vmul.f32 v42, v19;
	v34 =	vmul.f32 v44, v44;
	v35 =	vadd.f32 v35, v20;
	v28 =	vld.idx.msk [tilespmem:v25+s15+$0x0], $0xffff  }
0x96: {  	v19 =	vmul.f32 v41, v43;
	v25 =	vadd.f32 v23, v36;
	v23 =	vmul.f32 v41, v44;
	v20 =	vld.idx.msk [tilespmem:v33+s19+$0x0], $0xffff  }
.Ltmp1:
0x97: {  	v22 =	vmul.f32 v8, v22;
	v26 =	vadd.f32 v47, v26;
	v33 =	vadd.f32 v37, v35;
	(pc) =	sbr.rel @p0 .LBB2_5-.Ltmp1, $4  }
0x98: {  	v31 =	vadd.f32 v39, v31;
	v37 =	vmul.f32 v18, v18;
	v35 =	vmul.f32 v48, v13  }
0x99: {  	v38 =	vadd.f32 v38, v26;
	v36 =	vmul.f32 v13, v13;
	v23 =	vadd.f32 v23, v33  }
0x9a: {  	v26 =	vadd.f32 v22, v31;
	v22 =	vmul.f32 v48, v2;
	v33 =	vmul.f32 v11, v11  }
0x9b: {  	v31 =	vadd.f32 v35, v23;
	v35 =	vmul.f32 v28, v28;
	v23 =	vmul.f32 v11, v28  }
0x9c: {  	v3 =	vadd.f32 v37, v27  }
0x9d: {  	v4 =	vadd.f32 v24, v32  }
0x9e: {  	v3 =	vadd.f32 v7, v3  }
0x9f: {  	v5 =	vadd.f32 v34, v38;
	v4 =	vadd.f32 v30, v4  }
0xa0: {  	v3 =	vadd.f32 v15, v3  }
0xa1: {  	v5 =	vadd.f32 v36, v5;
	v4 =	vadd.f32 v29, v4  }
0xa2: {  	v3 =	vadd.f32 v16, v3  }
0xa3: {  	v5 =	vadd.f32 v35, v5;
	v4 =	vadd.f32 v21, v4  }
0xa4: {  	v32 =	vmul.f32 v20, v20;
	v3 =	vadd.f32 v9, v3  }
0xa5: {  	v34 =	vshrl.u32 v5, $0x1;
	v35 =	vmul.f32 $5.000000000e-01, v5;
	v4 =	vadd.f32 v33, v4  }
0xa6: {  	v36 =	vsub.s32 $0x5F3759DF, v34;
	v3 =	vadd.f32 v32, v3  }
0xa7: {  	v9 =	vmul.f32 v36, v35;
	v37 =	vshrl.u32 v4, $0x1;
	v38 =	vmul.f32 $5.000000000e-01, v4  }
0xa8: {  	v16 =	vsub.s32 $0x5F3759DF, v37;
	v39 =	vshrl.u32 v3, $0x1;
	v40 =	vmul.f32 $5.000000000e-01, v3  }
0xa9: {  	v41 =	vmul.f32 v16, v38;
	v24 =	vsub.s32 $0x5F3759DF, v39  }
0xaa: {  	v9 =	vmul.f32 v36, v9;
	v42 =	vmul.f32 v24, v40  }
0xab: {  	v29 =	vmul.f32 v16, v41  }
0xac: {  	v9 =	vsub.f32 $1.500000000e+00, v9;
	v30 =	vmul.f32 v24, v42  }
0xad: {  	v29 =	vsub.f32 $1.500000000e+00, v29  }
0xae: {  	v7 =	vmul.f32 v36, v9;
	v43 =	vsub.f32 $1.500000000e+00, v30  }
0xaf: {  	v16 =	vmul.f32 v16, v29  }
0xb0: {  	v44 =	vmul.f32 v7, v35;
	v9 =	vmul.f32 v24, v43  }
0xb1: {  	v45 =	vmul.f32 v16, v38  }
0xb2: {  	v29 =	vmul.f32 v44, v7;
	v46 =	vmul.f32 v9, v40  }
0xb3: {  	v24 =	vmul.f32 v45, v16  }
0xb4: {  	v29 =	vsub.f32 $1.500000000e+00, v29;
	v30 =	vmul.f32 v46, v9  }
0xb5: {  	v24 =	vsub.f32 $1.500000000e+00, v24  }
0xb6: {  	v7 =	vmul.f32 v29, v7;
	v47 =	vsub.f32 $1.500000000e+00, v30  }
0xb7: {  	v16 =	vmul.f32 v24, v16  }
0xb8: {  	v15 =	vmul.f32 v7, v35;
	v9 =	vmul.f32 v47, v9  }
0xb9: {  	v21 =	vmul.f32 v16, v38  }
0xba: {  	v15 =	vmul.f32 v15, v7;
	v48 =	vmul.f32 v9, v40  }
0xbb: {  	v21 =	vmul.f32 v21, v16  }
0xbc: {  	v15 =	vsub.f32 $1.500000000e+00, v15;
	v24 =	vmul.f32 v48, v9  }
0xbd: {  	v21 =	vsub.f32 $1.500000000e+00, v21  }
0xbe: {  	v7 =	vmul.f32 v15, v7;
	v49 =	vsub.f32 $1.500000000e+00, v24  }
0xbf: {  	v16 =	vmul.f32 v21, v16  }
0xc0: {  	v7 =	vmul.f32 v7, v5;
	v9 =	vmul.f32 v49, v9  }
0xc1: {  	v50 =	vmul.f32 v16, v4  }
0xc2: {  	v7 =	vmax.f32 v7, $9.999999960e-13;
	v9 =	vmul.f32 v9, v3  }
0xc3: {  	(erf) = vrcp.f32 v7;
	v51 =	vmax.f32 v50, $9.999999960e-13  }
0xc4: {  	(erf) = vrcp.f32 v51;
	v52 =	vmax.f32 v9, $9.999999960e-13  }
0xc5: {  	v8 =	vmul.f32 v18, v8;
	(erf) = vrcp.f32 v52  }
0xc6: {  	v53 =	vadd.f32 v14, v26  }
0xc7: {  	v8 =	vadd.f32 v8, v25  }
0xc8: {  	v7 =	vadd.f32 v10, v53  }
0xc9: {  	v6 =	vadd.f32 v6, v8  }
0xca: {  	v2 =	vmul.f32 v2, v13;
	v7 =	vadd.f32 v17, v7  }
0xcb: {  	v6 =	vadd.f32 v12, v6  }
0xcc: {  	v54 =	vmul.f32 v20, v28;
	v2 =	vadd.f32 v2, v7;
	v55 =	vpop (erf)  }
0xcd: {  	v57 =	vmul.f32 v20, v11;
	v6 =	vadd.f32 v19, v6;
	v56 =	vpop (erf)  }
0xce: {  	v8 =	vadd.f32 v54, v31;
	v2 =	vadd.f32 v23, v2;
	v59 =	vmul.f32 v56, v55;
	v58 =	vpop (erf)  }
0xcf: {  	v6 =	vadd.f32 v22, v6;
	v5 =	vmul.f32 v55, v5;
	v60 =	vmul.f32 v58, v55  }
0xd0: {  	v4 =	vmul.f32 v56, v4;
	v2 =	vmul.f32 v59, v2  }
0xd1: {  	v6 =	vadd.f32 v57, v6;
	v61 =	vmul.f32 v58, v56;
	v8 =	vmul.f32 v60, v8  }
0xd2: {  	v5 =	vmul.f32 v5, v55;
	v4 =	vmul.f32 v4, v56  }
0xd3: {  	v3 =	vmul.f32 v58, v3;
	v6 =	vmul.f32 v61, v6;
	v2 =	vsub.f32 v2, v8;
	_ =	sdelay $0x1  }
0xd4: {  	v4 =	vadd.f32 v4, v5;
	v3 =	vmul.f32 v3, v58;
	v2 =	vadd.f32 v2, v6;
	_ =	sdelay $0x1  }
0xd5: {  	v3 =	vadd.f32 v3, v4;
	v2 =	vadd.f32 v2, v2;
	_ =	sdelay $0x1  }
0xd6: {  	v2 =	vsub.f32 v3, v2;
	_ =	sdelay $0x1  }
0xd7: {  	v2 =	vmax.f32 v2, $0.0e+00  }
0xd8: {  	v3 =	vshrl.u32 v2, $0x1;
	v62 =	vmul.f32 $5.000000000e-01, v2  }
0xd9: {  	v3 =	vsub.s32 $0x5F3759DF, v3  }
0xda: {  	v63 =	vmul.f32 v3, v62;
	_ =	sdelay $0x1  }
0xdb: {  	v5 =	vmul.f32 v3, v63;
	_ =	sdelay $0x1  }
0xdc: {  	v5 =	vsub.f32 $1.500000000e+00, v5;
	_ =	sdelay $0x1  }
0xdd: {  	v3 =	vmul.f32 v3, v5;
	_ =	sdelay $0x1  }
0xde: {  	v5 =	vmul.f32 v3, v62;
	_ =	sdelay $0x1  }
0xdf: {  	v5 =	vmul.f32 v5, v3;
	_ =	sdelay $0x1  }
0xe0: {  	v5 =	vsub.f32 $1.500000000e+00, v5;
	_ =	sdelay $0x1  }
0xe1: {  	v3 =	vmul.f32 v5, v3;
	_ =	sdelay $0x1  }
0xe2: {  	v4 =	vmul.f32 v3, v62;
	_ =	sdelay $0x1  }
0xe3: {  	v4 =	vmul.f32 v4, v3;
	_ =	sdelay $0x1  }
0xe4: {  	s14 =	sadd.s32 $0x1, s14;
	v4 =	vsub.f32 $1.500000000e+00, v4  }
0xe5: {  	p0 =	sne.s32 s14, $0x8  }
.Ltmp2:
0xe6: {  	v3 =	vmul.f32 v4, v3;
	(pc) =	sbr.rel @p0 .LBB2_4-.Ltmp2, $3  }
0xe7: {  	_ = 	snop  }
0xe8: {  	v2 =	vmul.f32 v3, v2;
	_ =	sdelay $0x1  }
0xe9: {  	[tilespmem:s16+$0x18C00] =	vst v2  }
0xea: {  	s14 =	simm.s32 $0x700  }
0xeb: {  	[tilespmem:s15], [sflag:$0x1] =	stream.indirect.gather [hbm4b:s3+s13], $0x80, s14, s13, $0xb8;
	[tilespmem:$0x18E00] =	vst v63  }
0xec: {  	s29 =	simm.s32 $0x900  }
0xed: {  	[tilespmem:s17], [sflag:$0x1] =	stream.indirect.gather [hbm4b:s3+s13], $0x80, s29, s13, $0xb8;
	[tilespmem:$0x18E00] =	vst v63  }
0xee: {  	_ = 	snop  }
0xef: {  	[tilespmem:s19], [sflag:$0x1] =	stream.indirect.gather [hbm4b:s4+s13], $0x80, s30, s13, $0xb8;
	[tilespmem:$0x18E00] =	vst v63  }
0xf0: {  	_ =	swait.ge [sflag:s26], $0x4000  }
0xf1: {  	[sflag:s26] =	ssyncset.done $0x0  }
0xf2: {  	[sflag:s26] =	ssyncadd.s32 $0xFFFFC000  }
0xf3: {  	_ =	swait.ge [sflag:s26], $0x4000  }
0xf4: {  	[sflag:s26] =	ssyncset.done $0x0  }
0xf5: {  	[sflag:s26] =	ssyncadd.s32 $0xFFFFC000  }
0xf6: {  	_ =	swait.ge [sflag:s26], $0x4000  }
0xf7: {  	[sflag:s26] =	ssyncset.done $0x0  }
0xf8: {  	s14 =	simm.s32 $0x0;
	[sflag:s26] =	ssyncadd.s32 $0xFFFFC000  }
.LBB2_8:
0xf9: {  	s16 =	sshll.u32 s14, $0x4  }
0xfa: {  	v2 =	vld [tilespmem:s16+$0x280]  }
0xfb: {  	v3 =	vld [tilespmem:s16+$0x480]  }
0xfc: {  	v4 =	vld [tilespmem:s16+$0x80]  }
0xfd: {  	s16 =	sadd.s32 $0x80, s16  }
0xfe: {  	v5 =	vmov s16  }
0xff: {  	v5 =	vshll.u32 v5, $0x7;
	v2 =	vshrl.u32 v2, $0x7  }
0x100: {  	v5 =	vor.u32 v0, v5;
	vm0 =	vgt.s32 v3, $0x1F3;
	v2 =	vand.u32 $0x40, v2  }
0x101: {  	s18 =	simm.s32 $0x0;
	v4 =	vshrl.u32 v4, $0x7;
	v6 =	vsel vm0, $0x40, v1;
	v3 =	vor.u32 v5, v2  }
0x102: {  	s20 =	simm.s32 $0x3;
	v2 =	vand.u32 $0x40, v4;
	v4 =	vor.u32 v5, v6;
	v6 =	vor.u32 s18, v3  }
0x103: {  	s24 =	simm.s32 $0x5;
	v5 =	vor.u32 v5, v2;
	v2 =	vor.u32 s20, v4  }
0x104: {  	v8 =	vor.u32 s24, v4  }
0x105: {  	v9 =	vor.u32 s18, v4  }
0x106: {  	s22 =	simm.s32 $0x4;
	v10 =	vor.u32 s20, v3  }
0x107: {  	v28 =	vor.u32 s22, v3;
	v11 =	vld.idx.msk [tilespmem:v6+s17+$0x0], $0xffff  }
0x108: {  	s29 =	simm.s32 $0x2;
	v7 =	vor.u32 s22, v5;
	v12 =	vld.idx.msk [tilespmem:v2+s19+$0x0], $0xffff  }
0x109: {  	s28 =	simm.s32 $0x1;
	v15 =	vor.u32 s29, v5;
	v19 =	vld.idx.msk [tilespmem:v8+s19+$0x0], $0xffff  }
0x10a: {  	v18 =	vor.u32 s28, v5;
	v13 =	vld.idx.msk [tilespmem:v9+s19+$0x0], $0xffff  }
0x10b: {  	v16 =	vor.u32 s20, v5;
	v10 =	vld.idx.msk [tilespmem:v10+s17+$0x0], $0xffff  }
0x10c: {  	v27 =	vor.u32 s29, v4;
	v28 =	vld.idx.msk [tilespmem:v28+s17+$0x0], $0xffff  }
0x10d: {  	v6 =	vor.u32 s22, v4;
	v17 =	vld.idx.msk [tilespmem:v7+s15+$0x0], $0xffff  }
0x10e: {  	v8 =	vor.u32 s18, v5;
	v36 =	vld.idx.msk [tilespmem:v15+s15+$0x0], $0xffff  }
0x10f: {  	v2 =	vor.u32 s28, v3;
	v34 =	vld.idx.msk [tilespmem:v18+s15+$0x0], $0xffff  }
0x110: {  	s18 =	simm.s32 $0x6;
	v7 =	vor.u32 s28, v4;
	v40 =	vld.idx.msk [tilespmem:v16+s15+$0x0], $0xffff  }
0x111: {  	v9 =	vor.u32 s18, v4;
	v18 =	vld.idx.msk [tilespmem:v27+s19+$0x0], $0xffff  }
0x112: {  	v25 =	vor.u32 s24, v3;
	v20 =	vld.idx.msk [tilespmem:v6+s19+$0x0], $0xffff  }
0x113: {  	v29 =	vor.u32 s24, v5;
	v30 =	vld.idx.msk [tilespmem:v8+s15+$0x0], $0xffff;
	v8 =	vmul.f32 v11, v11;
	v32 =	vmul.f32 v13, v11  }
0x114: {  	v23 =	vld.idx.msk [tilespmem:v2+s17+$0x0], $0xffff;
	v6 =	vmul.f32 v12, v10;
	v24 =	vmul.f32 v10, v10  }
0x115: {  	v14 =	vor.u32 s18, v3;
	v16 =	vmul.f32 v19, v19;
	v26 =	vld.idx.msk [tilespmem:v7+s19+$0x0], $0xffff;
	v7 =	vmul.f32 v12, v12  }
0x116: {  	v21 =	vor.u32 s29, v3;
	v33 =	vld.idx.msk [tilespmem:v9+s19+$0x0], $0xffff;
	v9 =	vmul.f32 v13, v13;
	v42 =	vmul.f32 v17, v17  }
0x117: {  	v43 =	vld.idx.msk [tilespmem:v25+s17+$0x0], $0xffff;
	v25 =	vmul.f32 v34, v34;
	v47 =	vmul.f32 v12, v40  }
0x118: {  	v22 =	vimm.f32 $0.0e+00;
	s29 =	simm.s32 $0x7;
	v45 =	vld.idx.msk [tilespmem:v29+s15+$0x0], $0xffff;
	v29 =	vmul.f32 v18, v36;
	v61 =	vmul.f32 v40, v40  }
0x119: {  	v35 =	vor.u32 s29, v4;
	v15 =	vmul.f32 v23, v23;
	v11 =	vmul.f32 v11, v30  }
0x11a: {  	v44 =	vor.u32 s29, v3;
	v2 =	vld.idx.msk [tilespmem:v14+s17+$0x0], $0xffff;
	v13 =	vmul.f32 v13, v30;
	v30 =	vmul.f32 v30, v30  }
0x11b: {  	v14 =	vadd.f32 v8, v22;
	v8 =	vld.idx.msk [tilespmem:v21+s17+$0x0], $0xffff;
	v12 =	vmul.f32 v20, v28;
	v21 =	vmul.f32 v26, v26  }
0x11c: {  	v31 =	vor.u32 s18, v5;
	v37 =	vmul.f32 v26, v23;
	v26 =	vmul.f32 v26, v34  }
0x11d: {  	v41 =	vadd.f32 v32, v22;
	v23 =	vmul.f32 v23, v34;
	v34 =	vmul.f32 v45, v45  }
0x11e: {  	v39 =	vadd.f32 v15, v14;
	v15 =	vmul.f32 v20, v20;
	v13 =	vadd.f32 v13, v22  }
0x11f: {  	v14 =	vadd.f32 v9, v22;
	v9 =	vmul.f32 v33, v33;
	v46 =	vadd.f32 v11, v22  }
0x120: {  	v60 =	vmul.f32 v8, v8;
	v22 =	vadd.f32 v30, v22;
	v26 =	vadd.f32 v26, v13  }
0x121: {  	v38 =	vor.u32 s29, v5;
	v11 =	vmul.f32 v36, v36;
	v30 =	vmul.f32 v28, v28  }
0x122: {  	v20 =	vmul.f32 v20, v17;
	v22 =	vadd.f32 v25, v22;
	v25 =	vadd.f32 v29, v26  }
0x123: {  	v62 =	vmul.f32 v8, v36;
	v27 =	vadd.f32 v21, v14;
	v21 =	vmul.f32 v2, v2  }
0x124: {  	v14 =	vmul.f32 v10, v40;
	v10 =	vmul.f32 v28, v17;
	v13 =	vld.idx.msk [tilespmem:v31+s15+$0x0], $0xffff;
	v26 =	vadd.f32 v47, v25  }
0x125: {  	v32 =	vadd.f32 v60, v39;
	v17 =	vmul.f32 v43, v45;
	v22 =	vadd.f32 v11, v22;
	v11 =	vld.idx.msk [tilespmem:v44+s17+$0x0], $0xffff  }
0x126: {  	v28 =	vld.idx.msk [tilespmem:v38+s15+$0x0], $0xffff;
	v31 =	vmul.f32 v19, v45;
	v19 =	vmul.f32 v19, v43;
	v20 =	vadd.f32 v20, v26  }
0x127: {  	v23 =	vadd.f32 v23, v46;
	v29 =	vmul.f32 v43, v43;
	v22 =	vadd.f32 v61, v22  }
0x128: {  	v25 =	vadd.f32 v37, v41;
	v37 =	vmul.f32 v18, v18;
	v31 =	vadd.f32 v31, v20;
	v20 =	vld.idx.msk [tilespmem:v35+s19+$0x0], $0xffff  }
0x129: {  	v63 =	vmul.f32 v33, v13;
	v36 =	vmul.f32 v13, v13;
	v38 =	vadd.f32 v42, v22  }
0x12a: {  	v26 =	vadd.f32 v62, v23;
	v22 =	vmul.f32 v33, v2;
	v33 =	vmul.f32 v11, v11  }
0x12b: {  	s18 =	simm.s32 $0xF;
	v23 =	vmul.f32 v11, v28;
	v35 =	vmul.f32 v28, v28;
	v31 =	vadd.f32 v63, v31  }
.LBB2_9:
0x12c: {  	s22 =	sadd.s32 $0xFFFFFFF9, s18  }
0x12d: {  	p0 =	sne.s32 s18, $0x3F;
	v8 =	vmul.f32 v18, v8;
	v18 =	vadd.f32 v34, v38;
	v28 =	vmul.f32 v20, v28;
	s20 =	smov.u32 s18;
	s18 =	sadd.s32 $0x8, s18  }
0x12e: {  	v27 =	vadd.f32 v37, v27;
	v34 =	vor.u32 s22, v5;
	v38 =	vor.u32 s22, v3;
	s24 =	sadd.s32 $0xFFFFFFFA, s20;
	s28 =	sadd.s32 $0xFFFFFFFC, s20;
	s29 =	sadd.s32 $0xFFFFFFFD, s20  }
0x12f: {  	v37 =	vor.u32 s28, v4;
	v39 =	vor.u32 s29, v5;
	v18 =	vadd.f32 v36, v18  }
0x130: {  	v36 =	vor.u32 s28, v5;
	v40 =	vor.u32 s28, v3;
	s28 =	sadd.s32 $0xFFFFFFFE, s20;
	v28 =	vadd.f32 v28, v31  }
0x131: {  	v24 =	vadd.f32 v24, v32;
	v31 =	vor.u32 s24, v5;
	v41 =	vor.u32 s28, v4  }
0x132: {  	v32 =	vor.u32 s22, v4;
	s22 =	sadd.s32 $0xFFFFFFFB, s20;
	v42 =	vor.u32 s29, v4;
	v43 =	vor.u32 s28, v3  }
0x133: {  	v44 =	vor.u32 s22, v5;
	v45 =	vor.u32 s22, v4;
	v35 =	vadd.f32 v35, v18;
	v38 =	vld.idx.msk [tilespmem:v38+s17+$0x0], $0xffff  }
0x134: {  	v46 =	vor.u32 s29, v3;
	v24 =	vadd.f32 v30, v24;
	v18 =	vor.u32 s24, v3;
	v37 =	vld.idx.msk [tilespmem:v37+s19+$0x0], $0xffff  }
0x135: {  	v30 =	vor.u32 s24, v4;
	v8 =	vadd.f32 v8, v25;
	v47 =	vor.u32 s28, v5;
	v39 =	vld.idx.msk [tilespmem:v39+s15+$0x0], $0xffff  }
0x136: {  	v25 =	vor.u32 s22, v3;
	s22 =	sadd.s32 $0xFFFFFFFF, s20;
	v7 =	vadd.f32 v7, v27;
	v24 =	vadd.f32 v29, v24;
	v41 =	vld.idx.msk [tilespmem:v41+s19+$0x0], $0xffff  }
0x137: {  	v14 =	vadd.f32 v14, v26;
	v29 =	vor.u32 s22, v5;
	v6 =	vadd.f32 v6, v8;
	v27 =	vld.idx.msk [tilespmem:v32+s19+$0x0], $0xffff  }
0x138: {  	v8 =	vor.u32 s22, v4;
	v15 =	vadd.f32 v15, v7;
	v21 =	vadd.f32 v21, v24;
	v26 =	vld.idx.msk [tilespmem:v40+s17+$0x0], $0xffff  }
0x139: {  	v10 =	vadd.f32 v10, v14;
	v24 =	vor.u32 s22, v3;
	v6 =	vadd.f32 v12, v6;
	v40 =	vld.idx.msk [tilespmem:v42+s19+$0x0], $0xffff  }
0x13a: {  	v12 =	vadd.f32 v16, v15;
	v14 =	vadd.f32 v33, v21;
	v7 =	vmul.f32 v37, v37;
	v42 =	vld.idx.msk [tilespmem:v18+s17+$0x0], $0xffff  }
0x13b: {  	v2 =	vmul.f32 v2, v13;
	v10 =	vadd.f32 v17, v10;
	v15 =	vadd.f32 v19, v6;
	v30 =	vld.idx.msk [tilespmem:v30+s19+$0x0], $0xffff  }
0x13c: {  	v33 =	vor.u32 s20, v4;
	v9 =	vadd.f32 v9, v12;
	v12 =	vmul.f32 v20, v20;
	v13 =	vld.idx.msk [tilespmem:v34+s15+$0x0], $0xffff  }
0x13d: {  	v16 =	vmul.f32 v27, v38;
	v48 =	vld.idx.msk [tilespmem:v8+s19+$0x0], $0xffff;
	v8 =	vadd.f32 v2, v10;
	v10 =	vmul.f32 v20, v11  }
0x13e: {  	v15 =	vadd.f32 v22, v15;
	v11 =	vmul.f32 v38, v38;
	v6 =	vmul.f32 v37, v26;
	v2 =	vld.idx.msk [tilespmem:v24+s17+$0x0], $0xffff  }
0x13f: {  	v9 =	vadd.f32 v12, v9;
	v17 =	vmul.f32 v27, v27;
	v22 =	vld.idx.msk [tilespmem:v44+s15+$0x0], $0xffff;
	v12 =	vadd.f32 v23, v8  }
0x140: {  	v11 =	vadd.f32 v11, v14;
	v14 =	vmul.f32 v42, v42;
	v10 =	vadd.f32 v10, v15;
	v8 =	vld.idx.msk [tilespmem:v25+s17+$0x0], $0xffff  }
0x141: {  	v20 =	vmul.f32 v30, v30;
	v23 =	vmul.f32 v30, v42;
	v25 =	vor.u32 s20, v5;
	v19 =	vld.idx.msk [tilespmem:v31+s15+$0x0], $0xffff  }
0x142: {  	v15 =	vmul.f32 v40, v40;
	v31 =	vmul.f32 v38, v13;
	v11 =	vadd.f32 v14, v11;
	v34 =	vld.idx.msk [tilespmem:v36+s15+$0x0], $0xffff  }
0x143: {  	v24 =	vmul.f32 v26, v26;
	v14 =	vadd.f32 v17, v9;
	v9 =	vmul.f32 v48, v48;
	v17 =	vld.idx.msk [tilespmem:v46+s17+$0x0], $0xffff  }
0x144: {  	v32 =	vmul.f32 v27, v13;
	v36 =	vadd.f32 v16, v10;
	v16 =	vmul.f32 v41, v41;
	v18 =	vld.idx.msk [tilespmem:v45+s19+$0x0], $0xffff  }
0x145: {  	v38 =	vmul.f32 v39, v39;
	v27 =	vadd.f32 v20, v14;
	v21 =	vmul.f32 v2, v2  }
0x146: {  	v10 =	vmul.f32 v13, v13;
	v13 =	vadd.f32 v32, v28;
	v20 =	vmul.f32 v8, v8;
	v43 =	vld.idx.msk [tilespmem:v43+s17+$0x0], $0xffff  }
0x147: {  	v45 =	vor.u32 s20, v3;
	v28 =	vmul.f32 v19, v19;
	v30 =	vmul.f32 v30, v19;
	v44 =	vld.idx.msk [tilespmem:v47+s15+$0x0], $0xffff  }
0x148: {  	v31 =	vadd.f32 v31, v12;
	v46 =	vmul.f32 v22, v22;
	v14 =	vmul.f32 v26, v34  }
0x149: {  	v26 =	vadd.f32 v10, v35;
	v35 =	vmul.f32 v37, v34;
	v10 =	vmul.f32 v17, v39  }
0x14a: {  	v30 =	vadd.f32 v30, v13;
	v12 =	vmul.f32 v40, v17;
	v37 =	vmul.f32 v18, v22  }
0x14b: {  	v32 =	vadd.f32 v20, v11;
	v47 =	vmul.f32 v34, v34;
	v26 =	vadd.f32 v28, v26;
	v13 =	vld.idx.msk [tilespmem:v29+s15+$0x0], $0xffff  }
0x14c: {  	v20 =	vadd.f32 v37, v30;
	v30 =	vmul.f32 v17, v17;
	v29 =	vmul.f32 v43, v43  }
0x14d: {  	v26 =	vadd.f32 v46, v26;
	v37 =	vmul.f32 v40, v39;
	v17 =	vmul.f32 v43, v44;
	v11 =	vld.idx.msk [tilespmem:v45+s17+$0x0], $0xffff  }
0x14e: {  	v39 =	vmul.f32 v42, v19;
	v34 =	vmul.f32 v44, v44;
	v35 =	vadd.f32 v35, v20;
	v28 =	vld.idx.msk [tilespmem:v25+s15+$0x0], $0xffff  }
0x14f: {  	v19 =	vmul.f32 v41, v43;
	v25 =	vadd.f32 v23, v36;
	v23 =	vmul.f32 v41, v44;
	v20 =	vld.idx.msk [tilespmem:v33+s19+$0x0], $0xffff  }
.Ltmp3:
0x150: {  	v22 =	vmul.f32 v8, v22;
	v26 =	vadd.f32 v47, v26;
	v33 =	vadd.f32 v37, v35;
	(pc) =	sbr.rel @p0 .LBB2_9-.Ltmp3, $4  }
0x151: {  	v31 =	vadd.f32 v39, v31;
	v37 =	vmul.f32 v18, v18;
	v35 =	vmul.f32 v48, v13  }
0x152: {  	v38 =	vadd.f32 v38, v26;
	v36 =	vmul.f32 v13, v13;
	v23 =	vadd.f32 v23, v33  }
0x153: {  	v26 =	vadd.f32 v22, v31;
	v22 =	vmul.f32 v48, v2;
	v33 =	vmul.f32 v11, v11  }
0x154: {  	v31 =	vadd.f32 v35, v23;
	v35 =	vmul.f32 v28, v28;
	v23 =	vmul.f32 v11, v28  }
0x155: {  	v3 =	vadd.f32 v37, v27  }
0x156: {  	v4 =	vadd.f32 v24, v32  }
0x157: {  	v3 =	vadd.f32 v7, v3  }
0x158: {  	v5 =	vadd.f32 v34, v38;
	v4 =	vadd.f32 v30, v4  }
0x159: {  	v3 =	vadd.f32 v15, v3  }
0x15a: {  	v5 =	vadd.f32 v36, v5;
	v4 =	vadd.f32 v29, v4  }
0x15b: {  	v3 =	vadd.f32 v16, v3  }
0x15c: {  	v5 =	vadd.f32 v35, v5;
	v4 =	vadd.f32 v21, v4  }
0x15d: {  	v32 =	vmul.f32 v20, v20;
	v3 =	vadd.f32 v9, v3  }
0x15e: {  	v34 =	vshrl.u32 v5, $0x1;
	v35 =	vmul.f32 $5.000000000e-01, v5;
	v4 =	vadd.f32 v33, v4  }
0x15f: {  	v36 =	vsub.s32 $0x5F3759DF, v34;
	v3 =	vadd.f32 v32, v3  }
0x160: {  	v9 =	vmul.f32 v36, v35;
	v37 =	vshrl.u32 v4, $0x1;
	v38 =	vmul.f32 $5.000000000e-01, v4  }
0x161: {  	v16 =	vsub.s32 $0x5F3759DF, v37;
	v39 =	vshrl.u32 v3, $0x1;
	v40 =	vmul.f32 $5.000000000e-01, v3  }
0x162: {  	v41 =	vmul.f32 v16, v38;
	v24 =	vsub.s32 $0x5F3759DF, v39  }
0x163: {  	v9 =	vmul.f32 v36, v9;
	v42 =	vmul.f32 v24, v40  }
0x164: {  	v29 =	vmul.f32 v16, v41  }
0x165: {  	v9 =	vsub.f32 $1.500000000e+00, v9;
	v30 =	vmul.f32 v24, v42  }
0x166: {  	v29 =	vsub.f32 $1.500000000e+00, v29  }
0x167: {  	v7 =	vmul.f32 v36, v9;
	v43 =	vsub.f32 $1.500000000e+00, v30  }
0x168: {  	v16 =	vmul.f32 v16, v29  }
0x169: {  	v44 =	vmul.f32 v7, v35;
	v9 =	vmul.f32 v24, v43  }
0x16a: {  	v45 =	vmul.f32 v16, v38  }
0x16b: {  	v29 =	vmul.f32 v44, v7;
	v46 =	vmul.f32 v9, v40  }
0x16c: {  	v24 =	vmul.f32 v45, v16  }
0x16d: {  	v29 =	vsub.f32 $1.500000000e+00, v29;
	v30 =	vmul.f32 v46, v9  }
0x16e: {  	v24 =	vsub.f32 $1.500000000e+00, v24  }
0x16f: {  	v7 =	vmul.f32 v29, v7;
	v47 =	vsub.f32 $1.500000000e+00, v30  }
0x170: {  	v16 =	vmul.f32 v24, v16  }
0x171: {  	v15 =	vmul.f32 v7, v35;
	v9 =	vmul.f32 v47, v9  }
0x172: {  	v21 =	vmul.f32 v16, v38  }
0x173: {  	v15 =	vmul.f32 v15, v7;
	v48 =	vmul.f32 v9, v40  }
0x174: {  	v21 =	vmul.f32 v21, v16  }
0x175: {  	v15 =	vsub.f32 $1.500000000e+00, v15;
	v24 =	vmul.f32 v48, v9  }
0x176: {  	v21 =	vsub.f32 $1.500000000e+00, v21  }
0x177: {  	v7 =	vmul.f32 v15, v7;
	v49 =	vsub.f32 $1.500000000e+00, v24  }
0x178: {  	v16 =	vmul.f32 v21, v16  }
0x179: {  	v7 =	vmul.f32 v7, v5;
	v9 =	vmul.f32 v49, v9  }
0x17a: {  	v50 =	vmul.f32 v16, v4  }
0x17b: {  	v7 =	vmax.f32 v7, $9.999999960e-13;
	v9 =	vmul.f32 v9, v3  }
0x17c: {  	(erf) = vrcp.f32 v7;
	v51 =	vmax.f32 v50, $9.999999960e-13  }
0x17d: {  	(erf) = vrcp.f32 v51;
	v52 =	vmax.f32 v9, $9.999999960e-13  }
0x17e: {  	v8 =	vmul.f32 v18, v8;
	(erf) = vrcp.f32 v52  }
0x17f: {  	v53 =	vadd.f32 v14, v26  }
0x180: {  	v8 =	vadd.f32 v8, v25  }
0x181: {  	v7 =	vadd.f32 v10, v53  }
0x182: {  	v6 =	vadd.f32 v6, v8  }
0x183: {  	v2 =	vmul.f32 v2, v13;
	v7 =	vadd.f32 v17, v7  }
0x184: {  	v6 =	vadd.f32 v12, v6  }
0x185: {  	v54 =	vmul.f32 v20, v28;
	v2 =	vadd.f32 v2, v7;
	v55 =	vpop (erf)  }
0x186: {  	v57 =	vmul.f32 v20, v11;
	v6 =	vadd.f32 v19, v6;
	v56 =	vpop (erf)  }
0x187: {  	v8 =	vadd.f32 v54, v31;
	v2 =	vadd.f32 v23, v2;
	v59 =	vmul.f32 v56, v55;
	v58 =	vpop (erf)  }
0x188: {  	v6 =	vadd.f32 v22, v6;
	v5 =	vmul.f32 v55, v5;
	v60 =	vmul.f32 v58, v55  }
0x189: {  	v4 =	vmul.f32 v56, v4;
	v2 =	vmul.f32 v59, v2  }
0x18a: {  	v6 =	vadd.f32 v57, v6;
	v61 =	vmul.f32 v58, v56;
	v8 =	vmul.f32 v60, v8  }
0x18b: {  	v5 =	vmul.f32 v5, v55;
	v4 =	vmul.f32 v4, v56  }
0x18c: {  	v3 =	vmul.f32 v58, v3;
	v6 =	vmul.f32 v61, v6;
	v2 =	vsub.f32 v2, v8;
	_ =	sdelay $0x1  }
0x18d: {  	v4 =	vadd.f32 v4, v5;
	v3 =	vmul.f32 v3, v58;
	v2 =	vadd.f32 v2, v6;
	_ =	sdelay $0x1  }
0x18e: {  	v3 =	vadd.f32 v3, v4;
	v2 =	vadd.f32 v2, v2;
	_ =	sdelay $0x1  }
0x18f: {  	v2 =	vsub.f32 v3, v2;
	_ =	sdelay $0x1  }
0x190: {  	v2 =	vmax.f32 v2, $0.0e+00  }
0x191: {  	v3 =	vshrl.u32 v2, $0x1;
	v62 =	vmul.f32 $5.000000000e-01, v2  }
0x192: {  	v3 =	vsub.s32 $0x5F3759DF, v3  }
0x193: {  	v63 =	vmul.f32 v3, v62;
	_ =	sdelay $0x1  }
0x194: {  	v5 =	vmul.f32 v3, v63;
	_ =	sdelay $0x1  }
0x195: {  	v5 =	vsub.f32 $1.500000000e+00, v5;
	_ =	sdelay $0x1  }
0x196: {  	v3 =	vmul.f32 v3, v5;
	_ =	sdelay $0x1  }
0x197: {  	v5 =	vmul.f32 v3, v62;
	_ =	sdelay $0x1  }
0x198: {  	v5 =	vmul.f32 v5, v3;
	_ =	sdelay $0x1  }
0x199: {  	v5 =	vsub.f32 $1.500000000e+00, v5;
	_ =	sdelay $0x1  }
0x19a: {  	v3 =	vmul.f32 v5, v3;
	_ =	sdelay $0x1  }
0x19b: {  	v4 =	vmul.f32 v3, v62;
	_ =	sdelay $0x1  }
0x19c: {  	v4 =	vmul.f32 v4, v3;
	_ =	sdelay $0x1  }
0x19d: {  	s14 =	sadd.s32 $0x1, s14;
	v4 =	vsub.f32 $1.500000000e+00, v4  }
0x19e: {  	p0 =	sne.s32 s14, $0x8  }
.Ltmp4:
0x19f: {  	v3 =	vmul.f32 v4, v3;
	(pc) =	sbr.rel @p0 .LBB2_8-.Ltmp4, $3  }
0x1a0: {  	_ = 	snop  }
0x1a1: {  	v2 =	vmul.f32 v3, v2;
	_ =	sdelay $0x1  }
0x1a2: {  	[tilespmem:s16+$0x18C00] =	vst v2  }
0x1a3: {  	[tilespmem:s21], [sflag:$0x1] =	stream.indirect.gather [hbm4b:s3+s13], $0x80, s31, s13, $0xb8;
	[tilespmem:$0x18E00] =	vst v63  }
0x1a4: {  	_ = 	snop  }
0x1a5: {  	[tilespmem:s23], [sflag:$0x1] =	stream.indirect.gather [hbm4b:s3+s13], $0x80, s0, s13, $0xb8;
	[tilespmem:$0x18E00] =	vst v63  }
0x1a6: {  	_ = 	snop  }
0x1a7: {  	[tilespmem:s25], [sflag:$0x1] =	stream.indirect.gather [hbm4b:s4+s13], $0x80, s2, s13, $0xb8;
	[tilespmem:$0x18E00] =	vst v63  }
0x1a8: {  	_ =	swait.ge [sflag:s26], $0x4000  }
0x1a9: {  	[sflag:s26] =	ssyncset.done $0x0  }
0x1aa: {  	[sflag:s26] =	ssyncadd.s32 $0xFFFFC000  }
0x1ab: {  	_ =	swait.ge [sflag:s26], $0x4000  }
0x1ac: {  	[sflag:s26] =	ssyncset.done $0x0  }
0x1ad: {  	[sflag:s26] =	ssyncadd.s32 $0xFFFFC000  }
0x1ae: {  	_ =	swait.ge [sflag:s26], $0x4000  }
0x1af: {  	[sflag:s26] =	ssyncset.done $0x0  }
0x1b0: {  	s14 =	simm.s32 $0x0;
	[sflag:s26] =	ssyncadd.s32 $0xFFFFC000  }
.LBB2_12:
0x1b1: {  	s18 =	sshll.u32 s14, $0x4  }
0x1b2: {  	v2 =	vld [tilespmem:s18+$0x300]  }
0x1b3: {  	s16 =	sor.u32 $0x100, s18;
	v3 =	vld [tilespmem:s18+$0x500]  }
0x1b4: {  	v4 =	vld [tilespmem:s16+$0x0];
	_ =	sdelay $0x1  }
0x1b5: {  	v5 =	vmov s18  }
0x1b6: {  	v5 =	vshll.u32 v5, $0x7;
	v2 =	vshrl.u32 v2, $0x7  }
0x1b7: {  	v5 =	vor.u32 v0, v5;
	vm0 =	vgt.s32 v3, $0x1F3;
	v2 =	vand.u32 $0x40, v2  }
0x1b8: {  	s29 =	simm.s32 $0x0;
	v4 =	vshrl.u32 v4, $0x7;
	v6 =	vsel vm0, $0x40, v1;
	v3 =	vor.u32 v5, v2  }
0x1b9: {  	s20 =	simm.s32 $0x3;
	v2 =	vand.u32 $0x40, v4;
	v4 =	vor.u32 v5, v6;
	v6 =	vor.u32 s29, v3  }
0x1ba: {  	s24 =	simm.s32 $0x5;
	v5 =	vor.u32 v5, v2;
	v2 =	vor.u32 s20, v4  }
0x1bb: {  	v8 =	vor.u32 s24, v4  }
0x1bc: {  	v9 =	vor.u32 s29, v4  }
0x1bd: {  	s22 =	simm.s32 $0x4;
	v10 =	vor.u32 s20, v3  }
0x1be: {  	v28 =	vor.u32 s22, v3;
	v11 =	vld.idx.msk [tilespmem:v6+s17+$0x0], $0xffff  }
0x1bf: {  	v25 =	vor.u32 s24, v3;
	v12 =	vld.idx.msk [tilespmem:v2+s19+$0x0], $0xffff  }
0x1c0: {  	s28 =	simm.s32 $0x1;
	v7 =	vor.u32 s22, v5;
	v19 =	vld.idx.msk [tilespmem:v8+s19+$0x0], $0xffff  }
0x1c1: {  	v18 =	vor.u32 s28, v5;
	v13 =	vld.idx.msk [tilespmem:v9+s19+$0x0], $0xffff  }
0x1c2: {  	v16 =	vor.u32 s20, v5;
	v10 =	vld.idx.msk [tilespmem:v10+s17+$0x0], $0xffff  }
0x1c3: {  	v6 =	vor.u32 s22, v4;
	v28 =	vld.idx.msk [tilespmem:v28+s17+$0x0], $0xffff  }
0x1c4: {  	v2 =	vor.u32 s28, v3;
	v43 =	vld.idx.msk [tilespmem:v25+s17+$0x0], $0xffff  }
0x1c5: {  	s18 =	simm.s32 $0x6;
	v8 =	vor.u32 s29, v5;
	v17 =	vld.idx.msk [tilespmem:v7+s15+$0x0], $0xffff  }
0x1c6: {  	v9 =	vor.u32 s18, v4;
	v34 =	vld.idx.msk [tilespmem:v18+s15+$0x0], $0xffff  }
0x1c7: {  	s29 =	simm.s32 $0x2;
	v7 =	vor.u32 s28, v4;
	v40 =	vld.idx.msk [tilespmem:v16+s15+$0x0], $0xffff  }
0x1c8: {  	v15 =	vor.u32 s29, v5;
	v20 =	vld.idx.msk [tilespmem:v6+s19+$0x0], $0xffff  }
0x1c9: {  	v27 =	vor.u32 s29, v4;
	v23 =	vld.idx.msk [tilespmem:v2+s17+$0x0], $0xffff  }
0x1ca: {  	v29 =	vor.u32 s24, v5;
	v30 =	vld.idx.msk [tilespmem:v8+s15+$0x0], $0xffff;
	v8 =	vmul.f32 v11, v11;
	v32 =	vmul.f32 v13, v11  }
0x1cb: {  	v33 =	vld.idx.msk [tilespmem:v9+s19+$0x0], $0xffff;
	v6 =	vmul.f32 v12, v10;
	v9 =	vmul.f32 v13, v13  }
0x1cc: {  	v14 =	vor.u32 s18, v3;
	v24 =	vmul.f32 v10, v10;
	v16 =	vmul.f32 v19, v19;
	v26 =	vld.idx.msk [tilespmem:v7+s19+$0x0], $0xffff  }
0x1cd: {  	v21 =	vor.u32 s29, v3;
	v7 =	vmul.f32 v12, v12;
	v36 =	vld.idx.msk [tilespmem:v15+s15+$0x0], $0xffff;
	v42 =	vmul.f32 v17, v17  }
0x1ce: {  	v18 =	vld.idx.msk [tilespmem:v27+s19+$0x0], $0xffff;
	v25 =	vmul.f32 v34, v34;
	v47 =	vmul.f32 v12, v40  }
0x1cf: {  	v22 =	vimm.f32 $0.0e+00;
	v45 =	vld.idx.msk [tilespmem:v29+s15+$0x0], $0xffff;
	v61 =	vmul.f32 v40, v40;
	v15 =	vmul.f32 v23, v23  }
0x1d0: {  	v31 =	vor.u32 s18, v5;
	s29 =	simm.s32 $0x7;
	v11 =	vmul.f32 v11, v30;
	v13 =	vmul.f32 v13, v30  }
0x1d1: {  	v35 =	vor.u32 s29, v4;
	v2 =	vld.idx.msk [tilespmem:v14+s17+$0x0], $0xffff;
	v30 =	vmul.f32 v30, v30;
	v12 =	vmul.f32 v20, v28  }
0x1d2: {  	v14 =	vadd.f32 v8, v22;
	v8 =	vld.idx.msk [tilespmem:v21+s17+$0x0], $0xffff;
	v21 =	vmul.f32 v26, v26;
	v37 =	vmul.f32 v26, v23  }
0x1d3: {  	v44 =	vor.u32 s29, v3;
	v26 =	vmul.f32 v26, v34;
	v29 =	vmul.f32 v18, v36  }
0x1d4: {  	v41 =	vadd.f32 v32, v22;
	v23 =	vmul.f32 v23, v34;
	v34 =	vmul.f32 v45, v45  }
0x1d5: {  	v39 =	vadd.f32 v15, v14;
	v15 =	vmul.f32 v20, v20;
	v13 =	vadd.f32 v13, v22  }
0x1d6: {  	v14 =	vadd.f32 v9, v22;
	v9 =	vmul.f32 v33, v33;
	v46 =	vadd.f32 v11, v22  }
0x1d7: {  	v60 =	vmul.f32 v8, v8;
	v22 =	vadd.f32 v30, v22;
	v26 =	vadd.f32 v26, v13  }
0x1d8: {  	v38 =	vor.u32 s29, v5;
	v11 =	vmul.f32 v36, v36;
	v30 =	vmul.f32 v28, v28  }
0x1d9: {  	v20 =	vmul.f32 v20, v17;
	v22 =	vadd.f32 v25, v22;
	v25 =	vadd.f32 v29, v26  }
0x1da: {  	v62 =	vmul.f32 v8, v36;
	v27 =	vadd.f32 v21, v14;
	v21 =	vmul.f32 v2, v2  }
0x1db: {  	v14 =	vmul.f32 v10, v40;
	v10 =	vmul.f32 v28, v17;
	v13 =	vld.idx.msk [tilespmem:v31+s15+$0x0], $0xffff;
	v26 =	vadd.f32 v47, v25  }
0x1dc: {  	v32 =	vadd.f32 v60, v39;
	v17 =	vmul.f32 v43, v45;
	v22 =	vadd.f32 v11, v22;
	v11 =	vld.idx.msk [tilespmem:v44+s17+$0x0], $0xffff  }
0x1dd: {  	v28 =	vld.idx.msk [tilespmem:v38+s15+$0x0], $0xffff;
	v31 =	vmul.f32 v19, v45;
	v19 =	vmul.f32 v19, v43;
	v20 =	vadd.f32 v20, v26  }
0x1de: {  	v23 =	vadd.f32 v23, v46;
	v29 =	vmul.f32 v43, v43;
	v22 =	vadd.f32 v61, v22  }
0x1df: {  	v25 =	vadd.f32 v37, v41;
	v37 =	vmul.f32 v18, v18;
	v31 =	vadd.f32 v31, v20;
	v20 =	vld.idx.msk [tilespmem:v35+s19+$0x0], $0xffff  }
0x1e0: {  	v63 =	vmul.f32 v33, v13;
	v36 =	vmul.f32 v13, v13;
	v38 =	vadd.f32 v42, v22  }
0x1e1: {  	v26 =	vadd.f32 v62, v23;
	v22 =	vmul.f32 v33, v2;
	v33 =	vmul.f32 v11, v11  }
0x1e2: {  	s18 =	simm.s32 $0xF;
	v23 =	vmul.f32 v11, v28;
	v35 =	vmul.f32 v28, v28;
	v31 =	vadd.f32 v63, v31  }
.LBB2_13:
0x1e3: {  	s22 =	sadd.s32 $0xFFFFFFF9, s18  }
0x1e4: {  	p0 =	sne.s32 s18, $0x3F;
	v8 =	vmul.f32 v18, v8;
	v18 =	vadd.f32 v34, v38;
	v28 =	vmul.f32 v20, v28;
	s20 =	smov.u32 s18;
	s18 =	sadd.s32 $0x8, s18  }
0x1e5: {  	v27 =	vadd.f32 v37, v27;
	v34 =	vor.u32 s22, v5;
	v38 =	vor.u32 s22, v3;
	s24 =	sadd.s32 $0xFFFFFFFA, s20;
	s28 =	sadd.s32 $0xFFFFFFFC, s20;
	s29 =	sadd.s32 $0xFFFFFFFD, s20  }
0x1e6: {  	v37 =	vor.u32 s28, v4;
	v39 =	vor.u32 s29, v5;
	v18 =	vadd.f32 v36, v18  }
0x1e7: {  	v36 =	vor.u32 s28, v5;
	v40 =	vor.u32 s28, v3;
	s28 =	sadd.s32 $0xFFFFFFFE, s20;
	v28 =	vadd.f32 v28, v31  }
0x1e8: {  	v24 =	vadd.f32 v24, v32;
	v31 =	vor.u32 s24, v5;
	v41 =	vor.u32 s28, v4  }
0x1e9: {  	v32 =	vor.u32 s22, v4;
	s22 =	sadd.s32 $0xFFFFFFFB, s20;
	v42 =	vor.u32 s29, v4;
	v43 =	vor.u32 s28, v3  }
0x1ea: {  	v44 =	vor.u32 s22, v5;
	v45 =	vor.u32 s22, v4;
	v35 =	vadd.f32 v35, v18;
	v38 =	vld.idx.msk [tilespmem:v38+s17+$0x0], $0xffff  }
0x1eb: {  	v46 =	vor.u32 s29, v3;
	v24 =	vadd.f32 v30, v24;
	v18 =	vor.u32 s24, v3;
	v37 =	vld.idx.msk [tilespmem:v37+s19+$0x0], $0xffff  }
0x1ec: {  	v30 =	vor.u32 s24, v4;
	v8 =	vadd.f32 v8, v25;
	v47 =	vor.u32 s28, v5;
	v39 =	vld.idx.msk [tilespmem:v39+s15+$0x0], $0xffff  }
0x1ed: {  	v25 =	vor.u32 s22, v3;
	s22 =	sadd.s32 $0xFFFFFFFF, s20;
	v7 =	vadd.f32 v7, v27;
	v24 =	vadd.f32 v29, v24;
	v41 =	vld.idx.msk [tilespmem:v41+s19+$0x0], $0xffff  }
0x1ee: {  	v14 =	vadd.f32 v14, v26;
	v29 =	vor.u32 s22, v5;
	v6 =	vadd.f32 v6, v8;
	v27 =	vld.idx.msk [tilespmem:v32+s19+$0x0], $0xffff  }
0x1ef: {  	v8 =	vor.u32 s22, v4;
	v15 =	vadd.f32 v15, v7;
	v21 =	vadd.f32 v21, v24;
	v26 =	vld.idx.msk [tilespmem:v40+s17+$0x0], $0xffff  }
0x1f0: {  	v10 =	vadd.f32 v10, v14;
	v24 =	vor.u32 s22, v3;
	v6 =	vadd.f32 v12, v6;
	v40 =	vld.idx.msk [tilespmem:v42+s19+$0x0], $0xffff  }
0x1f1: {  	v12 =	vadd.f32 v16, v15;
	v14 =	vadd.f32 v33, v21;
	v7 =	vmul.f32 v37, v37;
	v42 =	vld.idx.msk [tilespmem:v18+s17+$0x0], $0xffff  }
0x1f2: {  	v2 =	vmul.f32 v2, v13;
	v10 =	vadd.f32 v17, v10;
	v15 =	vadd.f32 v19, v6;
	v30 =	vld.idx.msk [tilespmem:v30+s19+$0x0], $0xffff  }
0x1f3: {  	v33 =	vor.u32 s20, v4;
	v9 =	vadd.f32 v9, v12;
	v12 =	vmul.f32 v20, v20;
	v13 =	vld.idx.msk [tilespmem:v34+s15+$0x0], $0xffff  }
0x1f4: {  	v16 =	vmul.f32 v27, v38;
	v48 =	vld.idx.msk [tilespmem:v8+s19+$0x0], $0xffff;
	v8 =	vadd.f32 v2, v10;
	v10 =	vmul.f32 v20, v11  }
0x1f5: {  	v15 =	vadd.f32 v22, v15;
	v11 =	vmul.f32 v38, v38;
	v6 =	vmul.f32 v37, v26;
	v2 =	vld.idx.msk [tilespmem:v24+s17+$0x0], $0xffff  }
0x1f6: {  	v9 =	vadd.f32 v12, v9;
	v17 =	vmul.f32 v27, v27;
	v22 =	vld.idx.msk [tilespmem:v44+s15+$0x0], $0xffff;
	v12 =	vadd.f32 v23, v8  }
0x1f7: {  	v11 =	vadd.f32 v11, v14;
	v14 =	vmul.f32 v42, v42;
	v10 =	vadd.f32 v10, v15;
	v8 =	vld.idx.msk [tilespmem:v25+s17+$0x0], $0xffff  }
0x1f8: {  	v20 =	vmul.f32 v30, v30;
	v23 =	vmul.f32 v30, v42;
	v25 =	vor.u32 s20, v5;
	v19 =	vld.idx.msk [tilespmem:v31+s15+$0x0], $0xffff  }
0x1f9: {  	v15 =	vmul.f32 v40, v40;
	v31 =	vmul.f32 v38, v13;
	v11 =	vadd.f32 v14, v11;
	v34 =	vld.idx.msk [tilespmem:v36+s15+$0x0], $0xffff  }
0x1fa: {  	v24 =	vmul.f32 v26, v26;
	v14 =	vadd.f32 v17, v9;
	v9 =	vmul.f32 v48, v48;
	v17 =	vld.idx.msk [tilespmem:v46+s17+$0x0], $0xffff  }
0x1fb: {  	v32 =	vmul.f32 v27, v13;
	v36 =	vadd.f32 v16, v10;
	v16 =	vmul.f32 v41, v41;
	v18 =	vld.idx.msk [tilespmem:v45+s19+$0x0], $0xffff  }
0x1fc: {  	v38 =	vmul.f32 v39, v39;
	v27 =	vadd.f32 v20, v14;
	v21 =	vmul.f32 v2, v2  }
0x1fd: {  	v10 =	vmul.f32 v13, v13;
	v13 =	vadd.f32 v32, v28;
	v20 =	vmul.f32 v8, v8;
	v43 =	vld.idx.msk [tilespmem:v43+s17+$0x0], $0xffff  }
0x1fe: {  	v45 =	vor.u32 s20, v3;
	v28 =	vmul.f32 v19, v19;
	v30 =	vmul.f32 v30, v19;
	v44 =	vld.idx.msk [tilespmem:v47+s15+$0x0], $0xffff  }
0x1ff: {  	v31 =	vadd.f32 v31, v12;
	v46 =	vmul.f32 v22, v22;
	v14 =	vmul.f32 v26, v34  }
0x200: {  	v26 =	vadd.f32 v10, v35;
	v35 =	vmul.f32 v37, v34;
	v10 =	vmul.f32 v17, v39  }
0x201: {  	v30 =	vadd.f32 v30, v13;
	v12 =	vmul.f32 v40, v17;
	v37 =	vmul.f32 v18, v22  }
0x202: {  	v32 =	vadd.f32 v20, v11;
	v47 =	vmul.f32 v34, v34;
	v26 =	vadd.f32 v28, v26;
	v13 =	vld.idx.msk [tilespmem:v29+s15+$0x0], $0xffff  }
0x203: {  	v20 =	vadd.f32 v37, v30;
	v30 =	vmul.f32 v17, v17;
	v29 =	vmul.f32 v43, v43  }
0x204: {  	v26 =	vadd.f32 v46, v26;
	v37 =	vmul.f32 v40, v39;
	v17 =	vmul.f32 v43, v44;
	v11 =	vld.idx.msk [tilespmem:v45+s17+$0x0], $0xffff  }
0x205: {  	v39 =	vmul.f32 v42, v19;
	v34 =	vmul.f32 v44, v44;
	v35 =	vadd.f32 v35, v20;
	v28 =	vld.idx.msk [tilespmem:v25+s15+$0x0], $0xffff  }
0x206: {  	v19 =	vmul.f32 v41, v43;
	v25 =	vadd.f32 v23, v36;
	v23 =	vmul.f32 v41, v44;
	v20 =	vld.idx.msk [tilespmem:v33+s19+$0x0], $0xffff  }
.Ltmp5:
0x207: {  	v22 =	vmul.f32 v8, v22;
	v26 =	vadd.f32 v47, v26;
	v33 =	vadd.f32 v37, v35;
	(pc) =	sbr.rel @p0 .LBB2_13-.Ltmp5, $4  }
0x208: {  	v31 =	vadd.f32 v39, v31;
	v37 =	vmul.f32 v18, v18;
	v35 =	vmul.f32 v48, v13  }
0x209: {  	v38 =	vadd.f32 v38, v26;
	v36 =	vmul.f32 v13, v13;
	v23 =	vadd.f32 v23, v33  }
0x20a: {  	v26 =	vadd.f32 v22, v31;
	v22 =	vmul.f32 v48, v2;
	v33 =	vmul.f32 v11, v11  }
0x20b: {  	v31 =	vadd.f32 v35, v23;
	v35 =	vmul.f32 v28, v28;
	v23 =	vmul.f32 v11, v28  }
0x20c: {  	v3 =	vadd.f32 v37, v27  }
0x20d: {  	v4 =	vadd.f32 v24, v32  }
0x20e: {  	v3 =	vadd.f32 v7, v3  }
0x20f: {  	v5 =	vadd.f32 v34, v38;
	v4 =	vadd.f32 v30, v4  }
0x210: {  	v3 =	vadd.f32 v15, v3  }
0x211: {  	v5 =	vadd.f32 v36, v5;
	v4 =	vadd.f32 v29, v4  }
0x212: {  	v3 =	vadd.f32 v16, v3  }
0x213: {  	v5 =	vadd.f32 v35, v5;
	v4 =	vadd.f32 v21, v4  }
0x214: {  	v32 =	vmul.f32 v20, v20;
	v3 =	vadd.f32 v9, v3  }
0x215: {  	v34 =	vshrl.u32 v5, $0x1;
	v35 =	vmul.f32 $5.000000000e-01, v5;
	v4 =	vadd.f32 v33, v4  }
0x216: {  	v36 =	vsub.s32 $0x5F3759DF, v34;
	v3 =	vadd.f32 v32, v3  }
0x217: {  	v9 =	vmul.f32 v36, v35;
	v37 =	vshrl.u32 v4, $0x1;
	v38 =	vmul.f32 $5.000000000e-01, v4  }
0x218: {  	v16 =	vsub.s32 $0x5F3759DF, v37;
	v39 =	vshrl.u32 v3, $0x1;
	v40 =	vmul.f32 $5.000000000e-01, v3  }
0x219: {  	v41 =	vmul.f32 v16, v38;
	v24 =	vsub.s32 $0x5F3759DF, v39  }
0x21a: {  	v9 =	vmul.f32 v36, v9;
	v42 =	vmul.f32 v24, v40  }
0x21b: {  	v29 =	vmul.f32 v16, v41  }
0x21c: {  	v9 =	vsub.f32 $1.500000000e+00, v9;
	v30 =	vmul.f32 v24, v42  }
0x21d: {  	v29 =	vsub.f32 $1.500000000e+00, v29  }
0x21e: {  	v7 =	vmul.f32 v36, v9;
	v43 =	vsub.f32 $1.500000000e+00, v30  }
0x21f: {  	v16 =	vmul.f32 v16, v29  }
0x220: {  	v44 =	vmul.f32 v7, v35;
	v9 =	vmul.f32 v24, v43  }
0x221: {  	v45 =	vmul.f32 v16, v38  }
0x222: {  	v29 =	vmul.f32 v44, v7;
	v46 =	vmul.f32 v9, v40  }
0x223: {  	v24 =	vmul.f32 v45, v16  }
0x224: {  	v29 =	vsub.f32 $1.500000000e+00, v29;
	v30 =	vmul.f32 v46, v9  }
0x225: {  	v24 =	vsub.f32 $1.500000000e+00, v24  }
0x226: {  	v7 =	vmul.f32 v29, v7;
	v47 =	vsub.f32 $1.500000000e+00, v30  }
0x227: {  	v16 =	vmul.f32 v24, v16  }
0x228: {  	v15 =	vmul.f32 v7, v35;
	v9 =	vmul.f32 v47, v9  }
0x229: {  	v21 =	vmul.f32 v16, v38  }
0x22a: {  	v15 =	vmul.f32 v15, v7;
	v48 =	vmul.f32 v9, v40  }
0x22b: {  	v21 =	vmul.f32 v21, v16  }
0x22c: {  	v15 =	vsub.f32 $1.500000000e+00, v15;
	v24 =	vmul.f32 v48, v9  }
0x22d: {  	v21 =	vsub.f32 $1.500000000e+00, v21  }
0x22e: {  	v7 =	vmul.f32 v15, v7;
	v49 =	vsub.f32 $1.500000000e+00, v24  }
0x22f: {  	v16 =	vmul.f32 v21, v16  }
0x230: {  	v7 =	vmul.f32 v7, v5;
	v9 =	vmul.f32 v49, v9  }
0x231: {  	v50 =	vmul.f32 v16, v4  }
0x232: {  	v7 =	vmax.f32 v7, $9.999999960e-13;
	v9 =	vmul.f32 v9, v3  }
0x233: {  	(erf) = vrcp.f32 v7;
	v51 =	vmax.f32 v50, $9.999999960e-13  }
0x234: {  	(erf) = vrcp.f32 v51;
	v52 =	vmax.f32 v9, $9.999999960e-13  }
0x235: {  	v8 =	vmul.f32 v18, v8;
	(erf) = vrcp.f32 v52  }
0x236: {  	v53 =	vadd.f32 v14, v26  }
0x237: {  	v8 =	vadd.f32 v8, v25  }
0x238: {  	v7 =	vadd.f32 v10, v53  }
0x239: {  	v6 =	vadd.f32 v6, v8  }
0x23a: {  	v2 =	vmul.f32 v2, v13;
	v7 =	vadd.f32 v17, v7  }
0x23b: {  	v6 =	vadd.f32 v12, v6  }
0x23c: {  	v54 =	vmul.f32 v20, v28;
	v2 =	vadd.f32 v2, v7;
	v55 =	vpop (erf)  }
0x23d: {  	v57 =	vmul.f32 v20, v11;
	v6 =	vadd.f32 v19, v6;
	v56 =	vpop (erf)  }
0x23e: {  	v8 =	vadd.f32 v54, v31;
	v2 =	vadd.f32 v23, v2;
	v59 =	vmul.f32 v56, v55;
	v58 =	vpop (erf)  }
0x23f: {  	v6 =	vadd.f32 v22, v6;
	v5 =	vmul.f32 v55, v5;
	v60 =	vmul.f32 v58, v55  }
0x240: {  	v4 =	vmul.f32 v56, v4;
	v2 =	vmul.f32 v59, v2  }
0x241: {  	v6 =	vadd.f32 v57, v6;
	v61 =	vmul.f32 v58, v56;
	v8 =	vmul.f32 v60, v8  }
0x242: {  	v5 =	vmul.f32 v5, v55;
	v4 =	vmul.f32 v4, v56  }
0x243: {  	v3 =	vmul.f32 v58, v3;
	v6 =	vmul.f32 v61, v6;
	v2 =	vsub.f32 v2, v8;
	_ =	sdelay $0x1  }
0x244: {  	v4 =	vadd.f32 v4, v5;
	v3 =	vmul.f32 v3, v58;
	v2 =	vadd.f32 v2, v6;
	_ =	sdelay $0x1  }
0x245: {  	v3 =	vadd.f32 v3, v4;
	v2 =	vadd.f32 v2, v2;
	_ =	sdelay $0x1  }
0x246: {  	v2 =	vsub.f32 v3, v2;
	_ =	sdelay $0x1  }
0x247: {  	v2 =	vmax.f32 v2, $0.0e+00  }
0x248: {  	v3 =	vshrl.u32 v2, $0x1;
	v62 =	vmul.f32 $5.000000000e-01, v2  }
0x249: {  	v3 =	vsub.s32 $0x5F3759DF, v3  }
0x24a: {  	v63 =	vmul.f32 v3, v62;
	_ =	sdelay $0x1  }
0x24b: {  	v5 =	vmul.f32 v3, v63;
	_ =	sdelay $0x1  }
0x24c: {  	v5 =	vsub.f32 $1.500000000e+00, v5;
	_ =	sdelay $0x1  }
0x24d: {  	v3 =	vmul.f32 v3, v5;
	_ =	sdelay $0x1  }
0x24e: {  	v5 =	vmul.f32 v3, v62;
	_ =	sdelay $0x1  }
0x24f: {  	v5 =	vmul.f32 v5, v3;
	_ =	sdelay $0x1  }
0x250: {  	v5 =	vsub.f32 $1.500000000e+00, v5;
	_ =	sdelay $0x1  }
0x251: {  	v3 =	vmul.f32 v5, v3;
	_ =	sdelay $0x1  }
0x252: {  	v4 =	vmul.f32 v3, v62;
	_ =	sdelay $0x1  }
0x253: {  	v4 =	vmul.f32 v4, v3;
	_ =	sdelay $0x1  }
0x254: {  	s14 =	sadd.s32 $0x1, s14;
	v4 =	vsub.f32 $1.500000000e+00, v4  }
0x255: {  	p0 =	sne.s32 s14, $0x8  }
.Ltmp6:
0x256: {  	v3 =	vmul.f32 v4, v3;
	(pc) =	sbr.rel @p0 .LBB2_12-.Ltmp6, $3  }
0x257: {  	_ = 	snop  }
0x258: {  	v2 =	vmul.f32 v3, v2;
	_ =	sdelay $0x1  }
0x259: {  	[tilespmem:s16+$0x18C00] =	vst v2  }
0x25a: {  	_ =	swait.ge [sflag:s26], $0x4000  }
0x25b: {  	[sflag:s26] =	ssyncset.done $0x0  }
0x25c: {  	[sflag:s26] =	ssyncadd.s32 $0xFFFFC000  }
0x25d: {  	_ =	swait.ge [sflag:s26], $0x4000  }
0x25e: {  	[sflag:s26] =	ssyncset.done $0x0  }
0x25f: {  	[sflag:s26] =	ssyncadd.s32 $0xFFFFC000  }
0x260: {  	_ =	swait.ge [sflag:s26], $0x4000  }
0x261: {  	[sflag:s26] =	ssyncset.done $0x0  }
0x262: {  	s14 =	simm.s32 $0x0;
	[sflag:s26] =	ssyncadd.s32 $0xFFFFC000  }
.LBB2_16:
0x263: {  	s18 =	sshll.u32 s14, $0x4  }
0x264: {  	v2 =	vld [tilespmem:s18+$0x380]  }
0x265: {  	s16 =	sor.u32 $0x180, s18;
	v3 =	vld [tilespmem:s18+$0x580]  }
0x266: {  	v4 =	vld [tilespmem:s16+$0x0]  }
0x267: {  	s18 =	sor.u32 $0x80, s18  }
0x268: {  	v5 =	vmov s18  }
0x269: {  	v5 =	vshll.u32 v5, $0x7;
	v2 =	vshrl.u32 v2, $0x7  }
0x26a: {  	v5 =	vor.u32 v0, v5;
	vm0 =	vgt.s32 v3, $0x1F3;
	v2 =	vand.u32 $0x40, v2  }
0x26b: {  	s29 =	simm.s32 $0x0;
	v4 =	vshrl.u32 v4, $0x7;
	v6 =	vsel vm0, $0x40, v1;
	v3 =	vor.u32 v5, v2  }
0x26c: {  	s20 =	simm.s32 $0x3;
	v2 =	vand.u32 $0x40, v4;
	v4 =	vor.u32 v5, v6;
	v6 =	vor.u32 s29, v3  }
0x26d: {  	s24 =	simm.s32 $0x5;
	v5 =	vor.u32 v5, v2;
	v2 =	vor.u32 s20, v4  }
0x26e: {  	v8 =	vor.u32 s24, v4  }
0x26f: {  	v9 =	vor.u32 s29, v4  }
0x270: {  	s22 =	simm.s32 $0x4;
	v10 =	vor.u32 s20, v3  }
0x271: {  	v28 =	vor.u32 s22, v3;
	v11 =	vld.idx.msk [tilespmem:v6+s17+$0x0], $0xffff  }
0x272: {  	v25 =	vor.u32 s24, v3;
	v12 =	vld.idx.msk [tilespmem:v2+s19+$0x0], $0xffff  }
0x273: {  	s28 =	simm.s32 $0x1;
	v7 =	vor.u32 s22, v5;
	v19 =	vld.idx.msk [tilespmem:v8+s19+$0x0], $0xffff  }
0x274: {  	v18 =	vor.u32 s28, v5;
	v13 =	vld.idx.msk [tilespmem:v9+s19+$0x0], $0xffff  }
0x275: {  	v16 =	vor.u32 s20, v5;
	v10 =	vld.idx.msk [tilespmem:v10+s17+$0x0], $0xffff  }
0x276: {  	v6 =	vor.u32 s22, v4;
	v28 =	vld.idx.msk [tilespmem:v28+s17+$0x0], $0xffff  }
0x277: {  	v2 =	vor.u32 s28, v3;
	v43 =	vld.idx.msk [tilespmem:v25+s17+$0x0], $0xffff  }
0x278: {  	s18 =	simm.s32 $0x6;
	v8 =	vor.u32 s29, v5;
	v17 =	vld.idx.msk [tilespmem:v7+s15+$0x0], $0xffff  }
0x279: {  	v9 =	vor.u32 s18, v4;
	v34 =	vld.idx.msk [tilespmem:v18+s15+$0x0], $0xffff  }
0x27a: {  	s29 =	simm.s32 $0x2;
	v7 =	vor.u32 s28, v4;
	v40 =	vld.idx.msk [tilespmem:v16+s15+$0x0], $0xffff  }
0x27b: {  	v15 =	vor.u32 s29, v5;
	v20 =	vld.idx.msk [tilespmem:v6+s19+$0x0], $0xffff  }
0x27c: {  	v27 =	vor.u32 s29, v4;
	v23 =	vld.idx.msk [tilespmem:v2+s17+$0x0], $0xffff  }
0x27d: {  	v29 =	vor.u32 s24, v5;
	v30 =	vld.idx.msk [tilespmem:v8+s15+$0x0], $0xffff;
	v8 =	vmul.f32 v11, v11;
	v32 =	vmul.f32 v13, v11  }
0x27e: {  	v33 =	vld.idx.msk [tilespmem:v9+s19+$0x0], $0xffff;
	v6 =	vmul.f32 v12, v10;
	v9 =	vmul.f32 v13, v13  }
0x27f: {  	v14 =	vor.u32 s18, v3;
	v24 =	vmul.f32 v10, v10;
	v16 =	vmul.f32 v19, v19;
	v26 =	vld.idx.msk [tilespmem:v7+s19+$0x0], $0xffff  }
0x280: {  	v21 =	vor.u32 s29, v3;
	v7 =	vmul.f32 v12, v12;
	v36 =	vld.idx.msk [tilespmem:v15+s15+$0x0], $0xffff;
	v42 =	vmul.f32 v17, v17  }
0x281: {  	v18 =	vld.idx.msk [tilespmem:v27+s19+$0x0], $0xffff;
	v25 =	vmul.f32 v34, v34;
	v47 =	vmul.f32 v12, v40  }
0x282: {  	v22 =	vimm.f32 $0.0e+00;
	v45 =	vld.idx.msk [tilespmem:v29+s15+$0x0], $0xffff;
	v61 =	vmul.f32 v40, v40;
	v15 =	vmul.f32 v23, v23  }
0x283: {  	v31 =	vor.u32 s18, v5;
	s29 =	simm.s32 $0x7;
	v11 =	vmul.f32 v11, v30;
	v13 =	vmul.f32 v13, v30  }
0x284: {  	v35 =	vor.u32 s29, v4;
	v2 =	vld.idx.msk [tilespmem:v14+s17+$0x0], $0xffff;
	v30 =	vmul.f32 v30, v30;
	v12 =	vmul.f32 v20, v28  }
0x285: {  	v14 =	vadd.f32 v8, v22;
	v8 =	vld.idx.msk [tilespmem:v21+s17+$0x0], $0xffff;
	v21 =	vmul.f32 v26, v26;
	v37 =	vmul.f32 v26, v23  }
0x286: {  	v44 =	vor.u32 s29, v3;
	v26 =	vmul.f32 v26, v34;
	v29 =	vmul.f32 v18, v36  }
0x287: {  	v41 =	vadd.f32 v32, v22;
	v23 =	vmul.f32 v23, v34;
	v34 =	vmul.f32 v45, v45  }
0x288: {  	v39 =	vadd.f32 v15, v14;
	v15 =	vmul.f32 v20, v20;
	v13 =	vadd.f32 v13, v22  }
0x289: {  	v14 =	vadd.f32 v9, v22;
	v9 =	vmul.f32 v33, v33;
	v46 =	vadd.f32 v11, v22  }
0x28a: {  	v60 =	vmul.f32 v8, v8;
	v22 =	vadd.f32 v30, v22;
	v26 =	vadd.f32 v26, v13  }
0x28b: {  	v38 =	vor.u32 s29, v5;
	v11 =	vmul.f32 v36, v36;
	v30 =	vmul.f32 v28, v28  }
0x28c: {  	v20 =	vmul.f32 v20, v17;
	v22 =	vadd.f32 v25, v22;
	v25 =	vadd.f32 v29, v26  }
0x28d: {  	v62 =	vmul.f32 v8, v36;
	v27 =	vadd.f32 v21, v14;
	v21 =	vmul.f32 v2, v2  }
0x28e: {  	v14 =	vmul.f32 v10, v40;
	v10 =	vmul.f32 v28, v17;
	v13 =	vld.idx.msk [tilespmem:v31+s15+$0x0], $0xffff;
	v26 =	vadd.f32 v47, v25  }
0x28f: {  	v32 =	vadd.f32 v60, v39;
	v17 =	vmul.f32 v43, v45;
	v22 =	vadd.f32 v11, v22;
	v11 =	vld.idx.msk [tilespmem:v44+s17+$0x0], $0xffff  }
0x290: {  	v28 =	vld.idx.msk [tilespmem:v38+s15+$0x0], $0xffff;
	v31 =	vmul.f32 v19, v45;
	v19 =	vmul.f32 v19, v43;
	v20 =	vadd.f32 v20, v26  }
0x291: {  	v23 =	vadd.f32 v23, v46;
	v29 =	vmul.f32 v43, v43;
	v22 =	vadd.f32 v61, v22  }
0x292: {  	v25 =	vadd.f32 v37, v41;
	v37 =	vmul.f32 v18, v18;
	v31 =	vadd.f32 v31, v20;
	v20 =	vld.idx.msk [tilespmem:v35+s19+$0x0], $0xffff  }
0x293: {  	v63 =	vmul.f32 v33, v13;
	v36 =	vmul.f32 v13, v13;
	v38 =	vadd.f32 v42, v22  }
0x294: {  	v26 =	vadd.f32 v62, v23;
	v22 =	vmul.f32 v33, v2;
	v33 =	vmul.f32 v11, v11  }
0x295: {  	s18 =	simm.s32 $0xF;
	v23 =	vmul.f32 v11, v28;
	v35 =	vmul.f32 v28, v28;
	v31 =	vadd.f32 v63, v31  }
.LBB2_17:
0x296: {  	s22 =	sadd.s32 $0xFFFFFFF9, s18  }
0x297: {  	p0 =	sne.s32 s18, $0x3F;
	v8 =	vmul.f32 v18, v8;
	v18 =	vadd.f32 v34, v38;
	v28 =	vmul.f32 v20, v28;
	s20 =	smov.u32 s18;
	s18 =	sadd.s32 $0x8, s18  }
0x298: {  	v27 =	vadd.f32 v37, v27;
	v34 =	vor.u32 s22, v5;
	v38 =	vor.u32 s22, v3;
	s24 =	sadd.s32 $0xFFFFFFFA, s20;
	s28 =	sadd.s32 $0xFFFFFFFC, s20;
	s29 =	sadd.s32 $0xFFFFFFFD, s20  }
0x299: {  	v37 =	vor.u32 s28, v4;
	v39 =	vor.u32 s29, v5;
	v18 =	vadd.f32 v36, v18  }
0x29a: {  	v36 =	vor.u32 s28, v5;
	v40 =	vor.u32 s28, v3;
	s28 =	sadd.s32 $0xFFFFFFFE, s20;
	v28 =	vadd.f32 v28, v31  }
0x29b: {  	v24 =	vadd.f32 v24, v32;
	v31 =	vor.u32 s24, v5;
	v41 =	vor.u32 s28, v4  }
0x29c: {  	v32 =	vor.u32 s22, v4;
	s22 =	sadd.s32 $0xFFFFFFFB, s20;
	v42 =	vor.u32 s29, v4;
	v43 =	vor.u32 s28, v3  }
0x29d: {  	v44 =	vor.u32 s22, v5;
	v45 =	vor.u32 s22, v4;
	v35 =	vadd.f32 v35, v18;
	v38 =	vld.idx.msk [tilespmem:v38+s17+$0x0], $0xffff  }
0x29e: {  	v46 =	vor.u32 s29, v3;
	v24 =	vadd.f32 v30, v24;
	v18 =	vor.u32 s24, v3;
	v37 =	vld.idx.msk [tilespmem:v37+s19+$0x0], $0xffff  }
0x29f: {  	v30 =	vor.u32 s24, v4;
	v8 =	vadd.f32 v8, v25;
	v47 =	vor.u32 s28, v5;
	v39 =	vld.idx.msk [tilespmem:v39+s15+$0x0], $0xffff  }
0x2a0: {  	v25 =	vor.u32 s22, v3;
	s22 =	sadd.s32 $0xFFFFFFFF, s20;
	v7 =	vadd.f32 v7, v27;
	v24 =	vadd.f32 v29, v24;
	v41 =	vld.idx.msk [tilespmem:v41+s19+$0x0], $0xffff  }
0x2a1: {  	v14 =	vadd.f32 v14, v26;
	v29 =	vor.u32 s22, v5;
	v6 =	vadd.f32 v6, v8;
	v27 =	vld.idx.msk [tilespmem:v32+s19+$0x0], $0xffff  }
0x2a2: {  	v8 =	vor.u32 s22, v4;
	v15 =	vadd.f32 v15, v7;
	v21 =	vadd.f32 v21, v24;
	v26 =	vld.idx.msk [tilespmem:v40+s17+$0x0], $0xffff  }
0x2a3: {  	v10 =	vadd.f32 v10, v14;
	v24 =	vor.u32 s22, v3;
	v6 =	vadd.f32 v12, v6;
	v40 =	vld.idx.msk [tilespmem:v42+s19+$0x0], $0xffff  }
0x2a4: {  	v12 =	vadd.f32 v16, v15;
	v14 =	vadd.f32 v33, v21;
	v7 =	vmul.f32 v37, v37;
	v42 =	vld.idx.msk [tilespmem:v18+s17+$0x0], $0xffff  }
0x2a5: {  	v2 =	vmul.f32 v2, v13;
	v10 =	vadd.f32 v17, v10;
	v15 =	vadd.f32 v19, v6;
	v30 =	vld.idx.msk [tilespmem:v30+s19+$0x0], $0xffff  }
0x2a6: {  	v33 =	vor.u32 s20, v4;
	v9 =	vadd.f32 v9, v12;
	v12 =	vmul.f32 v20, v20;
	v13 =	vld.idx.msk [tilespmem:v34+s15+$0x0], $0xffff  }
0x2a7: {  	v16 =	vmul.f32 v27, v38;
	v48 =	vld.idx.msk [tilespmem:v8+s19+$0x0], $0xffff;
	v8 =	vadd.f32 v2, v10;
	v10 =	vmul.f32 v20, v11  }
0x2a8: {  	v15 =	vadd.f32 v22, v15;
	v11 =	vmul.f32 v38, v38;
	v6 =	vmul.f32 v37, v26;
	v2 =	vld.idx.msk [tilespmem:v24+s17+$0x0], $0xffff  }
0x2a9: {  	v9 =	vadd.f32 v12, v9;
	v17 =	vmul.f32 v27, v27;
	v22 =	vld.idx.msk [tilespmem:v44+s15+$0x0], $0xffff;
	v12 =	vadd.f32 v23, v8  }
0x2aa: {  	v11 =	vadd.f32 v11, v14;
	v14 =	vmul.f32 v42, v42;
	v10 =	vadd.f32 v10, v15;
	v8 =	vld.idx.msk [tilespmem:v25+s17+$0x0], $0xffff  }
0x2ab: {  	v20 =	vmul.f32 v30, v30;
	v23 =	vmul.f32 v30, v42;
	v25 =	vor.u32 s20, v5;
	v19 =	vld.idx.msk [tilespmem:v31+s15+$0x0], $0xffff  }
0x2ac: {  	v15 =	vmul.f32 v40, v40;
	v31 =	vmul.f32 v38, v13;
	v11 =	vadd.f32 v14, v11;
	v34 =	vld.idx.msk [tilespmem:v36+s15+$0x0], $0xffff  }
0x2ad: {  	v24 =	vmul.f32 v26, v26;
	v14 =	vadd.f32 v17, v9;
	v9 =	vmul.f32 v48, v48;
	v17 =	vld.idx.msk [tilespmem:v46+s17+$0x0], $0xffff  }
0x2ae: {  	v32 =	vmul.f32 v27, v13;
	v36 =	vadd.f32 v16, v10;
	v16 =	vmul.f32 v41, v41;
	v18 =	vld.idx.msk [tilespmem:v45+s19+$0x0], $0xffff  }
0x2af: {  	v38 =	vmul.f32 v39, v39;
	v27 =	vadd.f32 v20, v14;
	v21 =	vmul.f32 v2, v2  }
0x2b0: {  	v10 =	vmul.f32 v13, v13;
	v13 =	vadd.f32 v32, v28;
	v20 =	vmul.f32 v8, v8;
	v43 =	vld.idx.msk [tilespmem:v43+s17+$0x0], $0xffff  }
0x2b1: {  	v45 =	vor.u32 s20, v3;
	v28 =	vmul.f32 v19, v19;
	v30 =	vmul.f32 v30, v19;
	v44 =	vld.idx.msk [tilespmem:v47+s15+$0x0], $0xffff  }
0x2b2: {  	v31 =	vadd.f32 v31, v12;
	v46 =	vmul.f32 v22, v22;
	v14 =	vmul.f32 v26, v34  }
0x2b3: {  	v26 =	vadd.f32 v10, v35;
	v35 =	vmul.f32 v37, v34;
	v10 =	vmul.f32 v17, v39  }
0x2b4: {  	v30 =	vadd.f32 v30, v13;
	v12 =	vmul.f32 v40, v17;
	v37 =	vmul.f32 v18, v22  }
0x2b5: {  	v32 =	vadd.f32 v20, v11;
	v47 =	vmul.f32 v34, v34;
	v26 =	vadd.f32 v28, v26;
	v13 =	vld.idx.msk [tilespmem:v29+s15+$0x0], $0xffff  }
0x2b6: {  	v20 =	vadd.f32 v37, v30;
	v30 =	vmul.f32 v17, v17;
	v29 =	vmul.f32 v43, v43  }
0x2b7: {  	v26 =	vadd.f32 v46, v26;
	v37 =	vmul.f32 v40, v39;
	v17 =	vmul.f32 v43, v44;
	v11 =	vld.idx.msk [tilespmem:v45+s17+$0x0], $0xffff  }
0x2b8: {  	v39 =	vmul.f32 v42, v19;
	v34 =	vmul.f32 v44, v44;
	v35 =	vadd.f32 v35, v20;
	v28 =	vld.idx.msk [tilespmem:v25+s15+$0x0], $0xffff  }
0x2b9: {  	v19 =	vmul.f32 v41, v43;
	v25 =	vadd.f32 v23, v36;
	v23 =	vmul.f32 v41, v44;
	v20 =	vld.idx.msk [tilespmem:v33+s19+$0x0], $0xffff  }
.Ltmp7:
0x2ba: {  	v22 =	vmul.f32 v8, v22;
	v26 =	vadd.f32 v47, v26;
	v33 =	vadd.f32 v37, v35;
	(pc) =	sbr.rel @p0 .LBB2_17-.Ltmp7, $4  }
0x2bb: {  	v31 =	vadd.f32 v39, v31;
	v37 =	vmul.f32 v18, v18;
	v35 =	vmul.f32 v48, v13  }
0x2bc: {  	v38 =	vadd.f32 v38, v26;
	v36 =	vmul.f32 v13, v13;
	v23 =	vadd.f32 v23, v33  }
0x2bd: {  	v26 =	vadd.f32 v22, v31;
	v22 =	vmul.f32 v48, v2;
	v33 =	vmul.f32 v11, v11  }
0x2be: {  	v31 =	vadd.f32 v35, v23;
	v35 =	vmul.f32 v28, v28;
	v23 =	vmul.f32 v11, v28  }
0x2bf: {  	v3 =	vadd.f32 v37, v27  }
0x2c0: {  	v4 =	vadd.f32 v24, v32  }
0x2c1: {  	v3 =	vadd.f32 v7, v3  }
0x2c2: {  	v5 =	vadd.f32 v34, v38;
	v4 =	vadd.f32 v30, v4  }
0x2c3: {  	v3 =	vadd.f32 v15, v3  }
0x2c4: {  	v5 =	vadd.f32 v36, v5;
	v4 =	vadd.f32 v29, v4  }
0x2c5: {  	v3 =	vadd.f32 v16, v3  }
0x2c6: {  	v5 =	vadd.f32 v35, v5;
	v4 =	vadd.f32 v21, v4  }
0x2c7: {  	v32 =	vmul.f32 v20, v20;
	v3 =	vadd.f32 v9, v3  }
0x2c8: {  	v34 =	vshrl.u32 v5, $0x1;
	v35 =	vmul.f32 $5.000000000e-01, v5;
	v4 =	vadd.f32 v33, v4  }
0x2c9: {  	v36 =	vsub.s32 $0x5F3759DF, v34;
	v3 =	vadd.f32 v32, v3  }
0x2ca: {  	v9 =	vmul.f32 v36, v35;
	v37 =	vshrl.u32 v4, $0x1;
	v38 =	vmul.f32 $5.000000000e-01, v4  }
0x2cb: {  	v16 =	vsub.s32 $0x5F3759DF, v37;
	v39 =	vshrl.u32 v3, $0x1;
	v40 =	vmul.f32 $5.000000000e-01, v3  }
0x2cc: {  	v41 =	vmul.f32 v16, v38;
	v24 =	vsub.s32 $0x5F3759DF, v39  }
0x2cd: {  	v9 =	vmul.f32 v36, v9;
	v42 =	vmul.f32 v24, v40  }
0x2ce: {  	v29 =	vmul.f32 v16, v41  }
0x2cf: {  	v9 =	vsub.f32 $1.500000000e+00, v9;
	v30 =	vmul.f32 v24, v42  }
0x2d0: {  	v29 =	vsub.f32 $1.500000000e+00, v29  }
0x2d1: {  	v7 =	vmul.f32 v36, v9;
	v43 =	vsub.f32 $1.500000000e+00, v30  }
0x2d2: {  	v16 =	vmul.f32 v16, v29  }
0x2d3: {  	v44 =	vmul.f32 v7, v35;
	v9 =	vmul.f32 v24, v43  }
0x2d4: {  	v45 =	vmul.f32 v16, v38  }
0x2d5: {  	v29 =	vmul.f32 v44, v7;
	v46 =	vmul.f32 v9, v40  }
0x2d6: {  	v24 =	vmul.f32 v45, v16  }
0x2d7: {  	v29 =	vsub.f32 $1.500000000e+00, v29;
	v30 =	vmul.f32 v46, v9  }
0x2d8: {  	v24 =	vsub.f32 $1.500000000e+00, v24  }
0x2d9: {  	v7 =	vmul.f32 v29, v7;
	v47 =	vsub.f32 $1.500000000e+00, v30  }
0x2da: {  	v16 =	vmul.f32 v24, v16  }
0x2db: {  	v15 =	vmul.f32 v7, v35;
	v9 =	vmul.f32 v47, v9  }
0x2dc: {  	v21 =	vmul.f32 v16, v38  }
0x2dd: {  	v15 =	vmul.f32 v15, v7;
	v48 =	vmul.f32 v9, v40  }
0x2de: {  	v21 =	vmul.f32 v21, v16  }
0x2df: {  	v15 =	vsub.f32 $1.500000000e+00, v15;
	v24 =	vmul.f32 v48, v9  }
0x2e0: {  	v21 =	vsub.f32 $1.500000000e+00, v21  }
0x2e1: {  	v7 =	vmul.f32 v15, v7;
	v49 =	vsub.f32 $1.500000000e+00, v24  }
0x2e2: {  	v16 =	vmul.f32 v21, v16  }
0x2e3: {  	v7 =	vmul.f32 v7, v5;
	v9 =	vmul.f32 v49, v9  }
0x2e4: {  	v50 =	vmul.f32 v16, v4  }
0x2e5: {  	v7 =	vmax.f32 v7, $9.999999960e-13;
	v9 =	vmul.f32 v9, v3  }
0x2e6: {  	(erf) = vrcp.f32 v7;
	v51 =	vmax.f32 v50, $9.999999960e-13  }
0x2e7: {  	(erf) = vrcp.f32 v51;
	v52 =	vmax.f32 v9, $9.999999960e-13  }
0x2e8: {  	v8 =	vmul.f32 v18, v8;
	(erf) = vrcp.f32 v52  }
0x2e9: {  	v53 =	vadd.f32 v14, v26  }
0x2ea: {  	v8 =	vadd.f32 v8, v25  }
0x2eb: {  	v7 =	vadd.f32 v10, v53  }
0x2ec: {  	v6 =	vadd.f32 v6, v8  }
0x2ed: {  	v2 =	vmul.f32 v2, v13;
	v7 =	vadd.f32 v17, v7  }
0x2ee: {  	v6 =	vadd.f32 v12, v6  }
0x2ef: {  	v54 =	vmul.f32 v20, v28;
	v2 =	vadd.f32 v2, v7;
	v55 =	vpop (erf)  }
0x2f0: {  	v57 =	vmul.f32 v20, v11;
	v6 =	vadd.f32 v19, v6;
	v56 =	vpop (erf)  }
0x2f1: {  	v8 =	vadd.f32 v54, v31;
	v2 =	vadd.f32 v23, v2;
	v59 =	vmul.f32 v56, v55;
	v58 =	vpop (erf)  }
0x2f2: {  	v6 =	vadd.f32 v22, v6;
	v5 =	vmul.f32 v55, v5;
	v60 =	vmul.f32 v58, v55  }
0x2f3: {  	v4 =	vmul.f32 v56, v4;
	v2 =	vmul.f32 v59, v2  }
0x2f4: {  	v6 =	vadd.f32 v57, v6;
	v61 =	vmul.f32 v58, v56;
	v8 =	vmul.f32 v60, v8  }
0x2f5: {  	v5 =	vmul.f32 v5, v55;
	v4 =	vmul.f32 v4, v56  }
0x2f6: {  	v3 =	vmul.f32 v58, v3;
	v6 =	vmul.f32 v61, v6;
	v2 =	vsub.f32 v2, v8;
	_ =	sdelay $0x1  }
0x2f7: {  	v4 =	vadd.f32 v4, v5;
	v3 =	vmul.f32 v3, v58;
	v2 =	vadd.f32 v2, v6;
	_ =	sdelay $0x1  }
0x2f8: {  	v3 =	vadd.f32 v3, v4;
	v2 =	vadd.f32 v2, v2;
	_ =	sdelay $0x1  }
0x2f9: {  	v2 =	vsub.f32 v3, v2;
	_ =	sdelay $0x1  }
0x2fa: {  	v2 =	vmax.f32 v2, $0.0e+00  }
0x2fb: {  	v3 =	vshrl.u32 v2, $0x1;
	v62 =	vmul.f32 $5.000000000e-01, v2  }
0x2fc: {  	v3 =	vsub.s32 $0x5F3759DF, v3  }
0x2fd: {  	v63 =	vmul.f32 v3, v62;
	_ =	sdelay $0x1  }
0x2fe: {  	v5 =	vmul.f32 v3, v63;
	_ =	sdelay $0x1  }
0x2ff: {  	v5 =	vsub.f32 $1.500000000e+00, v5;
	_ =	sdelay $0x1  }
0x300: {  	v3 =	vmul.f32 v3, v5;
	_ =	sdelay $0x1  }
0x301: {  	v5 =	vmul.f32 v3, v62;
	_ =	sdelay $0x1  }
0x302: {  	v5 =	vmul.f32 v5, v3;
	_ =	sdelay $0x1  }
0x303: {  	v5 =	vsub.f32 $1.500000000e+00, v5;
	_ =	sdelay $0x1  }
0x304: {  	v3 =	vmul.f32 v5, v3;
	_ =	sdelay $0x1  }
0x305: {  	v4 =	vmul.f32 v3, v62;
	_ =	sdelay $0x1  }
0x306: {  	v4 =	vmul.f32 v4, v3;
	_ =	sdelay $0x1  }
0x307: {  	s14 =	sadd.s32 $0x1, s14;
	v4 =	vsub.f32 $1.500000000e+00, v4  }
0x308: {  	p0 =	sne.s32 s14, $0x8  }
.Ltmp8:
0x309: {  	v3 =	vmul.f32 v4, v3;
	(pc) =	sbr.rel @p0 .LBB2_16-.Ltmp8, $3  }
0x30a: {  	_ = 	snop  }
0x30b: {  	v2 =	vmul.f32 v3, v2;
	_ =	sdelay $0x1  }
0x30c: {  	[tilespmem:s16+$0x18C00] =	vst v2  }
0x30d: {  	s12 =	sadd.s32 $0x1, s12  }
0x30e: {  	p0 =	sne.s32 s12, s9  }
.Ltmp9:
0x30f: {  	_ = 	snop;
	(pc) =	sbr.rel @p0 .LBB2_1-.Ltmp9, $4  }
0x310: {  	[hbm4b:s8+s1] =	stream.linear.scatter [tilespmem:s11], [sflag:$0x2], $0x200, $0x38;
	[tilespmem:$0x18E00] =	vst v63  }
0x311: {  	_ =	swait.ge [sflag:s10], $0x200  }
0x312: {  	[sflag:s10] =	ssyncset.done $0x0  }
0x313: {  	[sflag:s10] =	ssyncadd.s32 $0xFFFFFE00  }
0x314: {  	_ =	sfence.sel $0x180000  }
0x315: {  	[bflag:$0x0] =	sbarrier.arrive $0xFFFF  }
0x316: {  	_ =	strace $0x90000047  }
0x317: {  	s0 =	stileid.u32;
	[bflag:$0x2] =	sbarrier.arrive $0xFFFF  }
0x318: {  	p0 =	sne.s32 s0, $0x0;
	s0 =	rddreg [dreg:$0x5]  }
0x319: {  	s0 =	sadd.s32 @!p0 $0x100000, s0  }
0x31a: {  	[sflag:s0] =	ssyncadd.tile.s32 @!p0 $0x1;
	_ =	shalt  }
.Lfunc_end2:
_tile_overlayer_lowered:
.L_overlay_start_2:
0x31b: {  	(tag) =	ssettag $0x2  }
0x31c: {  	s0 =	rddreg [dreg:$0x0];
	s2 =	stileid.u32  }
0x31d: {  	s1 =	rddreg [dreg:$0x1];
	p0 =	sne.s32 s2, $0x0  }
0x31e: {  	s3 =	rddreg [dreg:$0x2];
	[bflag:$0x3] =	sbarrier.arrive $0xFFFF;
	s2 =	simm.s32 @!p0 $0x1C02  }
0x31f: {  	[timem:s3], [sflag:s2] =	dma.local @!p0 [hbm:s0], s1  }
0x320: {  	s0 =	simm.s32 @!p0 $0x2  }
0x321: {  	_ =	swait.ge @!p0 [sflag:s0], s1  }
0x322: {  	s1 =	ssub.s32 @!p0 $0x0, s1;
	[sflag:s0] =	ssyncset.done @!p0 $0x0  }
0x323: {  	[sflag:s0] =	ssyncadd.s32 @!p0 s1  }
0x324: {  	[bflag:$0x3] =	sbarrier.arrive $0xFFFF  }
0x325: {  	_ =	shalt  }

</sc_bundles>
